<compile_context>
chip_gen: v7x
topology: tpu7x:2x2x1
jax: 0.10.2.dev20260603
libtpu: 0.0.44.dev20260713+nightly
codegen_flags: <defaults>
</compile_context>

<pallas_src>
import functools

import jax
import jax.numpy as jnp
import numpy as np
from jax import lax
from jax.experimental import pallas as pl
from jax.experimental.pallas import tpu as pltpu
from jax.experimental.pallas import tpu_sc as plsc

_FIELD_DIMS = [38462] * 26
_OFFSETS = np.concatenate([[0], np.cumsum(_FIELD_DIMS[:-1])]).astype(np.int32)

NF = 26
D = 16
B = 16384
NC = 2
NS = 16
NW = NC * NS
RW = B // NW
L = 16


def kernel(x, table, bias):
    xT = x.T

    mesh = plsc.VectorSubcoreMesh(core_axis_name="c", subcore_axis_name="s")

    @functools.partial(
        pl.kernel,
        mesh=mesh,
        out_type=jax.ShapeDtypeStruct((B, D), jnp.float32),
        compiler_params=pltpu.CompilerParams(use_tc_tiling_on_sc=False),
        scratch_types=[
            pltpu.VMEM((NF * RW,), jnp.int32),
            pltpu.VMEM((RW, D), jnp.float32),
            pltpu.VMEM((D,), jnp.float32),
            pltpu.SemaphoreType.DMA,
            pltpu.SemaphoreType.DMA,
        ],
    )
    def k(xT_hbm, table_hbm, bias_hbm, out_hbm, idxv, acc, bias_v, sem, sem2):
        wid = lax.axis_index("s") * NC + lax.axis_index("c")
        base = wid * RW
        pltpu.sync_copy(bias_hbm, bias_v)

        stages = [
            pltpu.async_copy(
                xT_hbm.at[f, pl.ds(base, RW)],
                idxv.at[pl.ds(f * RW, RW)], sem2)
            for f in range(NF)
        ]

        bias_vec = bias_v[...]
        def seed(b, c2):
            acc[b, :] = bias_vec
            return c2
        lax.fori_loop(0, RW, seed, 0)

        copies = []
        for f in range(NF):
            stages[f].wait()
            off = int(_OFFSETS[f])
            def add_off(t, c2, f=f, off=off):
                sl = pl.ds(f * RW + t * L, L)
                idxv[sl] = idxv[sl] + off
                return c2
            lax.fori_loop(0, RW // L, add_off, 0)
            copies.append(
                pltpu.async_copy(table_hbm.at[idxv.at[pl.ds(f * RW, RW)]],
                                 acc.at[:], sem, add=True))
        for c in copies:
            c.wait()

        pltpu.sync_copy(acc, out_hbm.at[pl.ds(base, RW)])

    return k(xT, table, bias)

# --- scband reference (transcript-rebuilt; emitter-appended) ---
"""Pipeline reference for scband-fl-84765474554575 (READ-ONLY COPY).

The authoritative reference and input builder live on the scoring server;
editing this copy changes nothing except your own understanding.
"""

import jax, jax.numpy as jnp
import numpy as np

FIELD_DIMS = [38462] * 26
OFFSETS = np.concatenate([[0], np.cumsum(FIELD_DIMS[:-1])]).astype(np.int32)
NUM_EMB = int(sum(FIELD_DIMS))
OUT_DIM = 16
BATCH = 16384


def setup_inputs(seed: int = 0) -> dict:
    key = jax.random.key(seed)
    k1, k2 = jax.random.split(key, 2)
    x = jax.random.randint(k1, (BATCH, len(FIELD_DIMS)), 0, FIELD_DIMS[0], dtype=jnp.int32)
    table = jax.random.normal(k2, (NUM_EMB, OUT_DIM), dtype=jnp.float32) * 0.01
    bias = jnp.zeros((OUT_DIM,), dtype=jnp.float32)
    return {"x": x, "table": table, "bias": bias}


def reference(x, table, bias):
    # x = x + offsets (per-field base offsets into concatenated table)
    idx = x + jnp.asarray(OFFSETS)[None, :]
    # embedding lookup: gather rows from table
    emb = jnp.take(table, idx, axis=0)  # [B, n_fields, out_dim]
    # sum over fields, add bias
    out = jnp.sum(emb, axis=1) + bias  # [B, out_dim]
    return out

if __name__ == "__main__":
    import jax
    _d = setup_inputs()
    print(jax.jit(kernel)(*tuple(_d.values())))

</pallas_src>

<mosaic_0001>
#map = affine_map<(d0, d1) -> (0, 0)>
#map1 = affine_map<(d0, d1) -> (0)>
module attributes {stable_mosaic.version = 14 : i64} {
  func.func @k(%arg0: i32, %arg1: i32, %arg2: memref<26x16384xi32, #tpu.memory_space<hbm>>, %arg3: memref<1000012x16xf32, #tpu.memory_space<hbm>>, %arg4: memref<16xf32, #tpu.memory_space<hbm>>, %arg5: memref<16384x16xf32, #tpu.memory_space<hbm>>, %arg6: memref<13312xi32, #tpu.memory_space<vmem>>, %arg7: memref<512x16xf32, #tpu.memory_space<vmem>>, %arg8: memref<16xf32, #tpu.memory_space<vmem>>, %arg9: memref<!tpu.dma_semaphore, #tpu.memory_space<semaphore_mem>>, %arg10: memref<!tpu.dma_semaphore, #tpu.memory_space<semaphore_mem>>) attributes {dimension_semantics = [#tpu.dimension_semantics<core_parallel>, #tpu.dimension_semantics<subcore_parallel>], iteration_bounds = array<i64: 2, 16>, scalar_prefetch = 0 : i64, scratch_operands = 5 : i64, tpu.core_type = #tpu.core_type<sc_vector_subcore>, window_params = [{transform_indices = #map}, {transform_indices = #map}, {transform_indices = #map1}, {transform_indices = #map}]} {
    %mul3A = arith.constant 2 : i32
    %mul3A_0 = arith.muli %arg1, %mul3A : i32
    %add3A = arith.addi %mul3A_0, %arg0 : i32
    %mul3A_1 = arith.constant 512 : i32
    %mul3A_2 = arith.muli %add3A, %mul3A_1 : i32
    "tpu.region"() ({
      %run_scoped3A = tpu.sem_alloc : memref<!tpu.dma_semaphore, #tpu.memory_space<semaphore_mem>>
      tpu.enqueue_dma source(%arg4 : memref<16xf32, #tpu.memory_space<hbm>>) target(%arg8 : memref<16xf32, #tpu.memory_space<vmem>>) target_semaphore(%run_scoped3A : memref<!tpu.dma_semaphore, #tpu.memory_space<semaphore_mem>>)
      tpu.wait_dma2 semaphore(%run_scoped3A : memref<!tpu.dma_semaphore, #tpu.memory_space<semaphore_mem>>) src(%arg4 : memref<16xf32, #tpu.memory_space<hbm>>) dst(%arg8 : memref<16xf32, #tpu.memory_space<vmem>>)
      tpu.yield
    }) : () -> ()
    %dma_start3A = arith.constant 0 : i32
    %dma_start3A_3 = arith.constant 0 : i32
    %dma_start3A_4 = tpu.memref_slice %arg6[%dma_start3A_3] : memref<13312xi32, #tpu.memory_space<vmem>> -> memref<512xi32, #tpu.memory_space<vmem>>
    %dma_start3A_5 = tpu.memref_slice %arg2[%dma_start3A, %mul3A_2] : memref<26x16384xi32, #tpu.memory_space<hbm>> -> memref<1x512xi32, #tpu.memory_space<hbm>>
    %dma_start3A_6 = tpu.memref_squeeze %dma_start3A_5 : memref<1x512xi32, #tpu.memory_space<hbm>> -> memref<512xi32, #tpu.memory_space<hbm>>
    %dma_start3A_7 = arith.constant 0 : i32
    %dma_start3A_8 = tpu.memref_slice %arg6[%dma_start3A_7] : memref<13312xi32, #tpu.memory_space<vmem>> -> memref<512xi32, #tpu.memory_space<vmem>>
    %dma_start3A_9 = tpu.memref_slice %arg2[%dma_start3A, %mul3A_2] : memref<26x16384xi32, #tpu.memory_space<hbm>> -> memref<1x512xi32, #tpu.memory_space<hbm>>
    %dma_start3A_10 = tpu.memref_squeeze %dma_start3A_9 : memref<1x512xi32, #tpu.memory_space<hbm>> -> memref<512xi32, #tpu.memory_space<hbm>>
    tpu.enqueue_dma source(%dma_start3A_10 : memref<512xi32, #tpu.memory_space<hbm>>) target(%dma_start3A_8 : memref<512xi32, #tpu.memory_space<vmem>>) target_semaphore(%arg10 : memref<!tpu.dma_semaphore, #tpu.memory_space<semaphore_mem>>)
    %dma_start3A_11 = arith.constant 1 : i32
    %dma_start3A_12 = arith.constant 512 : i32
    %dma_start3A_13 = tpu.memref_slice %arg6[%dma_start3A_12] : memref<13312xi32, #tpu.memory_space<vmem>> -> memref<512xi32, #tpu.memory_space<vmem>>
    %dma_start3A_14 = tpu.memref_slice %arg2[%dma_start3A_11, %mul3A_2] : memref<26x16384xi32, #tpu.memory_space<hbm>> -> memref<1x512xi32, #tpu.memory_space<hbm>>
    %dma_start3A_15 = tpu.memref_squeeze %dma_start3A_14 : memref<1x512xi32, #tpu.memory_space<hbm>> -> memref<512xi32, #tpu.memory_space<hbm>>
    %dma_start3A_16 = arith.constant 512 : i32
    %dma_start3A_17 = tpu.memref_slice %arg6[%dma_start3A_16] : memref<13312xi32, #tpu.memory_space<vmem>> -> memref<512xi32, #tpu.memory_space<vmem>>
    %dma_start3A_18 = tpu.memref_slice %arg2[%dma_start3A_11, %mul3A_2] : memref<26x16384xi32, #tpu.memory_space<hbm>> -> memref<1x512xi32, #tpu.memory_space<hbm>>
    %dma_start3A_19 = tpu.memref_squeeze %dma_start3A_18 : memref<1x512xi32, #tpu.memory_space<hbm>> -> memref<512xi32, #tpu.memory_space<hbm>>
    tpu.enqueue_dma source(%dma_start3A_19 : memref<512xi32, #tpu.memory_space<hbm>>) target(%dma_start3A_17 : memref<512xi32, #tpu.memory_space<vmem>>) target_semaphore(%arg10 : memref<!tpu.dma_semaphore, #tpu.memory_space<semaphore_mem>>)
    %dma_start3A_20 = arith.constant 2 : i32
    %dma_start3A_21 = arith.constant 1024 : i32
    %dma_start3A_22 = tpu.memref_slice %arg6[%dma_start3A_21] : memref<13312xi32, #tpu.memory_space<vmem>> -> memref<512xi32, #tpu.memory_space<vmem>>
    %dma_start3A_23 = tpu.memref_slice %arg2[%dma_start3A_20, %mul3A_2] : memref<26x16384xi32, #tpu.memory_space<hbm>> -> memref<1x512xi32, #tpu.memory_space<hbm>>
    %dma_start3A_24 = tpu.memref_squeeze %dma_start3A_23 : memref<1x512xi32, #tpu.memory_space<hbm>> -> memref<512xi32, #tpu.memory_space<hbm>>
    %dma_start3A_25 = arith.constant 1024 : i32
    %dma_start3A_26 = tpu.memref_slice %arg6[%dma_start3A_25] : memref<13312xi32, #tpu.memory_space<vmem>> -> memref<512xi32, #tpu.memory_space<vmem>>
    %dma_start3A_27 = tpu.memref_slice %arg2[%dma_start3A_20, %mul3A_2] : memref<26x16384xi32, #tpu.memory_space<hbm>> -> memref<1x512xi32, #tpu.memory_space<hbm>>
    %dma_start3A_28 = tpu.memref_squeeze %dma_start3A_27 : memref<1x512xi32, #tpu.memory_space<hbm>> -> memref<512xi32, #tpu.memory_space<hbm>>
    tpu.enqueue_dma source(%dma_start3A_28 : memref<512xi32, #tpu.memory_space<hbm>>) target(%dma_start3A_26 : memref<512xi32, #tpu.memory_space<vmem>>) target_semaphore(%arg10 : memref<!tpu.dma_semaphore, #tpu.memory_space<semaphore_mem>>)
    %dma_start3A_29 = arith.constant 3 : i32
    %dma_start3A_30 = arith.constant 1536 : i32
    %dma_start3A_31 = tpu.memref_slice %arg6[%dma_start3A_30] : memref<13312xi32, #tpu.memory_space<vmem>> -> memref<512xi32, #tpu.memory_space<vmem>>
    %dma_start3A_32 = tpu.memref_slice %arg2[%dma_start3A_29, %mul3A_2] : memref<26x16384xi32, #tpu.memory_space<hbm>> -> memref<1x512xi32, #tpu.memory_space<hbm>>
    %dma_start3A_33 = tpu.memref_squeeze %dma_start3A_32 : memref<1x512xi32, #tpu.memory_space<hbm>> -> memref<512xi32, #tpu.memory_space<hbm>>
    %dma_start3A_34 = arith.constant 1536 : i32
    %dma_start3A_35 = tpu.memref_slice %arg6[%dma_start3A_34] : memref<13312xi32, #tpu.memory_space<vmem>> -> memref<512xi32, #tpu.memory_space<vmem>>
    %dma_start3A_36 = tpu.memref_slice %arg2[%dma_start3A_29, %mul3A_2] : memref<26x16384xi32, #tpu.memory_space<hbm>> -> memref<1x512xi32, #tpu.memory_space<hbm>>
    %dma_start3A_37 = tpu.memref_squeeze %dma_start3A_36 : memref<1x512xi32, #tpu.memory_space<hbm>> -> memref<512xi32, #tpu.memory_space<hbm>>
    tpu.enqueue_dma source(%dma_start3A_37 : memref<512xi32, #tpu.memory_space<hbm>>) target(%dma_start3A_35 : memref<512xi32, #tpu.memory_space<vmem>>) target_semaphore(%arg10 : memref<!tpu.dma_semaphore, #tpu.memory_space<semaphore_mem>>)
    %dma_start3A_38 = arith.constant 4 : i32
    %dma_start3A_39 = arith.constant 2048 : i32
    %dma_start3A_40 = tpu.memref_slice %arg6[%dma_start3A_39] : memref<13312xi32, #tpu.memory_space<vmem>> -> memref<512xi32, #tpu.memory_space<vmem>>
    %dma_start3A_41 = tpu.memref_slice %arg2[%dma_start3A_38, %mul3A_2] : memref<26x16384xi32, #tpu.memory_space<hbm>> -> memref<1x512xi32, #tpu.memory_space<hbm>>
    %dma_start3A_42 = tpu.memref_squeeze %dma_start3A_41 : memref<1x512xi32, #tpu.memory_space<hbm>> -> memref<512xi32, #tpu.memory_space<hbm>>
    %dma_start3A_43 = arith.constant 2048 : i32
    %dma_start3A_44 = tpu.memref_slice %arg6[%dma_start3A_43] : memref<13312xi32, #tpu.memory_space<vmem>> -> memref<512xi32, #tpu.memory_space<vmem>>
    %dma_start3A_45 = tpu.memref_slice %arg2[%dma_start3A_38, %mul3A_2] : memref<26x16384xi32, #tpu.memory_space<hbm>> -> memref<1x512xi32, #tpu.memory_space<hbm>>
    %dma_start3A_46 = tpu.memref_squeeze %dma_start3A_45 : memref<1x512xi32, #tpu.memory_space<hbm>> -> memref<512xi32, #tpu.memory_space<hbm>>
    tpu.enqueue_dma source(%dma_start3A_46 : memref<512xi32, #tpu.memory_space<hbm>>) target(%dma_start3A_44 : memref<512xi32, #tpu.memory_space<vmem>>) target_semaphore(%arg10 : memref<!tpu.dma_semaphore, #tpu.memory_space<semaphore_mem>>)
    %dma_start3A_47 = arith.constant 5 : i32
    %dma_start3A_48 = arith.constant 2560 : i32
    %dma_start3A_49 = tpu.memref_slice %arg6[%dma_start3A_48] : memref<13312xi32, #tpu.memory_space<vmem>> -> memref<512xi32, #tpu.memory_space<vmem>>
    %dma_start3A_50 = tpu.memref_slice %arg2[%dma_start3A_47, %mul3A_2] : memref<26x16384xi32, #tpu.memory_space<hbm>> -> memref<1x512xi32, #tpu.memory_space<hbm>>
    %dma_start3A_51 = tpu.memref_squeeze %dma_start3A_50 : memref<1x512xi32, #tpu.memory_space<hbm>> -> memref<512xi32, #tpu.memory_space<hbm>>
    %dma_start3A_52 = arith.constant 2560 : i32
    %dma_start3A_53 = tpu.memref_slice %arg6[%dma_start3A_52] : memref<13312xi32, #tpu.memory_space<vmem>> -> memref<512xi32, #tpu.memory_space<vmem>>
    %dma_start3A_54 = tpu.memref_slice %arg2[%dma_start3A_47, %mul3A_2] : memref<26x16384xi32, #tpu.memory_space<hbm>> -> memref<1x512xi32, #tpu.memory_space<hbm>>
    %dma_start3A_55 = tpu.memref_squeeze %dma_start3A_54 : memref<1x512xi32, #tpu.memory_space<hbm>> -> memref<512xi32, #tpu.memory_space<hbm>>
    tpu.enqueue_dma source(%dma_start3A_55 : memref<512xi32, #tpu.memory_space<hbm>>) target(%dma_start3A_53 : memref<512xi32, #tpu.memory_space<vmem>>) target_semaphore(%arg10 : memref<!tpu.dma_semaphore, #tpu.memory_space<semaphore_mem>>)
    %dma_start3A_56 = arith.constant 6 : i32
    %dma_start3A_57 = arith.constant 3072 : i32
    %dma_start3A_58 = tpu.memref_slice %arg6[%dma_start3A_57] : memref<13312xi32, #tpu.memory_space<vmem>> -> memref<512xi32, #tpu.memory_space<vmem>>
    %dma_start3A_59 = tpu.memref_slice %arg2[%dma_start3A_56, %mul3A_2] : memref<26x16384xi32, #tpu.memory_space<hbm>> -> memref<1x512xi32, #tpu.memory_space<hbm>>
    %dma_start3A_60 = tpu.memref_squeeze %dma_start3A_59 : memref<1x512xi32, #tpu.memory_space<hbm>> -> memref<512xi32, #tpu.memory_space<hbm>>
    %dma_start3A_61 = arith.constant 3072 : i32
    %dma_start3A_62 = tpu.memref_slice %arg6[%dma_start3A_61] : memref<13312xi32, #tpu.memory_space<vmem>> -> memref<512xi32, #tpu.memory_space<vmem>>
    %dma_start3A_63 = tpu.memref_slice %arg2[%dma_start3A_56, %mul3A_2] : memref<26x16384xi32, #tpu.memory_space<hbm>> -> memref<1x512xi32, #tpu.memory_space<hbm>>
    %dma_start3A_64 = tpu.memref_squeeze %dma_start3A_63 : memref<1x512xi32, #tpu.memory_space<hbm>> -> memref<512xi32, #tpu.memory_space<hbm>>
    tpu.enqueue_dma source(%dma_start3A_64 : memref<512xi32, #tpu.memory_space<hbm>>) target(%dma_start3A_62 : memref<512xi32, #tpu.memory_space<vmem>>) target_semaphore(%arg10 : memref<!tpu.dma_semaphore, #tpu.memory_space<semaphore_mem>>)
    %dma_start3A_65 = arith.constant 7 : i32
    %dma_start3A_66 = arith.constant 3584 : i32
    %dma_start3A_67 = tpu.memref_slice %arg6[%dma_start3A_66] : memref<13312xi32, #tpu.memory_space<vmem>> -> memref<512xi32, #tpu.memory_space<vmem>>
    %dma_start3A_68 = tpu.memref_slice %arg2[%dma_start3A_65, %mul3A_2] : memref<26x16384xi32, #tpu.memory_space<hbm>> -> memref<1x512xi32, #tpu.memory_space<hbm>>
    %dma_start3A_69 = tpu.memref_squeeze %dma_start3A_68 : memref<1x512xi32, #tpu.memory_space<hbm>> -> memref<512xi32, #tpu.memory_space<hbm>>
    %dma_start3A_70 = arith.constant 3584 : i32
    %dma_start3A_71 = tpu.memref_slice %arg6[%dma_start3A_70] : memref<13312xi32, #tpu.memory_space<vmem>> -> memref<512xi32, #tpu.memory_space<vmem>>
    %dma_start3A_72 = tpu.memref_slice %arg2[%dma_start3A_65, %mul3A_2] : memref<26x16384xi32, #tpu.memory_space<hbm>> -> memref<1x512xi32, #tpu.memory_space<hbm>>
    %dma_start3A_73 = tpu.memref_squeeze %dma_start3A_72 : memref<1x512xi32, #tpu.memory_space<hbm>> -> memref<512xi32, #tpu.memory_space<hbm>>
    tpu.enqueue_dma source(%dma_start3A_73 : memref<512xi32, #tpu.memory_space<hbm>>) target(%dma_start3A_71 : memref<512xi32, #tpu.memory_space<vmem>>) target_semaphore(%arg10 : memref<!tpu.dma_semaphore, #tpu.memory_space<semaphore_mem>>)
    %dma_start3A_74 = arith.constant 8 : i32
    %dma_start3A_75 = arith.constant 4096 : i32
    %dma_start3A_76 = tpu.memref_slice %arg6[%dma_start3A_75] : memref<13312xi32, #tpu.memory_space<vmem>> -> memref<512xi32, #tpu.memory_space<vmem>>
    %dma_start3A_77 = tpu.memref_slice %arg2[%dma_start3A_74, %mul3A_2] : memref<26x16384xi32, #tpu.memory_space<hbm>> -> memref<1x512xi32, #tpu.memory_space<hbm>>
    %dma_start3A_78 = tpu.memref_squeeze %dma_start3A_77 : memref<1x512xi32, #tpu.memory_space<hbm>> -> memref<512xi32, #tpu.memory_space<hbm>>
    %dma_start3A_79 = arith.constant 4096 : i32
    %dma_start3A_80 = tpu.memref_slice %arg6[%dma_start3A_79] : memref<13312xi32, #tpu.memory_space<vmem>> -> memref<512xi32, #tpu.memory_space<vmem>>
    %dma_start3A_81 = tpu.memref_slice %arg2[%dma_start3A_74, %mul3A_2] : memref<26x16384xi32, #tpu.memory_space<hbm>> -> memref<1x512xi32, #tpu.memory_space<hbm>>
    %dma_start3A_82 = tpu.memref_squeeze %dma_start3A_81 : memref<1x512xi32, #tpu.memory_space<hbm>> -> memref<512xi32, #tpu.memory_space<hbm>>
    tpu.enqueue_dma source(%dma_start3A_82 : memref<512xi32, #tpu.memory_space<hbm>>) target(%dma_start3A_80 : memref<512xi32, #tpu.memory_space<vmem>>) target_semaphore(%arg10 : memref<!tpu.dma_semaphore, #tpu.memory_space<semaphore_mem>>)
    %dma_start3A_83 = arith.constant 9 : i32
    %dma_start3A_84 = arith.constant 4608 : i32
    %dma_start3A_85 = tpu.memref_slice %arg6[%dma_start3A_84] : memref<13312xi32, #tpu.memory_space<vmem>> -> memref<512xi32, #tpu.memory_space<vmem>>
    %dma_start3A_86 = tpu.memref_slice %arg2[%dma_start3A_83, %mul3A_2] : memref<26x16384xi32, #tpu.memory_space<hbm>> -> memref<1x512xi32, #tpu.memory_space<hbm>>
    %dma_start3A_87 = tpu.memref_squeeze %dma_start3A_86 : memref<1x512xi32, #tpu.memory_space<hbm>> -> memref<512xi32, #tpu.memory_space<hbm>>
    %dma_start3A_88 = arith.constant 4608 : i32
    %dma_start3A_89 = tpu.memref_slice %arg6[%dma_start3A_88] : memref<13312xi32, #tpu.memory_space<vmem>> -> memref<512xi32, #tpu.memory_space<vmem>>
    %dma_start3A_90 = tpu.memref_slice %arg2[%dma_start3A_83, %mul3A_2] : memref<26x16384xi32, #tpu.memory_space<hbm>> -> memref<1x512xi32, #tpu.memory_space<hbm>>
    %dma_start3A_91 = tpu.memref_squeeze %dma_start3A_90 : memref<1x512xi32, #tpu.memory_space<hbm>> -> memref<512xi32, #tpu.memory_space<hbm>>
    tpu.enqueue_dma source(%dma_start3A_91 : memref<512xi32, #tpu.memory_space<hbm>>) target(%dma_start3A_89 : memref<512xi32, #tpu.memory_space<vmem>>) target_semaphore(%arg10 : memref<!tpu.dma_semaphore, #tpu.memory_space<semaphore_mem>>)
    %dma_start3A_92 = arith.constant 10 : i32
    %dma_start3A_93 = arith.constant 5120 : i32
    %dma_start3A_94 = tpu.memref_slice %arg6[%dma_start3A_93] : memref<13312xi32, #tpu.memory_space<vmem>> -> memref<512xi32, #tpu.memory_space<vmem>>
    %dma_start3A_95 = tpu.memref_slice %arg2[%dma_start3A_92, %mul3A_2] : memref<26x16384xi32, #tpu.memory_space<hbm>> -> memref<1x512xi32, #tpu.memory_space<hbm>>
    %dma_start3A_96 = tpu.memref_squeeze %dma_start3A_95 : memref<1x512xi32, #tpu.memory_space<hbm>> -> memref<512xi32, #tpu.memory_space<hbm>>
    %dma_start3A_97 = arith.constant 5120 : i32
    %dma_start3A_98 = tpu.memref_slice %arg6[%dma_start3A_97] : memref<13312xi32, #tpu.memory_space<vmem>> -> memref<512xi32, #tpu.memory_space<vmem>>
    %dma_start3A_99 = tpu.memref_slice %arg2[%dma_start3A_92, %mul3A_2] : memref<26x16384xi32, #tpu.memory_space<hbm>> -> memref<1x512xi32, #tpu.memory_space<hbm>>
    %dma_start3A_100 = tpu.memref_squeeze %dma_start3A_99 : memref<1x512xi32, #tpu.memory_space<hbm>> -> memref<512xi32, #tpu.memory_space<hbm>>
    tpu.enqueue_dma source(%dma_start3A_100 : memref<512xi32, #tpu.memory_space<hbm>>) target(%dma_start3A_98 : memref<512xi32, #tpu.memory_space<vmem>>) target_semaphore(%arg10 : memref<!tpu.dma_semaphore, #tpu.memory_space<semaphore_mem>>)
    %dma_start3A_101 = arith.constant 11 : i32
    %dma_start3A_102 = arith.constant 5632 : i32
    %dma_start3A_103 = tpu.memref_slice %arg6[%dma_start3A_102] : memref<13312xi32, #tpu.memory_space<vmem>> -> memref<512xi32, #tpu.memory_space<vmem>>
    %dma_start3A_104 = tpu.memref_slice %arg2[%dma_start3A_101, %mul3A_2] : memref<26x16384xi32, #tpu.memory_space<hbm>> -> memref<1x512xi32, #tpu.memory_space<hbm>>
    %dma_start3A_105 = tpu.memref_squeeze %dma_start3A_104 : memref<1x512xi32, #tpu.memory_space<hbm>> -> memref<512xi32, #tpu.memory_space<hbm>>
    %dma_start3A_106 = arith.constant 5632 : i32
    %dma_start3A_107 = tpu.memref_slice %arg6[%dma_start3A_106] : memref<13312xi32, #tpu.memory_space<vmem>> -> memref<512xi32, #tpu.memory_space<vmem>>
    %dma_start3A_108 = tpu.memref_slice %arg2[%dma_start3A_101, %mul3A_2] : memref<26x16384xi32, #tpu.memory_space<hbm>> -> memref<1x512xi32, #tpu.memory_space<hbm>>
    %dma_start3A_109 = tpu.memref_squeeze %dma_start3A_108 : memref<1x512xi32, #tpu.memory_space<hbm>> -> memref<512xi32, #tpu.memory_space<hbm>>
    tpu.enqueue_dma source(%dma_start3A_109 : memref<512xi32, #tpu.memory_space<hbm>>) target(%dma_start3A_107 : memref<512xi32, #tpu.memory_space<vmem>>) target_semaphore(%arg10 : memref<!tpu.dma_semaphore, #tpu.memory_space<semaphore_mem>>)
    %dma_start3A_110 = arith.constant 12 : i32
    %dma_start3A_111 = arith.constant 6144 : i32
    %dma_start3A_112 = tpu.memref_slice %arg6[%dma_start3A_111] : memref<13312xi32, #tpu.memory_space<vmem>> -> memref<512xi32, #tpu.memory_space<vmem>>
    %dma_start3A_113 = tpu.memref_slice %arg2[%dma_start3A_110, %mul3A_2] : memref<26x16384xi32, #tpu.memory_space<hbm>> -> memref<1x512xi32, #tpu.memory_space<hbm>>
    %dma_start3A_114 = tpu.memref_squeeze %dma_start3A_113 : memref<1x512xi32, #tpu.memory_space<hbm>> -> memref<512xi32, #tpu.memory_space<hbm>>
    %dma_start3A_115 = arith.constant 6144 : i32
    %dma_start3A_116 = tpu.memref_slice %arg6[%dma_start3A_115] : memref<13312xi32, #tpu.memory_space<vmem>> -> memref<512xi32, #tpu.memory_space<vmem>>
    %dma_start3A_117 = tpu.memref_slice %arg2[%dma_start3A_110, %mul3A_2] : memref<26x16384xi32, #tpu.memory_space<hbm>> -> memref<1x512xi32, #tpu.memory_space<hbm>>
    %dma_start3A_118 = tpu.memref_squeeze %dma_start3A_117 : memref<1x512xi32, #tpu.memory_space<hbm>> -> memref<512xi32, #tpu.memory_space<hbm>>
    tpu.enqueue_dma source(%dma_start3A_118 : memref<512xi32, #tpu.memory_space<hbm>>) target(%dma_start3A_116 : memref<512xi32, #tpu.memory_space<vmem>>) target_semaphore(%arg10 : memref<!tpu.dma_semaphore, #tpu.memory_space<semaphore_mem>>)
    %dma_start3A_119 = arith.constant 13 : i32
    %dma_start3A_120 = arith.constant 6656 : i32
    %dma_start3A_121 = tpu.memref_slice %arg6[%dma_start3A_120] : memref<13312xi32, #tpu.memory_space<vmem>> -> memref<512xi32, #tpu.memory_space<vmem>>
    %dma_start3A_122 = tpu.memref_slice %arg2[%dma_start3A_119, %mul3A_2] : memref<26x16384xi32, #tpu.memory_space<hbm>> -> memref<1x512xi32, #tpu.memory_space<hbm>>
    %dma_start3A_123 = tpu.memref_squeeze %dma_start3A_122 : memref<1x512xi32, #tpu.memory_space<hbm>> -> memref<512xi32, #tpu.memory_space<hbm>>
    %dma_start3A_124 = arith.constant 6656 : i32
    %dma_start3A_125 = tpu.memref_slice %arg6[%dma_start3A_124] : memref<13312xi32, #tpu.memory_space<vmem>> -> memref<512xi32, #tpu.memory_space<vmem>>
    %dma_start3A_126 = tpu.memref_slice %arg2[%dma_start3A_119, %mul3A_2] : memref<26x16384xi32, #tpu.memory_space<hbm>> -> memref<1x512xi32, #tpu.memory_space<hbm>>
    %dma_start3A_127 = tpu.memref_squeeze %dma_start3A_126 : memref<1x512xi32, #tpu.memory_space<hbm>> -> memref<512xi32, #tpu.memory_space<hbm>>
    tpu.enqueue_dma source(%dma_start3A_127 : memref<512xi32, #tpu.memory_space<hbm>>) target(%dma_start3A_125 : memref<512xi32, #tpu.memory_space<vmem>>) target_semaphore(%arg10 : memref<!tpu.dma_semaphore, #tpu.memory_space<semaphore_mem>>)
    %dma_start3A_128 = arith.constant 14 : i32
    %dma_start3A_129 = arith.constant 7168 : i32
    %dma_start3A_130 = tpu.memref_slice %arg6[%dma_start3A_129] : memref<13312xi32, #tpu.memory_space<vmem>> -> memref<512xi32, #tpu.memory_space<vmem>>
    %dma_start3A_131 = tpu.memref_slice %arg2[%dma_start3A_128, %mul3A_2] : memref<26x16384xi32, #tpu.memory_space<hbm>> -> memref<1x512xi32, #tpu.memory_space<hbm>>
    %dma_start3A_132 = tpu.memref_squeeze %dma_start3A_131 : memref<1x512xi32, #tpu.memory_space<hbm>> -> memref<512xi32, #tpu.memory_space<hbm>>
    %dma_start3A_133 = arith.constant 7168 : i32
    %dma_start3A_134 = tpu.memref_slice %arg6[%dma_start3A_133] : memref<13312xi32, #tpu.memory_space<vmem>> -> memref<512xi32, #tpu.memory_space<vmem>>
    %dma_start3A_135 = tpu.memref_slice %arg2[%dma_start3A_128, %mul3A_2] : memref<26x16384xi32, #tpu.memory_space<hbm>> -> memref<1x512xi32, #tpu.memory_space<hbm>>
    %dma_start3A_136 = tpu.memref_squeeze %dma_start3A_135 : memref<1x512xi32, #tpu.memory_space<hbm>> -> memref<512xi32, #tpu.memory_space<hbm>>
    tpu.enqueue_dma source(%dma_start3A_136 : memref<512xi32, #tpu.memory_space<hbm>>) target(%dma_start3A_134 : memref<512xi32, #tpu.memory_space<vmem>>) target_semaphore(%arg10 : memref<!tpu.dma_semaphore, #tpu.memory_space<semaphore_mem>>)
    %dma_start3A_137 = arith.constant 15 : i32
    %dma_start3A_138 = arith.constant 7680 : i32
    %dma_start3A_139 = tpu.memref_slice %arg6[%dma_start3A_138] : memref<13312xi32, #tpu.memory_space<vmem>> -> memref<512xi32, #tpu.memory_space<vmem>>
    %dma_start3A_140 = tpu.memref_slice %arg2[%dma_start3A_137, %mul3A_2] : memref<26x16384xi32, #tpu.memory_space<hbm>> -> memref<1x512xi32, #tpu.memory_space<hbm>>
    %dma_start3A_141 = tpu.memref_squeeze %dma_start3A_140 : memref<1x512xi32, #tpu.memory_space<hbm>> -> memref<512xi32, #tpu.memory_space<hbm>>
    %dma_start3A_142 = arith.constant 7680 : i32
    %dma_start3A_143 = tpu.memref_slice %arg6[%dma_start3A_142] : memref<13312xi32, #tpu.memory_space<vmem>> -> memref<512xi32, #tpu.memory_space<vmem>>
    %dma_start3A_144 = tpu.memref_slice %arg2[%dma_start3A_137, %mul3A_2] : memref<26x16384xi32, #tpu.memory_space<hbm>> -> memref<1x512xi32, #tpu.memory_space<hbm>>
    %dma_start3A_145 = tpu.memref_squeeze %dma_start3A_144 : memref<1x512xi32, #tpu.memory_space<hbm>> -> memref<512xi32, #tpu.memory_space<hbm>>
    tpu.enqueue_dma source(%dma_start3A_145 : memref<512xi32, #tpu.memory_space<hbm>>) target(%dma_start3A_143 : memref<512xi32, #tpu.memory_space<vmem>>) target_semaphore(%arg10 : memref<!tpu.dma_semaphore, #tpu.memory_space<semaphore_mem>>)
    %dma_start3A_146 = arith.constant 16 : i32
    %dma_start3A_147 = arith.constant 8192 : i32
    %dma_start3A_148 = tpu.memref_slice %arg6[%dma_start3A_147] : memref<13312xi32, #tpu.memory_space<vmem>> -> memref<512xi32, #tpu.memory_space<vmem>>
    %dma_start3A_149 = tpu.memref_slice %arg2[%dma_start3A_146, %mul3A_2] : memref<26x16384xi32, #tpu.memory_space<hbm>> -> memref<1x512xi32, #tpu.memory_space<hbm>>
    %dma_start3A_150 = tpu.memref_squeeze %dma_start3A_149 : memref<1x512xi32, #tpu.memory_space<hbm>> -> memref<512xi32, #tpu.memory_space<hbm>>
    %dma_start3A_151 = arith.constant 8192 : i32
    %dma_start3A_152 = tpu.memref_slice %arg6[%dma_start3A_151] : memref<13312xi32, #tpu.memory_space<vmem>> -> memref<512xi32, #tpu.memory_space<vmem>>
    %dma_start3A_153 = tpu.memref_slice %arg2[%dma_start3A_146, %mul3A_2] : memref<26x16384xi32, #tpu.memory_space<hbm>> -> memref<1x512xi32, #tpu.memory_space<hbm>>
    %dma_start3A_154 = tpu.memref_squeeze %dma_start3A_153 : memref<1x512xi32, #tpu.memory_space<hbm>> -> memref<512xi32, #tpu.memory_space<hbm>>
    tpu.enqueue_dma source(%dma_start3A_154 : memref<512xi32, #tpu.memory_space<hbm>>) target(%dma_start3A_152 : memref<512xi32, #tpu.memory_space<vmem>>) target_semaphore(%arg10 : memref<!tpu.dma_semaphore, #tpu.memory_space<semaphore_mem>>)
    %dma_start3A_155 = arith.constant 17 : i32
    %dma_start3A_156 = arith.constant 8704 : i32
    %dma_start3A_157 = tpu.memref_slice %arg6[%dma_start3A_156] : memref<13312xi32, #tpu.memory_space<vmem>> -> memref<512xi32, #tpu.memory_space<vmem>>
    %dma_start3A_158 = tpu.memref_slice %arg2[%dma_start3A_155, %mul3A_2] : memref<26x16384xi32, #tpu.memory_space<hbm>> -> memref<1x512xi32, #tpu.memory_space<hbm>>
    %dma_start3A_159 = tpu.memref_squeeze %dma_start3A_158 : memref<1x512xi32, #tpu.memory_space<hbm>> -> memref<512xi32, #tpu.memory_space<hbm>>
    %dma_start3A_160 = arith.constant 8704 : i32
    %dma_start3A_161 = tpu.memref_slice %arg6[%dma_start3A_160] : memref<13312xi32, #tpu.memory_space<vmem>> -> memref<512xi32, #tpu.memory_space<vmem>>
    %dma_start3A_162 = tpu.memref_slice %arg2[%dma_start3A_155, %mul3A_2] : memref<26x16384xi32, #tpu.memory_space<hbm>> -> memref<1x512xi32, #tpu.memory_space<hbm>>
    %dma_start3A_163 = tpu.memref_squeeze %dma_start3A_162 : memref<1x512xi32, #tpu.memory_space<hbm>> -> memref<512xi32, #tpu.memory_space<hbm>>
    tpu.enqueue_dma source(%dma_start3A_163 : memref<512xi32, #tpu.memory_space<hbm>>) target(%dma_start3A_161 : memref<512xi32, #tpu.memory_space<vmem>>) target_semaphore(%arg10 : memref<!tpu.dma_semaphore, #tpu.memory_space<semaphore_mem>>)
    %dma_start3A_164 = arith.constant 18 : i32
    %dma_start3A_165 = arith.constant 9216 : i32
    %dma_start3A_166 = tpu.memref_slice %arg6[%dma_start3A_165] : memref<13312xi32, #tpu.memory_space<vmem>> -> memref<512xi32, #tpu.memory_space<vmem>>
    %dma_start3A_167 = tpu.memref_slice %arg2[%dma_start3A_164, %mul3A_2] : memref<26x16384xi32, #tpu.memory_space<hbm>> -> memref<1x512xi32, #tpu.memory_space<hbm>>
    %dma_start3A_168 = tpu.memref_squeeze %dma_start3A_167 : memref<1x512xi32, #tpu.memory_space<hbm>> -> memref<512xi32, #tpu.memory_space<hbm>>
    %dma_start3A_169 = arith.constant 9216 : i32
    %dma_start3A_170 = tpu.memref_slice %arg6[%dma_start3A_169] : memref<13312xi32, #tpu.memory_space<vmem>> -> memref<512xi32, #tpu.memory_space<vmem>>
    %dma_start3A_171 = tpu.memref_slice %arg2[%dma_start3A_164, %mul3A_2] : memref<26x16384xi32, #tpu.memory_space<hbm>> -> memref<1x512xi32, #tpu.memory_space<hbm>>
    %dma_start3A_172 = tpu.memref_squeeze %dma_start3A_171 : memref<1x512xi32, #tpu.memory_space<hbm>> -> memref<512xi32, #tpu.memory_space<hbm>>
    tpu.enqueue_dma source(%dma_start3A_172 : memref<512xi32, #tpu.memory_space<hbm>>) target(%dma_start3A_170 : memref<512xi32, #tpu.memory_space<vmem>>) target_semaphore(%arg10 : memref<!tpu.dma_semaphore, #tpu.memory_space<semaphore_mem>>)
    %dma_start3A_173 = arith.constant 19 : i32
    %dma_start3A_174 = arith.constant 9728 : i32
    %dma_start3A_175 = tpu.memref_slice %arg6[%dma_start3A_174] : memref<13312xi32, #tpu.memory_space<vmem>> -> memref<512xi32, #tpu.memory_space<vmem>>
    %dma_start3A_176 = tpu.memref_slice %arg2[%dma_start3A_173, %mul3A_2] : memref<26x16384xi32, #tpu.memory_space<hbm>> -> memref<1x512xi32, #tpu.memory_space<hbm>>
    %dma_start3A_177 = tpu.memref_squeeze %dma_start3A_176 : memref<1x512xi32, #tpu.memory_space<hbm>> -> memref<512xi32, #tpu.memory_space<hbm>>
    %dma_start3A_178 = arith.constant 9728 : i32
    %dma_start3A_179 = tpu.memref_slice %arg6[%dma_start3A_178] : memref<13312xi32, #tpu.memory_space<vmem>> -> memref<512xi32, #tpu.memory_space<vmem>>
    %dma_start3A_180 = tpu.memref_slice %arg2[%dma_start3A_173, %mul3A_2] : memref<26x16384xi32, #tpu.memory_space<hbm>> -> memref<1x512xi32, #tpu.memory_space<hbm>>
    %dma_start3A_181 = tpu.memref_squeeze %dma_start3A_180 : memref<1x512xi32, #tpu.memory_space<hbm>> -> memref<512xi32, #tpu.memory_space<hbm>>
    tpu.enqueue_dma source(%dma_start3A_181 : memref<512xi32, #tpu.memory_space<hbm>>) target(%dma_start3A_179 : memref<512xi32, #tpu.memory_space<vmem>>) target_semaphore(%arg10 : memref<!tpu.dma_semaphore, #tpu.memory_space<semaphore_mem>>)
    %dma_start3A_182 = arith.constant 20 : i32
    %dma_start3A_183 = arith.constant 10240 : i32
    %dma_start3A_184 = tpu.memref_slice %arg6[%dma_start3A_183] : memref<13312xi32, #tpu.memory_space<vmem>> -> memref<512xi32, #tpu.memory_space<vmem>>
    %dma_start3A_185 = tpu.memref_slice %arg2[%dma_start3A_182, %mul3A_2] : memref<26x16384xi32, #tpu.memory_space<hbm>> -> memref<1x512xi32, #tpu.memory_space<hbm>>
    %dma_start3A_186 = tpu.memref_squeeze %dma_start3A_185 : memref<1x512xi32, #tpu.memory_space<hbm>> -> memref<512xi32, #tpu.memory_space<hbm>>
    %dma_start3A_187 = arith.constant 10240 : i32
    %dma_start3A_188 = tpu.memref_slice %arg6[%dma_start3A_187] : memref<13312xi32, #tpu.memory_space<vmem>> -> memref<512xi32, #tpu.memory_space<vmem>>
    %dma_start3A_189 = tpu.memref_slice %arg2[%dma_start3A_182, %mul3A_2] : memref<26x16384xi32, #tpu.memory_space<hbm>> -> memref<1x512xi32, #tpu.memory_space<hbm>>
    %dma_start3A_190 = tpu.memref_squeeze %dma_start3A_189 : memref<1x512xi32, #tpu.memory_space<hbm>> -> memref<512xi32, #tpu.memory_space<hbm>>
    tpu.enqueue_dma source(%dma_start3A_190 : memref<512xi32, #tpu.memory_space<hbm>>) target(%dma_start3A_188 : memref<512xi32, #tpu.memory_space<vmem>>) target_semaphore(%arg10 : memref<!tpu.dma_semaphore, #tpu.memory_space<semaphore_mem>>)
    %dma_start3A_191 = arith.constant 21 : i32
    %dma_start3A_192 = arith.constant 10752 : i32
    %dma_start3A_193 = tpu.memref_slice %arg6[%dma_start3A_192] : memref<13312xi32, #tpu.memory_space<vmem>> -> memref<512xi32, #tpu.memory_space<vmem>>
    %dma_start3A_194 = tpu.memref_slice %arg2[%dma_start3A_191, %mul3A_2] : memref<26x16384xi32, #tpu.memory_space<hbm>> -> memref<1x512xi32, #tpu.memory_space<hbm>>
    %dma_start3A_195 = tpu.memref_squeeze %dma_start3A_194 : memref<1x512xi32, #tpu.memory_space<hbm>> -> memref<512xi32, #tpu.memory_space<hbm>>
    %dma_start3A_196 = arith.constant 10752 : i32
    %dma_start3A_197 = tpu.memref_slice %arg6[%dma_start3A_196] : memref<13312xi32, #tpu.memory_space<vmem>> -> memref<512xi32, #tpu.memory_space<vmem>>
    %dma_start3A_198 = tpu.memref_slice %arg2[%dma_start3A_191, %mul3A_2] : memref<26x16384xi32, #tpu.memory_space<hbm>> -> memref<1x512xi32, #tpu.memory_space<hbm>>
    %dma_start3A_199 = tpu.memref_squeeze %dma_start3A_198 : memref<1x512xi32, #tpu.memory_space<hbm>> -> memref<512xi32, #tpu.memory_space<hbm>>
    tpu.enqueue_dma source(%dma_start3A_199 : memref<512xi32, #tpu.memory_space<hbm>>) target(%dma_start3A_197 : memref<512xi32, #tpu.memory_space<vmem>>) target_semaphore(%arg10 : memref<!tpu.dma_semaphore, #tpu.memory_space<semaphore_mem>>)
    %dma_start3A_200 = arith.constant 22 : i32
    %dma_start3A_201 = arith.constant 11264 : i32
    %dma_start3A_202 = tpu.memref_slice %arg6[%dma_start3A_201] : memref<13312xi32, #tpu.memory_space<vmem>> -> memref<512xi32, #tpu.memory_space<vmem>>
    %dma_start3A_203 = tpu.memref_slice %arg2[%dma_start3A_200, %mul3A_2] : memref<26x16384xi32, #tpu.memory_space<hbm>> -> memref<1x512xi32, #tpu.memory_space<hbm>>
    %dma_start3A_204 = tpu.memref_squeeze %dma_start3A_203 : memref<1x512xi32, #tpu.memory_space<hbm>> -> memref<512xi32, #tpu.memory_space<hbm>>
    %dma_start3A_205 = arith.constant 11264 : i32
    %dma_start3A_206 = tpu.memref_slice %arg6[%dma_start3A_205] : memref<13312xi32, #tpu.memory_space<vmem>> -> memref<512xi32, #tpu.memory_space<vmem>>
    %dma_start3A_207 = tpu.memref_slice %arg2[%dma_start3A_200, %mul3A_2] : memref<26x16384xi32, #tpu.memory_space<hbm>> -> memref<1x512xi32, #tpu.memory_space<hbm>>
    %dma_start3A_208 = tpu.memref_squeeze %dma_start3A_207 : memref<1x512xi32, #tpu.memory_space<hbm>> -> memref<512xi32, #tpu.memory_space<hbm>>
    tpu.enqueue_dma source(%dma_start3A_208 : memref<512xi32, #tpu.memory_space<hbm>>) target(%dma_start3A_206 : memref<512xi32, #tpu.memory_space<vmem>>) target_semaphore(%arg10 : memref<!tpu.dma_semaphore, #tpu.memory_space<semaphore_mem>>)
    %dma_start3A_209 = arith.constant 23 : i32
    %dma_start3A_210 = arith.constant 11776 : i32
    %dma_start3A_211 = tpu.memref_slice %arg6[%dma_start3A_210] : memref<13312xi32, #tpu.memory_space<vmem>> -> memref<512xi32, #tpu.memory_space<vmem>>
    %dma_start3A_212 = tpu.memref_slice %arg2[%dma_start3A_209, %mul3A_2] : memref<26x16384xi32, #tpu.memory_space<hbm>> -> memref<1x512xi32, #tpu.memory_space<hbm>>
    %dma_start3A_213 = tpu.memref_squeeze %dma_start3A_212 : memref<1x512xi32, #tpu.memory_space<hbm>> -> memref<512xi32, #tpu.memory_space<hbm>>
    %dma_start3A_214 = arith.constant 11776 : i32
    %dma_start3A_215 = tpu.memref_slice %arg6[%dma_start3A_214] : memref<13312xi32, #tpu.memory_space<vmem>> -> memref<512xi32, #tpu.memory_space<vmem>>
    %dma_start3A_216 = tpu.memref_slice %arg2[%dma_start3A_209, %mul3A_2] : memref<26x16384xi32, #tpu.memory_space<hbm>> -> memref<1x512xi32, #tpu.memory_space<hbm>>
    %dma_start3A_217 = tpu.memref_squeeze %dma_start3A_216 : memref<1x512xi32, #tpu.memory_space<hbm>> -> memref<512xi32, #tpu.memory_space<hbm>>
    tpu.enqueue_dma source(%dma_start3A_217 : memref<512xi32, #tpu.memory_space<hbm>>) target(%dma_start3A_215 : memref<512xi32, #tpu.memory_space<vmem>>) target_semaphore(%arg10 : memref<!tpu.dma_semaphore, #tpu.memory_space<semaphore_mem>>)
    %dma_start3A_218 = arith.constant 24 : i32
    %dma_start3A_219 = arith.constant 12288 : i32
    %dma_start3A_220 = tpu.memref_slice %arg6[%dma_start3A_219] : memref<13312xi32, #tpu.memory_space<vmem>> -> memref<512xi32, #tpu.memory_space<vmem>>
    %dma_start3A_221 = tpu.memref_slice %arg2[%dma_start3A_218, %mul3A_2] : memref<26x16384xi32, #tpu.memory_space<hbm>> -> memref<1x512xi32, #tpu.memory_space<hbm>>
    %dma_start3A_222 = tpu.memref_squeeze %dma_start3A_221 : memref<1x512xi32, #tpu.memory_space<hbm>> -> memref<512xi32, #tpu.memory_space<hbm>>
    %dma_start3A_223 = arith.constant 12288 : i32
    %dma_start3A_224 = tpu.memref_slice %arg6[%dma_start3A_223] : memref<13312xi32, #tpu.memory_space<vmem>> -> memref<512xi32, #tpu.memory_space<vmem>>
    %dma_start3A_225 = tpu.memref_slice %arg2[%dma_start3A_218, %mul3A_2] : memref<26x16384xi32, #tpu.memory_space<hbm>> -> memref<1x512xi32, #tpu.memory_space<hbm>>
    %dma_start3A_226 = tpu.memref_squeeze %dma_start3A_225 : memref<1x512xi32, #tpu.memory_space<hbm>> -> memref<512xi32, #tpu.memory_space<hbm>>
    tpu.enqueue_dma source(%dma_start3A_226 : memref<512xi32, #tpu.memory_space<hbm>>) target(%dma_start3A_224 : memref<512xi32, #tpu.memory_space<vmem>>) target_semaphore(%arg10 : memref<!tpu.dma_semaphore, #tpu.memory_space<semaphore_mem>>)
    %dma_start3A_227 = arith.constant 25 : i32
    %dma_start3A_228 = arith.constant 12800 : i32
    %dma_start3A_229 = tpu.memref_slice %arg6[%dma_start3A_228] : memref<13312xi32, #tpu.memory_space<vmem>> -> memref<512xi32, #tpu.memory_space<vmem>>
    %dma_start3A_230 = tpu.memref_slice %arg2[%dma_start3A_227, %mul3A_2] : memref<26x16384xi32, #tpu.memory_space<hbm>> -> memref<1x512xi32, #tpu.memory_space<hbm>>
    %dma_start3A_231 = tpu.memref_squeeze %dma_start3A_230 : memref<1x512xi32, #tpu.memory_space<hbm>> -> memref<512xi32, #tpu.memory_space<hbm>>
    %dma_start3A_232 = arith.constant 12800 : i32
    %dma_start3A_233 = tpu.memref_slice %arg6[%dma_start3A_232] : memref<13312xi32, #tpu.memory_space<vmem>> -> memref<512xi32, #tpu.memory_space<vmem>>
    %dma_start3A_234 = tpu.memref_slice %arg2[%dma_start3A_227, %mul3A_2] : memref<26x16384xi32, #tpu.memory_space<hbm>> -> memref<1x512xi32, #tpu.memory_space<hbm>>
    %dma_start3A_235 = tpu.memref_squeeze %dma_start3A_234 : memref<1x512xi32, #tpu.memory_space<hbm>> -> memref<512xi32, #tpu.memory_space<hbm>>
    tpu.enqueue_dma source(%dma_start3A_235 : memref<512xi32, #tpu.memory_space<hbm>>) target(%dma_start3A_233 : memref<512xi32, #tpu.memory_space<vmem>>) target_semaphore(%arg10 : memref<!tpu.dma_semaphore, #tpu.memory_space<semaphore_mem>>)
    %get3A = arith.constant 0 : index
    %get3A_236 = tpu.vector_load %arg8[%get3A] {strides = array<i32>} : memref<16xf32, #tpu.memory_space<vmem>>, vector<16xf32>,
    %get3A_237 = vector.shape_cast %get3A_236 : vector<16xf32> to vector<16xf32>
    %scan3A = arith.constant 0 : i32
    %scan3A_238 = arith.constant 0 : i32
    %scan3A_239 = arith.constant 512 : i32
    %scan3A_240 = arith.addi %scan3A_238, %scan3A_239 : i32
    %scan3A_241 = arith.constant 1 : i32
    scf.for %scan3A_1048 = %scan3A_238 to %scan3A_240 step %scan3A_241  : i32 {
      %swap3A = arith.index_cast %scan3A_1048 : i32 to index
      %swap3A_1049 = arith.constant 0 : index
      %swap3A_1050 = tpu.vector_load %arg7[%swap3A, %swap3A_1049] {strides = array<i32>} : memref<512x16xf32, #tpu.memory_space<vmem>>, vector<1x16xf32>,
      %swap3A_1051 = vector.shape_cast %swap3A_1050 : vector<1x16xf32> to vector<16xf32>
      %swap3A_1052 = vector.shape_cast %get3A_237 : vector<16xf32> to vector<1x16xf32>
      tpu.vector_store %arg7[%swap3A, %swap3A_1049], %swap3A_1052 {strides = array<i32>} : memref<512x16xf32, #tpu.memory_space<vmem>>, vector<1x16xf32>,
    }
    %scan3A_242 = arith.constant 512 : i32
    %dma_wait3A = arith.constant 0 : i32
    %dma_wait3A_243 = arith.constant 0 : i32
    %dma_wait3A_244 = tpu.memref_slice %arg6[%dma_wait3A_243] : memref<13312xi32, #tpu.memory_space<vmem>> -> memref<512xi32, #tpu.memory_space<vmem>>
    %dma_wait3A_245 = tpu.memref_slice %arg2[%dma_wait3A, %mul3A_2] : memref<26x16384xi32, #tpu.memory_space<hbm>> -> memref<1x512xi32, #tpu.memory_space<hbm>>
    %dma_wait3A_246 = tpu.memref_squeeze %dma_wait3A_245 : memref<1x512xi32, #tpu.memory_space<hbm>> -> memref<512xi32, #tpu.memory_space<hbm>>
    %dma_wait3A_247 = arith.constant 0 : i32
    %dma_wait3A_248 = tpu.memref_slice %arg6[%dma_wait3A_247] : memref<13312xi32, #tpu.memory_space<vmem>> -> memref<512xi32, #tpu.memory_space<vmem>>
    %dma_wait3A_249 = tpu.memref_slice %arg2[%dma_wait3A, %mul3A_2] : memref<26x16384xi32, #tpu.memory_space<hbm>> -> memref<1x512xi32, #tpu.memory_space<hbm>>
    %dma_wait3A_250 = tpu.memref_squeeze %dma_wait3A_249 : memref<1x512xi32, #tpu.memory_space<hbm>> -> memref<512xi32, #tpu.memory_space<hbm>>
    tpu.wait_dma2 semaphore(%arg10 : memref<!tpu.dma_semaphore, #tpu.memory_space<semaphore_mem>>) src(%dma_wait3A_250 : memref<512xi32, #tpu.memory_space<hbm>>) dst(%dma_wait3A_248 : memref<512xi32, #tpu.memory_space<vmem>>)
    %scan3A_251 = arith.constant 0 : i32
    %scan3A_252 = arith.constant 0 : i32
    %scan3A_253 = arith.constant 32 : i32
    %scan3A_254 = arith.addi %scan3A_252, %scan3A_253 : i32
    %scan3A_255 = arith.constant 1 : i32
    scf.for %scan3A_1048 = %scan3A_252 to %scan3A_254 step %scan3A_255  : i32 {
      %mul3A_1049 = arith.constant 16 : i32
      %mul3A_1050 = arith.muli %scan3A_1048, %mul3A_1049 : i32
      %add3A_1051 = arith.constant 0 : i32
      %add3A_1052 = arith.addi %add3A_1051, %mul3A_1050 : i32
      %get3A_1053 = arith.index_cast %add3A_1052 : i32 to index
      %get3A_1054 = tpu.vector_load %arg6[%get3A_1053] {strides = array<i32>} : memref<13312xi32, #tpu.memory_space<vmem>>, vector<16xi32>,
      %get3A_1055 = vector.shape_cast %get3A_1054 : vector<16xi32> to vector<16xi32>
      %add3A_1056 = arith.constant 0 : i32
      %add3A_1057 = vector.broadcast %add3A_1056 : i32 to vector<16xi32>
      %add3A_1058 = arith.addi %get3A_1055, %add3A_1057 : vector<16xi32>
      %swap3A = arith.index_cast %add3A_1052 : i32 to index
      %swap3A_1059 = tpu.vector_load %arg6[%swap3A] {strides = array<i32>} : memref<13312xi32, #tpu.memory_space<vmem>>, vector<16xi32>,
      %swap3A_1060 = vector.shape_cast %swap3A_1059 : vector<16xi32> to vector<16xi32>
      %swap3A_1061 = vector.shape_cast %add3A_1058 : vector<16xi32> to vector<16xi32>
      tpu.vector_store %arg6[%swap3A], %swap3A_1061 {strides = array<i32>} : memref<13312xi32, #tpu.memory_space<vmem>>, vector<16xi32>,
    }
    %scan3A_256 = arith.constant 32 : i32
    %dma_start3A_257 = arith.constant 0 : i32
    %dma_start3A_258 = arith.constant 0 : i32
    %dma_start3A_259 = tpu.memref_slice %arg7[%dma_start3A_257, %dma_start3A_258] : memref<512x16xf32, #tpu.memory_space<vmem>> -> memref<512x16xf32, #tpu.memory_space<vmem>>
    %dma_start3A_260 = arith.constant 0 : i32
    %dma_start3A_261 = tpu.memref_slice %arg6[%dma_start3A_260] : memref<13312xi32, #tpu.memory_space<vmem>> -> memref<512xi32, #tpu.memory_space<vmem>>
    %dma_start3A_262 = arith.constant 0 : i32
    %dma_start3A_263 = arith.constant 0 : i32
    %dma_start3A_264 = tpu.memref_slice %arg3[%dma_start3A_262, %dma_start3A_263] : memref<1000012x16xf32, #tpu.memory_space<hbm>> -> memref<1000012x16xf32, #tpu.memory_space<hbm>>
    tpu.enqueue_indirect_dma source(%dma_start3A_264 : memref<1000012x16xf32, #tpu.memory_space<hbm>>) target(%dma_start3A_259 : memref<512x16xf32, #tpu.memory_space<vmem>>) offsets(%dma_start3A_261 : memref<512xi32, #tpu.memory_space<vmem>>) semaphore(%arg9 : memref<!tpu.dma_semaphore, #tpu.memory_space<semaphore_mem>>) {add = true}
    %dma_wait3A_265 = arith.constant 1 : i32
    %dma_wait3A_266 = arith.constant 512 : i32
    %dma_wait3A_267 = tpu.memref_slice %arg6[%dma_wait3A_266] : memref<13312xi32, #tpu.memory_space<vmem>> -> memref<512xi32, #tpu.memory_space<vmem>>
    %dma_wait3A_268 = tpu.memref_slice %arg2[%dma_wait3A_265, %mul3A_2] : memref<26x16384xi32, #tpu.memory_space<hbm>> -> memref<1x512xi32, #tpu.memory_space<hbm>>
    %dma_wait3A_269 = tpu.memref_squeeze %dma_wait3A_268 : memref<1x512xi32, #tpu.memory_space<hbm>> -> memref<512xi32, #tpu.memory_space<hbm>>
    %dma_wait3A_270 = arith.constant 512 : i32
    %dma_wait3A_271 = tpu.memref_slice %arg6[%dma_wait3A_270] : memref<13312xi32, #tpu.memory_space<vmem>> -> memref<512xi32, #tpu.memory_space<vmem>>
    %dma_wait3A_272 = tpu.memref_slice %arg2[%dma_wait3A_265, %mul3A_2] : memref<26x16384xi32, #tpu.memory_space<hbm>> -> memref<1x512xi32, #tpu.memory_space<hbm>>
    %dma_wait3A_273 = tpu.memref_squeeze %dma_wait3A_272 : memref<1x512xi32, #tpu.memory_space<hbm>> -> memref<512xi32, #tpu.memory_space<hbm>>
    tpu.wait_dma2 semaphore(%arg10 : memref<!tpu.dma_semaphore, #tpu.memory_space<semaphore_mem>>) src(%dma_wait3A_273 : memref<512xi32, #tpu.memory_space<hbm>>) dst(%dma_wait3A_271 : memref<512xi32, #tpu.memory_space<vmem>>)
    %scan3A_274 = arith.constant 0 : i32
    %scan3A_275 = arith.constant 0 : i32
    %scan3A_276 = arith.constant 32 : i32
    %scan3A_277 = arith.addi %scan3A_275, %scan3A_276 : i32
    %scan3A_278 = arith.constant 1 : i32
    scf.for %scan3A_1048 = %scan3A_275 to %scan3A_277 step %scan3A_278  : i32 {
      %mul3A_1049 = arith.constant 16 : i32
      %mul3A_1050 = arith.muli %scan3A_1048, %mul3A_1049 : i32
      %add3A_1051 = arith.constant 512 : i32
      %add3A_1052 = arith.addi %add3A_1051, %mul3A_1050 : i32
      %get3A_1053 = arith.index_cast %add3A_1052 : i32 to index
      %get3A_1054 = tpu.vector_load %arg6[%get3A_1053] {strides = array<i32>} : memref<13312xi32, #tpu.memory_space<vmem>>, vector<16xi32>,
      %get3A_1055 = vector.shape_cast %get3A_1054 : vector<16xi32> to vector<16xi32>
      %add3A_1056 = arith.constant 38462 : i32
      %add3A_1057 = vector.broadcast %add3A_1056 : i32 to vector<16xi32>
      %add3A_1058 = arith.addi %get3A_1055, %add3A_1057 : vector<16xi32>
      %swap3A = arith.index_cast %add3A_1052 : i32 to index
      %swap3A_1059 = tpu.vector_load %arg6[%swap3A] {strides = array<i32>} : memref<13312xi32, #tpu.memory_space<vmem>>, vector<16xi32>,
      %swap3A_1060 = vector.shape_cast %swap3A_1059 : vector<16xi32> to vector<16xi32>
      %swap3A_1061 = vector.shape_cast %add3A_1058 : vector<16xi32> to vector<16xi32>
      tpu.vector_store %arg6[%swap3A], %swap3A_1061 {strides = array<i32>} : memref<13312xi32, #tpu.memory_space<vmem>>, vector<16xi32>,
    }
    %scan3A_279 = arith.constant 32 : i32
    %dma_start3A_280 = arith.constant 0 : i32
    %dma_start3A_281 = arith.constant 0 : i32
    %dma_start3A_282 = tpu.memref_slice %arg7[%dma_start3A_280, %dma_start3A_281] : memref<512x16xf32, #tpu.memory_space<vmem>> -> memref<512x16xf32, #tpu.memory_space<vmem>>
    %dma_start3A_283 = arith.constant 512 : i32
    %dma_start3A_284 = tpu.memref_slice %arg6[%dma_start3A_283] : memref<13312xi32, #tpu.memory_space<vmem>> -> memref<512xi32, #tpu.memory_space<vmem>>
    %dma_start3A_285 = arith.constant 0 : i32
    %dma_start3A_286 = arith.constant 0 : i32
    %dma_start3A_287 = tpu.memref_slice %arg3[%dma_start3A_285, %dma_start3A_286] : memref<1000012x16xf32, #tpu.memory_space<hbm>> -> memref<1000012x16xf32, #tpu.memory_space<hbm>>
    tpu.enqueue_indirect_dma source(%dma_start3A_287 : memref<1000012x16xf32, #tpu.memory_space<hbm>>) target(%dma_start3A_282 : memref<512x16xf32, #tpu.memory_space<vmem>>) offsets(%dma_start3A_284 : memref<512xi32, #tpu.memory_space<vmem>>) semaphore(%arg9 : memref<!tpu.dma_semaphore, #tpu.memory_space<semaphore_mem>>) {add = true}
    %dma_wait3A_288 = arith.constant 2 : i32
    %dma_wait3A_289 = arith.constant 1024 : i32
    %dma_wait3A_290 = tpu.memref_slice %arg6[%dma_wait3A_289] : memref<13312xi32, #tpu.memory_space<vmem>> -> memref<512xi32, #tpu.memory_space<vmem>>
    %dma_wait3A_291 = tpu.memref_slice %arg2[%dma_wait3A_288, %mul3A_2] : memref<26x16384xi32, #tpu.memory_space<hbm>> -> memref<1x512xi32, #tpu.memory_space<hbm>>
    %dma_wait3A_292 = tpu.memref_squeeze %dma_wait3A_291 : memref<1x512xi32, #tpu.memory_space<hbm>> -> memref<512xi32, #tpu.memory_space<hbm>>
    %dma_wait3A_293 = arith.constant 1024 : i32
    %dma_wait3A_294 = tpu.memref_slice %arg6[%dma_wait3A_293] : memref<13312xi32, #tpu.memory_space<vmem>> -> memref<512xi32, #tpu.memory_space<vmem>>
    %dma_wait3A_295 = tpu.memref_slice %arg2[%dma_wait3A_288, %mul3A_2] : memref<26x16384xi32, #tpu.memory_space<hbm>> -> memref<1x512xi32, #tpu.memory_space<hbm>>
    %dma_wait3A_296 = tpu.memref_squeeze %dma_wait3A_295 : memref<1x512xi32, #tpu.memory_space<hbm>> -> memref<512xi32, #tpu.memory_space<hbm>>
    tpu.wait_dma2 semaphore(%arg10 : memref<!tpu.dma_semaphore, #tpu.memory_space<semaphore_mem>>) src(%dma_wait3A_296 : memref<512xi32, #tpu.memory_space<hbm>>) dst(%dma_wait3A_294 : memref<512xi32, #tpu.memory_space<vmem>>)
    %scan3A_297 = arith.constant 0 : i32
    %scan3A_298 = arith.constant 0 : i32
    %scan3A_299 = arith.constant 32 : i32
    %scan3A_300 = arith.addi %scan3A_298, %scan3A_299 : i32
    %scan3A_301 = arith.constant 1 : i32
    scf.for %scan3A_1048 = %scan3A_298 to %scan3A_300 step %scan3A_301  : i32 {
      %mul3A_1049 = arith.constant 16 : i32
      %mul3A_1050 = arith.muli %scan3A_1048, %mul3A_1049 : i32
      %add3A_1051 = arith.constant 1024 : i32
      %add3A_1052 = arith.addi %add3A_1051, %mul3A_1050 : i32
      %get3A_1053 = arith.index_cast %add3A_1052 : i32 to index
      %get3A_1054 = tpu.vector_load %arg6[%get3A_1053] {strides = array<i32>} : memref<13312xi32, #tpu.memory_space<vmem>>, vector<16xi32>,
      %get3A_1055 = vector.shape_cast %get3A_1054 : vector<16xi32> to vector<16xi32>
      %add3A_1056 = arith.constant 76924 : i32
      %add3A_1057 = vector.broadcast %add3A_1056 : i32 to vector<16xi32>
      %add3A_1058 = arith.addi %get3A_1055, %add3A_1057 : vector<16xi32>
      %swap3A = arith.index_cast %add3A_1052 : i32 to index
      %swap3A_1059 = tpu.vector_load %arg6[%swap3A] {strides = array<i32>} : memref<13312xi32, #tpu.memory_space<vmem>>, vector<16xi32>,
      %swap3A_1060 = vector.shape_cast %swap3A_1059 : vector<16xi32> to vector<16xi32>
      %swap3A_1061 = vector.shape_cast %add3A_1058 : vector<16xi32> to vector<16xi32>
      tpu.vector_store %arg6[%swap3A], %swap3A_1061 {strides = array<i32>} : memref<13312xi32, #tpu.memory_space<vmem>>, vector<16xi32>,
    }
    %scan3A_302 = arith.constant 32 : i32
    %dma_start3A_303 = arith.constant 0 : i32
    %dma_start3A_304 = arith.constant 0 : i32
    %dma_start3A_305 = tpu.memref_slice %arg7[%dma_start3A_303, %dma_start3A_304] : memref<512x16xf32, #tpu.memory_space<vmem>> -> memref<512x16xf32, #tpu.memory_space<vmem>>
    %dma_start3A_306 = arith.constant 1024 : i32
    %dma_start3A_307 = tpu.memref_slice %arg6[%dma_start3A_306] : memref<13312xi32, #tpu.memory_space<vmem>> -> memref<512xi32, #tpu.memory_space<vmem>>
    %dma_start3A_308 = arith.constant 0 : i32
    %dma_start3A_309 = arith.constant 0 : i32
    %dma_start3A_310 = tpu.memref_slice %arg3[%dma_start3A_308, %dma_start3A_309] : memref<1000012x16xf32, #tpu.memory_space<hbm>> -> memref<1000012x16xf32, #tpu.memory_space<hbm>>
    tpu.enqueue_indirect_dma source(%dma_start3A_310 : memref<1000012x16xf32, #tpu.memory_space<hbm>>) target(%dma_start3A_305 : memref<512x16xf32, #tpu.memory_space<vmem>>) offsets(%dma_start3A_307 : memref<512xi32, #tpu.memory_space<vmem>>) semaphore(%arg9 : memref<!tpu.dma_semaphore, #tpu.memory_space<semaphore_mem>>) {add = true}
    %dma_wait3A_311 = arith.constant 3 : i32
    %dma_wait3A_312 = arith.constant 1536 : i32
    %dma_wait3A_313 = tpu.memref_slice %arg6[%dma_wait3A_312] : memref<13312xi32, #tpu.memory_space<vmem>> -> memref<512xi32, #tpu.memory_space<vmem>>
    %dma_wait3A_314 = tpu.memref_slice %arg2[%dma_wait3A_311, %mul3A_2] : memref<26x16384xi32, #tpu.memory_space<hbm>> -> memref<1x512xi32, #tpu.memory_space<hbm>>
    %dma_wait3A_315 = tpu.memref_squeeze %dma_wait3A_314 : memref<1x512xi32, #tpu.memory_space<hbm>> -> memref<512xi32, #tpu.memory_space<hbm>>
    %dma_wait3A_316 = arith.constant 1536 : i32
    %dma_wait3A_317 = tpu.memref_slice %arg6[%dma_wait3A_316] : memref<13312xi32, #tpu.memory_space<vmem>> -> memref<512xi32, #tpu.memory_space<vmem>>
    %dma_wait3A_318 = tpu.memref_slice %arg2[%dma_wait3A_311, %mul3A_2] : memref<26x16384xi32, #tpu.memory_space<hbm>> -> memref<1x512xi32, #tpu.memory_space<hbm>>
    %dma_wait3A_319 = tpu.memref_squeeze %dma_wait3A_318 : memref<1x512xi32, #tpu.memory_space<hbm>> -> memref<512xi32, #tpu.memory_space<hbm>>
    tpu.wait_dma2 semaphore(%arg10 : memref<!tpu.dma_semaphore, #tpu.memory_space<semaphore_mem>>) src(%dma_wait3A_319 : memref<512xi32, #tpu.memory_space<hbm>>) dst(%dma_wait3A_317 : memref<512xi32, #tpu.memory_space<vmem>>)
    %scan3A_320 = arith.constant 0 : i32
    %scan3A_321 = arith.constant 0 : i32
    %scan3A_322 = arith.constant 32 : i32
    %scan3A_323 = arith.addi %scan3A_321, %scan3A_322 : i32
    %scan3A_324 = arith.constant 1 : i32
    scf.for %scan3A_1048 = %scan3A_321 to %scan3A_323 step %scan3A_324  : i32 {
      %mul3A_1049 = arith.constant 16 : i32
      %mul3A_1050 = arith.muli %scan3A_1048, %mul3A_1049 : i32
      %add3A_1051 = arith.constant 1536 : i32
      %add3A_1052 = arith.addi %add3A_1051, %mul3A_1050 : i32
      %get3A_1053 = arith.index_cast %add3A_1052 : i32 to index
      %get3A_1054 = tpu.vector_load %arg6[%get3A_1053] {strides = array<i32>} : memref<13312xi32, #tpu.memory_space<vmem>>, vector<16xi32>,
      %get3A_1055 = vector.shape_cast %get3A_1054 : vector<16xi32> to vector<16xi32>
      %add3A_1056 = arith.constant 115386 : i32
      %add3A_1057 = vector.broadcast %add3A_1056 : i32 to vector<16xi32>
      %add3A_1058 = arith.addi %get3A_1055, %add3A_1057 : vector<16xi32>
      %swap3A = arith.index_cast %add3A_1052 : i32 to index
      %swap3A_1059 = tpu.vector_load %arg6[%swap3A] {strides = array<i32>} : memref<13312xi32, #tpu.memory_space<vmem>>, vector<16xi32>,
      %swap3A_1060 = vector.shape_cast %swap3A_1059 : vector<16xi32> to vector<16xi32>
      %swap3A_1061 = vector.shape_cast %add3A_1058 : vector<16xi32> to vector<16xi32>
      tpu.vector_store %arg6[%swap3A], %swap3A_1061 {strides = array<i32>} : memref<13312xi32, #tpu.memory_space<vmem>>, vector<16xi32>,
    }
    %scan3A_325 = arith.constant 32 : i32
    %dma_start3A_326 = arith.constant 0 : i32
    %dma_start3A_327 = arith.constant 0 : i32
    %dma_start3A_328 = tpu.memref_slice %arg7[%dma_start3A_326, %dma_start3A_327] : memref<512x16xf32, #tpu.memory_space<vmem>> -> memref<512x16xf32, #tpu.memory_space<vmem>>
    %dma_start3A_329 = arith.constant 1536 : i32
    %dma_start3A_330 = tpu.memref_slice %arg6[%dma_start3A_329] : memref<13312xi32, #tpu.memory_space<vmem>> -> memref<512xi32, #tpu.memory_space<vmem>>
    %dma_start3A_331 = arith.constant 0 : i32
    %dma_start3A_332 = arith.constant 0 : i32
    %dma_start3A_333 = tpu.memref_slice %arg3[%dma_start3A_331, %dma_start3A_332] : memref<1000012x16xf32, #tpu.memory_space<hbm>> -> memref<1000012x16xf32, #tpu.memory_space<hbm>>
    tpu.enqueue_indirect_dma source(%dma_start3A_333 : memref<1000012x16xf32, #tpu.memory_space<hbm>>) target(%dma_start3A_328 : memref<512x16xf32, #tpu.memory_space<vmem>>) offsets(%dma_start3A_330 : memref<512xi32, #tpu.memory_space<vmem>>) semaphore(%arg9 : memref<!tpu.dma_semaphore, #tpu.memory_space<semaphore_mem>>) {add = true}
    %dma_wait3A_334 = arith.constant 4 : i32
    %dma_wait3A_335 = arith.constant 2048 : i32
    %dma_wait3A_336 = tpu.memref_slice %arg6[%dma_wait3A_335] : memref<13312xi32, #tpu.memory_space<vmem>> -> memref<512xi32, #tpu.memory_space<vmem>>
    %dma_wait3A_337 = tpu.memref_slice %arg2[%dma_wait3A_334, %mul3A_2] : memref<26x16384xi32, #tpu.memory_space<hbm>> -> memref<1x512xi32, #tpu.memory_space<hbm>>
    %dma_wait3A_338 = tpu.memref_squeeze %dma_wait3A_337 : memref<1x512xi32, #tpu.memory_space<hbm>> -> memref<512xi32, #tpu.memory_space<hbm>>
    %dma_wait3A_339 = arith.constant 2048 : i32
    %dma_wait3A_340 = tpu.memref_slice %arg6[%dma_wait3A_339] : memref<13312xi32, #tpu.memory_space<vmem>> -> memref<512xi32, #tpu.memory_space<vmem>>
    %dma_wait3A_341 = tpu.memref_slice %arg2[%dma_wait3A_334, %mul3A_2] : memref<26x16384xi32, #tpu.memory_space<hbm>> -> memref<1x512xi32, #tpu.memory_space<hbm>>
    %dma_wait3A_342 = tpu.memref_squeeze %dma_wait3A_341 : memref<1x512xi32, #tpu.memory_space<hbm>> -> memref<512xi32, #tpu.memory_space<hbm>>
    tpu.wait_dma2 semaphore(%arg10 : memref<!tpu.dma_semaphore, #tpu.memory_space<semaphore_mem>>) src(%dma_wait3A_342 : memref<512xi32, #tpu.memory_space<hbm>>) dst(%dma_wait3A_340 : memref<512xi32, #tpu.memory_space<vmem>>)
    %scan3A_343 = arith.constant 0 : i32
    %scan3A_344 = arith.constant 0 : i32
    %scan3A_345 = arith.constant 32 : i32
    %scan3A_346 = arith.addi %scan3A_344, %scan3A_345 : i32
    %scan3A_347 = arith.constant 1 : i32
    scf.for %scan3A_1048 = %scan3A_344 to %scan3A_346 step %scan3A_347  : i32 {
      %mul3A_1049 = arith.constant 16 : i32
      %mul3A_1050 = arith.muli %scan3A_1048, %mul3A_1049 : i32
      %add3A_1051 = arith.constant 2048 : i32
      %add3A_1052 = arith.addi %add3A_1051, %mul3A_1050 : i32
      %get3A_1053 = arith.index_cast %add3A_1052 : i32 to index
      %get3A_1054 = tpu.vector_load %arg6[%get3A_1053] {strides = array<i32>} : memref<13312xi32, #tpu.memory_space<vmem>>, vector<16xi32>,
      %get3A_1055 = vector.shape_cast %get3A_1054 : vector<16xi32> to vector<16xi32>
      %add3A_1056 = arith.constant 153848 : i32
      %add3A_1057 = vector.broadcast %add3A_1056 : i32 to vector<16xi32>
      %add3A_1058 = arith.addi %get3A_1055, %add3A_1057 : vector<16xi32>
      %swap3A = arith.index_cast %add3A_1052 : i32 to index
      %swap3A_1059 = tpu.vector_load %arg6[%swap3A] {strides = array<i32>} : memref<13312xi32, #tpu.memory_space<vmem>>, vector<16xi32>,
      %swap3A_1060 = vector.shape_cast %swap3A_1059 : vector<16xi32> to vector<16xi32>
      %swap3A_1061 = vector.shape_cast %add3A_1058 : vector<16xi32> to vector<16xi32>
      tpu.vector_store %arg6[%swap3A], %swap3A_1061 {strides = array<i32>} : memref<13312xi32, #tpu.memory_space<vmem>>, vector<16xi32>,
    }
    %scan3A_348 = arith.constant 32 : i32
    %dma_start3A_349 = arith.constant 0 : i32
    %dma_start3A_350 = arith.constant 0 : i32
    %dma_start3A_351 = tpu.memref_slice %arg7[%dma_start3A_349, %dma_start3A_350] : memref<512x16xf32, #tpu.memory_space<vmem>> -> memref<512x16xf32, #tpu.memory_space<vmem>>
    %dma_start3A_352 = arith.constant 2048 : i32
    %dma_start3A_353 = tpu.memref_slice %arg6[%dma_start3A_352] : memref<13312xi32, #tpu.memory_space<vmem>> -> memref<512xi32, #tpu.memory_space<vmem>>
    %dma_start3A_354 = arith.constant 0 : i32
    %dma_start3A_355 = arith.constant 0 : i32
    %dma_start3A_356 = tpu.memref_slice %arg3[%dma_start3A_354, %dma_start3A_355] : memref<1000012x16xf32, #tpu.memory_space<hbm>> -> memref<1000012x16xf32, #tpu.memory_space<hbm>>
    tpu.enqueue_indirect_dma source(%dma_start3A_356 : memref<1000012x16xf32, #tpu.memory_space<hbm>>) target(%dma_start3A_351 : memref<512x16xf32, #tpu.memory_space<vmem>>) offsets(%dma_start3A_353 : memref<512xi32, #tpu.memory_space<vmem>>) semaphore(%arg9 : memref<!tpu.dma_semaphore, #tpu.memory_space<semaphore_mem>>) {add = true}
    %dma_wait3A_357 = arith.constant 5 : i32
    %dma_wait3A_358 = arith.constant 2560 : i32
    %dma_wait3A_359 = tpu.memref_slice %arg6[%dma_wait3A_358] : memref<13312xi32, #tpu.memory_space<vmem>> -> memref<512xi32, #tpu.memory_space<vmem>>
    %dma_wait3A_360 = tpu.memref_slice %arg2[%dma_wait3A_357, %mul3A_2] : memref<26x16384xi32, #tpu.memory_space<hbm>> -> memref<1x512xi32, #tpu.memory_space<hbm>>
    %dma_wait3A_361 = tpu.memref_squeeze %dma_wait3A_360 : memref<1x512xi32, #tpu.memory_space<hbm>> -> memref<512xi32, #tpu.memory_space<hbm>>
    %dma_wait3A_362 = arith.constant 2560 : i32
    %dma_wait3A_363 = tpu.memref_slice %arg6[%dma_wait3A_362] : memref<13312xi32, #tpu.memory_space<vmem>> -> memref<512xi32, #tpu.memory_space<vmem>>
    %dma_wait3A_364 = tpu.memref_slice %arg2[%dma_wait3A_357, %mul3A_2] : memref<26x16384xi32, #tpu.memory_space<hbm>> -> memref<1x512xi32, #tpu.memory_space<hbm>>
    %dma_wait3A_365 = tpu.memref_squeeze %dma_wait3A_364 : memref<1x512xi32, #tpu.memory_space<hbm>> -> memref<512xi32, #tpu.memory_space<hbm>>
    tpu.wait_dma2 semaphore(%arg10 : memref<!tpu.dma_semaphore, #tpu.memory_space<semaphore_mem>>) src(%dma_wait3A_365 : memref<512xi32, #tpu.memory_space<hbm>>) dst(%dma_wait3A_363 : memref<512xi32, #tpu.memory_space<vmem>>)
    %scan3A_366 = arith.constant 0 : i32
    %scan3A_367 = arith.constant 0 : i32
    %scan3A_368 = arith.constant 32 : i32
    %scan3A_369 = arith.addi %scan3A_367, %scan3A_368 : i32
    %scan3A_370 = arith.constant 1 : i32
    scf.for %scan3A_1048 = %scan3A_367 to %scan3A_369 step %scan3A_370  : i32 {
      %mul3A_1049 = arith.constant 16 : i32
      %mul3A_1050 = arith.muli %scan3A_1048, %mul3A_1049 : i32
      %add3A_1051 = arith.constant 2560 : i32
      %add3A_1052 = arith.addi %add3A_1051, %mul3A_1050 : i32
      %get3A_1053 = arith.index_cast %add3A_1052 : i32 to index
      %get3A_1054 = tpu.vector_load %arg6[%get3A_1053] {strides = array<i32>} : memref<13312xi32, #tpu.memory_space<vmem>>, vector<16xi32>,
      %get3A_1055 = vector.shape_cast %get3A_1054 : vector<16xi32> to vector<16xi32>
      %add3A_1056 = arith.constant 192310 : i32
      %add3A_1057 = vector.broadcast %add3A_1056 : i32 to vector<16xi32>
      %add3A_1058 = arith.addi %get3A_1055, %add3A_1057 : vector<16xi32>
      %swap3A = arith.index_cast %add3A_1052 : i32 to index
      %swap3A_1059 = tpu.vector_load %arg6[%swap3A] {strides = array<i32>} : memref<13312xi32, #tpu.memory_space<vmem>>, vector<16xi32>,
      %swap3A_1060 = vector.shape_cast %swap3A_1059 : vector<16xi32> to vector<16xi32>
      %swap3A_1061 = vector.shape_cast %add3A_1058 : vector<16xi32> to vector<16xi32>
      tpu.vector_store %arg6[%swap3A], %swap3A_1061 {strides = array<i32>} : memref<13312xi32, #tpu.memory_space<vmem>>, vector<16xi32>,
    }
    %scan3A_371 = arith.constant 32 : i32
    %dma_start3A_372 = arith.constant 0 : i32
    %dma_start3A_373 = arith.constant 0 : i32
    %dma_start3A_374 = tpu.memref_slice %arg7[%dma_start3A_372, %dma_start3A_373] : memref<512x16xf32, #tpu.memory_space<vmem>> -> memref<512x16xf32, #tpu.memory_space<vmem>>
    %dma_start3A_375 = arith.constant 2560 : i32
    %dma_start3A_376 = tpu.memref_slice %arg6[%dma_start3A_375] : memref<13312xi32, #tpu.memory_space<vmem>> -> memref<512xi32, #tpu.memory_space<vmem>>
    %dma_start3A_377 = arith.constant 0 : i32
    %dma_start3A_378 = arith.constant 0 : i32
    %dma_start3A_379 = tpu.memref_slice %arg3[%dma_start3A_377, %dma_start3A_378] : memref<1000012x16xf32, #tpu.memory_space<hbm>> -> memref<1000012x16xf32, #tpu.memory_space<hbm>>
    tpu.enqueue_indirect_dma source(%dma_start3A_379 : memref<1000012x16xf32, #tpu.memory_space<hbm>>) target(%dma_start3A_374 : memref<512x16xf32, #tpu.memory_space<vmem>>) offsets(%dma_start3A_376 : memref<512xi32, #tpu.memory_space<vmem>>) semaphore(%arg9 : memref<!tpu.dma_semaphore, #tpu.memory_space<semaphore_mem>>) {add = true}
    %dma_wait3A_380 = arith.constant 6 : i32
    %dma_wait3A_381 = arith.constant 3072 : i32
    %dma_wait3A_382 = tpu.memref_slice %arg6[%dma_wait3A_381] : memref<13312xi32, #tpu.memory_space<vmem>> -> memref<512xi32, #tpu.memory_space<vmem>>
    %dma_wait3A_383 = tpu.memref_slice %arg2[%dma_wait3A_380, %mul3A_2] : memref<26x16384xi32, #tpu.memory_space<hbm>> -> memref<1x512xi32, #tpu.memory_space<hbm>>
    %dma_wait3A_384 = tpu.memref_squeeze %dma_wait3A_383 : memref<1x512xi32, #tpu.memory_space<hbm>> -> memref<512xi32, #tpu.memory_space<hbm>>
    %dma_wait3A_385 = arith.constant 3072 : i32
    %dma_wait3A_386 = tpu.memref_slice %arg6[%dma_wait3A_385] : memref<13312xi32, #tpu.memory_space<vmem>> -> memref<512xi32, #tpu.memory_space<vmem>>
    %dma_wait3A_387 = tpu.memref_slice %arg2[%dma_wait3A_380, %mul3A_2] : memref<26x16384xi32, #tpu.memory_space<hbm>> -> memref<1x512xi32, #tpu.memory_space<hbm>>
    %dma_wait3A_388 = tpu.memref_squeeze %dma_wait3A_387 : memref<1x512xi32, #tpu.memory_space<hbm>> -> memref<512xi32, #tpu.memory_space<hbm>>
    tpu.wait_dma2 semaphore(%arg10 : memref<!tpu.dma_semaphore, #tpu.memory_space<semaphore_mem>>) src(%dma_wait3A_388 : memref<512xi32, #tpu.memory_space<hbm>>) dst(%dma_wait3A_386 : memref<512xi32, #tpu.memory_space<vmem>>)
    %scan3A_389 = arith.constant 0 : i32
    %scan3A_390 = arith.constant 0 : i32
    %scan3A_391 = arith.constant 32 : i32
    %scan3A_392 = arith.addi %scan3A_390, %scan3A_391 : i32
    %scan3A_393 = arith.constant 1 : i32
    scf.for %scan3A_1048 = %scan3A_390 to %scan3A_392 step %scan3A_393  : i32 {
      %mul3A_1049 = arith.constant 16 : i32
      %mul3A_1050 = arith.muli %scan3A_1048, %mul3A_1049 : i32
      %add3A_1051 = arith.constant 3072 : i32
      %add3A_1052 = arith.addi %add3A_1051, %mul3A_1050 : i32
      %get3A_1053 = arith.index_cast %add3A_1052 : i32 to index
      %get3A_1054 = tpu.vector_load %arg6[%get3A_1053] {strides = array<i32>} : memref<13312xi32, #tpu.memory_space<vmem>>, vector<16xi32>,
      %get3A_1055 = vector.shape_cast %get3A_1054 : vector<16xi32> to vector<16xi32>
      %add3A_1056 = arith.constant 230772 : i32
      %add3A_1057 = vector.broadcast %add3A_1056 : i32 to vector<16xi32>
      %add3A_1058 = arith.addi %get3A_1055, %add3A_1057 : vector<16xi32>
      %swap3A = arith.index_cast %add3A_1052 : i32 to index
      %swap3A_1059 = tpu.vector_load %arg6[%swap3A] {strides = array<i32>} : memref<13312xi32, #tpu.memory_space<vmem>>, vector<16xi32>,
      %swap3A_1060 = vector.shape_cast %swap3A_1059 : vector<16xi32> to vector<16xi32>
      %swap3A_1061 = vector.shape_cast %add3A_1058 : vector<16xi32> to vector<16xi32>
      tpu.vector_store %arg6[%swap3A], %swap3A_1061 {strides = array<i32>} : memref<13312xi32, #tpu.memory_space<vmem>>, vector<16xi32>,
    }
    %scan3A_394 = arith.constant 32 : i32
    %dma_start3A_395 = arith.constant 0 : i32
    %dma_start3A_396 = arith.constant 0 : i32
    %dma_start3A_397 = tpu.memref_slice %arg7[%dma_start3A_395, %dma_start3A_396] : memref<512x16xf32, #tpu.memory_space<vmem>> -> memref<512x16xf32, #tpu.memory_space<vmem>>
    %dma_start3A_398 = arith.constant 3072 : i32
    %dma_start3A_399 = tpu.memref_slice %arg6[%dma_start3A_398] : memref<13312xi32, #tpu.memory_space<vmem>> -> memref<512xi32, #tpu.memory_space<vmem>>
    %dma_start3A_400 = arith.constant 0 : i32
    %dma_start3A_401 = arith.constant 0 : i32
    %dma_start3A_402 = tpu.memref_slice %arg3[%dma_start3A_400, %dma_start3A_401] : memref<1000012x16xf32, #tpu.memory_space<hbm>> -> memref<1000012x16xf32, #tpu.memory_space<hbm>>
    tpu.enqueue_indirect_dma source(%dma_start3A_402 : memref<1000012x16xf32, #tpu.memory_space<hbm>>) target(%dma_start3A_397 : memref<512x16xf32, #tpu.memory_space<vmem>>) offsets(%dma_start3A_399 : memref<512xi32, #tpu.memory_space<vmem>>) semaphore(%arg9 : memref<!tpu.dma_semaphore, #tpu.memory_space<semaphore_mem>>) {add = true}
    %dma_wait3A_403 = arith.constant 7 : i32
    %dma_wait3A_404 = arith.constant 3584 : i32
    %dma_wait3A_405 = tpu.memref_slice %arg6[%dma_wait3A_404] : memref<13312xi32, #tpu.memory_space<vmem>> -> memref<512xi32, #tpu.memory_space<vmem>>
    %dma_wait3A_406 = tpu.memref_slice %arg2[%dma_wait3A_403, %mul3A_2] : memref<26x16384xi32, #tpu.memory_space<hbm>> -> memref<1x512xi32, #tpu.memory_space<hbm>>
    %dma_wait3A_407 = tpu.memref_squeeze %dma_wait3A_406 : memref<1x512xi32, #tpu.memory_space<hbm>> -> memref<512xi32, #tpu.memory_space<hbm>>
    %dma_wait3A_408 = arith.constant 3584 : i32
    %dma_wait3A_409 = tpu.memref_slice %arg6[%dma_wait3A_408] : memref<13312xi32, #tpu.memory_space<vmem>> -> memref<512xi32, #tpu.memory_space<vmem>>
    %dma_wait3A_410 = tpu.memref_slice %arg2[%dma_wait3A_403, %mul3A_2] : memref<26x16384xi32, #tpu.memory_space<hbm>> -> memref<1x512xi32, #tpu.memory_space<hbm>>
    %dma_wait3A_411 = tpu.memref_squeeze %dma_wait3A_410 : memref<1x512xi32, #tpu.memory_space<hbm>> -> memref<512xi32, #tpu.memory_space<hbm>>
    tpu.wait_dma2 semaphore(%arg10 : memref<!tpu.dma_semaphore, #tpu.memory_space<semaphore_mem>>) src(%dma_wait3A_411 : memref<512xi32, #tpu.memory_space<hbm>>) dst(%dma_wait3A_409 : memref<512xi32, #tpu.memory_space<vmem>>)
    %scan3A_412 = arith.constant 0 : i32
    %scan3A_413 = arith.constant 0 : i32
    %scan3A_414 = arith.constant 32 : i32
    %scan3A_415 = arith.addi %scan3A_413, %scan3A_414 : i32
    %scan3A_416 = arith.constant 1 : i32
    scf.for %scan3A_1048 = %scan3A_413 to %scan3A_415 step %scan3A_416  : i32 {
      %mul3A_1049 = arith.constant 16 : i32
      %mul3A_1050 = arith.muli %scan3A_1048, %mul3A_1049 : i32
      %add3A_1051 = arith.constant 3584 : i32
      %add3A_1052 = arith.addi %add3A_1051, %mul3A_1050 : i32
      %get3A_1053 = arith.index_cast %add3A_1052 : i32 to index
      %get3A_1054 = tpu.vector_load %arg6[%get3A_1053] {strides = array<i32>} : memref<13312xi32, #tpu.memory_space<vmem>>, vector<16xi32>,
      %get3A_1055 = vector.shape_cast %get3A_1054 : vector<16xi32> to vector<16xi32>
      %add3A_1056 = arith.constant 269234 : i32
      %add3A_1057 = vector.broadcast %add3A_1056 : i32 to vector<16xi32>
      %add3A_1058 = arith.addi %get3A_1055, %add3A_1057 : vector<16xi32>
      %swap3A = arith.index_cast %add3A_1052 : i32 to index
      %swap3A_1059 = tpu.vector_load %arg6[%swap3A] {strides = array<i32>} : memref<13312xi32, #tpu.memory_space<vmem>>, vector<16xi32>,
      %swap3A_1060 = vector.shape_cast %swap3A_1059 : vector<16xi32> to vector<16xi32>
      %swap3A_1061 = vector.shape_cast %add3A_1058 : vector<16xi32> to vector<16xi32>
      tpu.vector_store %arg6[%swap3A], %swap3A_1061 {strides = array<i32>} : memref<13312xi32, #tpu.memory_space<vmem>>, vector<16xi32>,
    }
    %scan3A_417 = arith.constant 32 : i32
    %dma_start3A_418 = arith.constant 0 : i32
    %dma_start3A_419 = arith.constant 0 : i32
    %dma_start3A_420 = tpu.memref_slice %arg7[%dma_start3A_418, %dma_start3A_419] : memref<512x16xf32, #tpu.memory_space<vmem>> -> memref<512x16xf32, #tpu.memory_space<vmem>>
    %dma_start3A_421 = arith.constant 3584 : i32
    %dma_start3A_422 = tpu.memref_slice %arg6[%dma_start3A_421] : memref<13312xi32, #tpu.memory_space<vmem>> -> memref<512xi32, #tpu.memory_space<vmem>>
    %dma_start3A_423 = arith.constant 0 : i32
    %dma_start3A_424 = arith.constant 0 : i32
    %dma_start3A_425 = tpu.memref_slice %arg3[%dma_start3A_423, %dma_start3A_424] : memref<1000012x16xf32, #tpu.memory_space<hbm>> -> memref<1000012x16xf32, #tpu.memory_space<hbm>>
    tpu.enqueue_indirect_dma source(%dma_start3A_425 : memref<1000012x16xf32, #tpu.memory_space<hbm>>) target(%dma_start3A_420 : memref<512x16xf32, #tpu.memory_space<vmem>>) offsets(%dma_start3A_422 : memref<512xi32, #tpu.memory_space<vmem>>) semaphore(%arg9 : memref<!tpu.dma_semaphore, #tpu.memory_space<semaphore_mem>>) {add = true}
    %dma_wait3A_426 = arith.constant 8 : i32
    %dma_wait3A_427 = arith.constant 4096 : i32
    %dma_wait3A_428 = tpu.memref_slice %arg6[%dma_wait3A_427] : memref<13312xi32, #tpu.memory_space<vmem>> -> memref<512xi32, #tpu.memory_space<vmem>>
    %dma_wait3A_429 = tpu.memref_slice %arg2[%dma_wait3A_426, %mul3A_2] : memref<26x16384xi32, #tpu.memory_space<hbm>> -> memref<1x512xi32, #tpu.memory_space<hbm>>
    %dma_wait3A_430 = tpu.memref_squeeze %dma_wait3A_429 : memref<1x512xi32, #tpu.memory_space<hbm>> -> memref<512xi32, #tpu.memory_space<hbm>>
    %dma_wait3A_431 = arith.constant 4096 : i32
    %dma_wait3A_432 = tpu.memref_slice %arg6[%dma_wait3A_431] : memref<13312xi32, #tpu.memory_space<vmem>> -> memref<512xi32, #tpu.memory_space<vmem>>
    %dma_wait3A_433 = tpu.memref_slice %arg2[%dma_wait3A_426, %mul3A_2] : memref<26x16384xi32, #tpu.memory_space<hbm>> -> memref<1x512xi32, #tpu.memory_space<hbm>>
    %dma_wait3A_434 = tpu.memref_squeeze %dma_wait3A_433 : memref<1x512xi32, #tpu.memory_space<hbm>> -> memref<512xi32, #tpu.memory_space<hbm>>
    tpu.wait_dma2 semaphore(%arg10 : memref<!tpu.dma_semaphore, #tpu.memory_space<semaphore_mem>>) src(%dma_wait3A_434 : memref<512xi32, #tpu.memory_space<hbm>>) dst(%dma_wait3A_432 : memref<512xi32, #tpu.memory_space<vmem>>)
    %scan3A_435 = arith.constant 0 : i32
    %scan3A_436 = arith.constant 0 : i32
    %scan3A_437 = arith.constant 32 : i32
    %scan3A_438 = arith.addi %scan3A_436, %scan3A_437 : i32
    %scan3A_439 = arith.constant 1 : i32
    scf.for %scan3A_1048 = %scan3A_436 to %scan3A_438 step %scan3A_439  : i32 {
      %mul3A_1049 = arith.constant 16 : i32
      %mul3A_1050 = arith.muli %scan3A_1048, %mul3A_1049 : i32
      %add3A_1051 = arith.constant 4096 : i32
      %add3A_1052 = arith.addi %add3A_1051, %mul3A_1050 : i32
      %get3A_1053 = arith.index_cast %add3A_1052 : i32 to index
      %get3A_1054 = tpu.vector_load %arg6[%get3A_1053] {strides = array<i32>} : memref<13312xi32, #tpu.memory_space<vmem>>, vector<16xi32>,
      %get3A_1055 = vector.shape_cast %get3A_1054 : vector<16xi32> to vector<16xi32>
      %add3A_1056 = arith.constant 307696 : i32
      %add3A_1057 = vector.broadcast %add3A_1056 : i32 to vector<16xi32>
      %add3A_1058 = arith.addi %get3A_1055, %add3A_1057 : vector<16xi32>
      %swap3A = arith.index_cast %add3A_1052 : i32 to index
      %swap3A_1059 = tpu.vector_load %arg6[%swap3A] {strides = array<i32>} : memref<13312xi32, #tpu.memory_space<vmem>>, vector<16xi32>,
      %swap3A_1060 = vector.shape_cast %swap3A_1059 : vector<16xi32> to vector<16xi32>
      %swap3A_1061 = vector.shape_cast %add3A_1058 : vector<16xi32> to vector<16xi32>
      tpu.vector_store %arg6[%swap3A], %swap3A_1061 {strides = array<i32>} : memref<13312xi32, #tpu.memory_space<vmem>>, vector<16xi32>,
    }
    %scan3A_440 = arith.constant 32 : i32
    %dma_start3A_441 = arith.constant 0 : i32
    %dma_start3A_442 = arith.constant 0 : i32
    %dma_start3A_443 = tpu.memref_slice %arg7[%dma_start3A_441, %dma_start3A_442] : memref<512x16xf32, #tpu.memory_space<vmem>> -> memref<512x16xf32, #tpu.memory_space<vmem>>
    %dma_start3A_444 = arith.constant 4096 : i32
    %dma_start3A_445 = tpu.memref_slice %arg6[%dma_start3A_444] : memref<13312xi32, #tpu.memory_space<vmem>> -> memref<512xi32, #tpu.memory_space<vmem>>
    %dma_start3A_446 = arith.constant 0 : i32
    %dma_start3A_447 = arith.constant 0 : i32
    %dma_start3A_448 = tpu.memref_slice %arg3[%dma_start3A_446, %dma_start3A_447] : memref<1000012x16xf32, #tpu.memory_space<hbm>> -> memref<1000012x16xf32, #tpu.memory_space<hbm>>
    tpu.enqueue_indirect_dma source(%dma_start3A_448 : memref<1000012x16xf32, #tpu.memory_space<hbm>>) target(%dma_start3A_443 : memref<512x16xf32, #tpu.memory_space<vmem>>) offsets(%dma_start3A_445 : memref<512xi32, #tpu.memory_space<vmem>>) semaphore(%arg9 : memref<!tpu.dma_semaphore, #tpu.memory_space<semaphore_mem>>) {add = true}
    %dma_wait3A_449 = arith.constant 9 : i32
    %dma_wait3A_450 = arith.constant 4608 : i32
    %dma_wait3A_451 = tpu.memref_slice %arg6[%dma_wait3A_450] : memref<13312xi32, #tpu.memory_space<vmem>> -> memref<512xi32, #tpu.memory_space<vmem>>
    %dma_wait3A_452 = tpu.memref_slice %arg2[%dma_wait3A_449, %mul3A_2] : memref<26x16384xi32, #tpu.memory_space<hbm>> -> memref<1x512xi32, #tpu.memory_space<hbm>>
    %dma_wait3A_453 = tpu.memref_squeeze %dma_wait3A_452 : memref<1x512xi32, #tpu.memory_space<hbm>> -> memref<512xi32, #tpu.memory_space<hbm>>
    %dma_wait3A_454 = arith.constant 4608 : i32
    %dma_wait3A_455 = tpu.memref_slice %arg6[%dma_wait3A_454] : memref<13312xi32, #tpu.memory_space<vmem>> -> memref<512xi32, #tpu.memory_space<vmem>>
    %dma_wait3A_456 = tpu.memref_slice %arg2[%dma_wait3A_449, %mul3A_2] : memref<26x16384xi32, #tpu.memory_space<hbm>> -> memref<1x512xi32, #tpu.memory_space<hbm>>
    %dma_wait3A_457 = tpu.memref_squeeze %dma_wait3A_456 : memref<1x512xi32, #tpu.memory_space<hbm>> -> memref<512xi32, #tpu.memory_space<hbm>>
    tpu.wait_dma2 semaphore(%arg10 : memref<!tpu.dma_semaphore, #tpu.memory_space<semaphore_mem>>) src(%dma_wait3A_457 : memref<512xi32, #tpu.memory_space<hbm>>) dst(%dma_wait3A_455 : memref<512xi32, #tpu.memory_space<vmem>>)
    %scan3A_458 = arith.constant 0 : i32
    %scan3A_459 = arith.constant 0 : i32
    %scan3A_460 = arith.constant 32 : i32
    %scan3A_461 = arith.addi %scan3A_459, %scan3A_460 : i32
    %scan3A_462 = arith.constant 1 : i32
    scf.for %scan3A_1048 = %scan3A_459 to %scan3A_461 step %scan3A_462  : i32 {
      %mul3A_1049 = arith.constant 16 : i32
      %mul3A_1050 = arith.muli %scan3A_1048, %mul3A_1049 : i32
      %add3A_1051 = arith.constant 4608 : i32
      %add3A_1052 = arith.addi %add3A_1051, %mul3A_1050 : i32
      %get3A_1053 = arith.index_cast %add3A_1052 : i32 to index
      %get3A_1054 = tpu.vector_load %arg6[%get3A_1053] {strides = array<i32>} : memref<13312xi32, #tpu.memory_space<vmem>>, vector<16xi32>,
      %get3A_1055 = vector.shape_cast %get3A_1054 : vector<16xi32> to vector<16xi32>
      %add3A_1056 = arith.constant 346158 : i32
      %add3A_1057 = vector.broadcast %add3A_1056 : i32 to vector<16xi32>
      %add3A_1058 = arith.addi %get3A_1055, %add3A_1057 : vector<16xi32>
      %swap3A = arith.index_cast %add3A_1052 : i32 to index
      %swap3A_1059 = tpu.vector_load %arg6[%swap3A] {strides = array<i32>} : memref<13312xi32, #tpu.memory_space<vmem>>, vector<16xi32>,
      %swap3A_1060 = vector.shape_cast %swap3A_1059 : vector<16xi32> to vector<16xi32>
      %swap3A_1061 = vector.shape_cast %add3A_1058 : vector<16xi32> to vector<16xi32>
      tpu.vector_store %arg6[%swap3A], %swap3A_1061 {strides = array<i32>} : memref<13312xi32, #tpu.memory_space<vmem>>, vector<16xi32>,
    }
    %scan3A_463 = arith.constant 32 : i32
    %dma_start3A_464 = arith.constant 0 : i32
    %dma_start3A_465 = arith.constant 0 : i32
    %dma_start3A_466 = tpu.memref_slice %arg7[%dma_start3A_464, %dma_start3A_465] : memref<512x16xf32, #tpu.memory_space<vmem>> -> memref<512x16xf32, #tpu.memory_space<vmem>>
    %dma_start3A_467 = arith.constant 4608 : i32
    %dma_start3A_468 = tpu.memref_slice %arg6[%dma_start3A_467] : memref<13312xi32, #tpu.memory_space<vmem>> -> memref<512xi32, #tpu.memory_space<vmem>>
    %dma_start3A_469 = arith.constant 0 : i32
    %dma_start3A_470 = arith.constant 0 : i32
    %dma_start3A_471 = tpu.memref_slice %arg3[%dma_start3A_469, %dma_start3A_470] : memref<1000012x16xf32, #tpu.memory_space<hbm>> -> memref<1000012x16xf32, #tpu.memory_space<hbm>>
    tpu.enqueue_indirect_dma source(%dma_start3A_471 : memref<1000012x16xf32, #tpu.memory_space<hbm>>) target(%dma_start3A_466 : memref<512x16xf32, #tpu.memory_space<vmem>>) offsets(%dma_start3A_468 : memref<512xi32, #tpu.memory_space<vmem>>) semaphore(%arg9 : memref<!tpu.dma_semaphore, #tpu.memory_space<semaphore_mem>>) {add = true}
    %dma_wait3A_472 = arith.constant 10 : i32
    %dma_wait3A_473 = arith.constant 5120 : i32
    %dma_wait3A_474 = tpu.memref_slice %arg6[%dma_wait3A_473] : memref<13312xi32, #tpu.memory_space<vmem>> -> memref<512xi32, #tpu.memory_space<vmem>>
    %dma_wait3A_475 = tpu.memref_slice %arg2[%dma_wait3A_472, %mul3A_2] : memref<26x16384xi32, #tpu.memory_space<hbm>> -> memref<1x512xi32, #tpu.memory_space<hbm>>
    %dma_wait3A_476 = tpu.memref_squeeze %dma_wait3A_475 : memref<1x512xi32, #tpu.memory_space<hbm>> -> memref<512xi32, #tpu.memory_space<hbm>>
    %dma_wait3A_477 = arith.constant 5120 : i32
    %dma_wait3A_478 = tpu.memref_slice %arg6[%dma_wait3A_477] : memref<13312xi32, #tpu.memory_space<vmem>> -> memref<512xi32, #tpu.memory_space<vmem>>
    %dma_wait3A_479 = tpu.memref_slice %arg2[%dma_wait3A_472, %mul3A_2] : memref<26x16384xi32, #tpu.memory_space<hbm>> -> memref<1x512xi32, #tpu.memory_space<hbm>>
    %dma_wait3A_480 = tpu.memref_squeeze %dma_wait3A_479 : memref<1x512xi32, #tpu.memory_space<hbm>> -> memref<512xi32, #tpu.memory_space<hbm>>
    tpu.wait_dma2 semaphore(%arg10 : memref<!tpu.dma_semaphore, #tpu.memory_space<semaphore_mem>>) src(%dma_wait3A_480 : memref<512xi32, #tpu.memory_space<hbm>>) dst(%dma_wait3A_478 : memref<512xi32, #tpu.memory_space<vmem>>)
    %scan3A_481 = arith.constant 0 : i32
    %scan3A_482 = arith.constant 0 : i32
    %scan3A_483 = arith.constant 32 : i32
    %scan3A_484 = arith.addi %scan3A_482, %scan3A_483 : i32
    %scan3A_485 = arith.constant 1 : i32
    scf.for %scan3A_1048 = %scan3A_482 to %scan3A_484 step %scan3A_485  : i32 {
      %mul3A_1049 = arith.constant 16 : i32
      %mul3A_1050 = arith.muli %scan3A_1048, %mul3A_1049 : i32
      %add3A_1051 = arith.constant 5120 : i32
      %add3A_1052 = arith.addi %add3A_1051, %mul3A_1050 : i32
      %get3A_1053 = arith.index_cast %add3A_1052 : i32 to index
      %get3A_1054 = tpu.vector_load %arg6[%get3A_1053] {strides = array<i32>} : memref<13312xi32, #tpu.memory_space<vmem>>, vector<16xi32>,
      %get3A_1055 = vector.shape_cast %get3A_1054 : vector<16xi32> to vector<16xi32>
      %add3A_1056 = arith.constant 384620 : i32
      %add3A_1057 = vector.broadcast %add3A_1056 : i32 to vector<16xi32>
      %add3A_1058 = arith.addi %get3A_1055, %add3A_1057 : vector<16xi32>
      %swap3A = arith.index_cast %add3A_1052 : i32 to index
      %swap3A_1059 = tpu.vector_load %arg6[%swap3A] {strides = array<i32>} : memref<13312xi32, #tpu.memory_space<vmem>>, vector<16xi32>,
      %swap3A_1060 = vector.shape_cast %swap3A_1059 : vector<16xi32> to vector<16xi32>
      %swap3A_1061 = vector.shape_cast %add3A_1058 : vector<16xi32> to vector<16xi32>
      tpu.vector_store %arg6[%swap3A], %swap3A_1061 {strides = array<i32>} : memref<13312xi32, #tpu.memory_space<vmem>>, vector<16xi32>,
    }
    %scan3A_486 = arith.constant 32 : i32
    %dma_start3A_487 = arith.constant 0 : i32
    %dma_start3A_488 = arith.constant 0 : i32
    %dma_start3A_489 = tpu.memref_slice %arg7[%dma_start3A_487, %dma_start3A_488] : memref<512x16xf32, #tpu.memory_space<vmem>> -> memref<512x16xf32, #tpu.memory_space<vmem>>
    %dma_start3A_490 = arith.constant 5120 : i32
    %dma_start3A_491 = tpu.memref_slice %arg6[%dma_start3A_490] : memref<13312xi32, #tpu.memory_space<vmem>> -> memref<512xi32, #tpu.memory_space<vmem>>
    %dma_start3A_492 = arith.constant 0 : i32
    %dma_start3A_493 = arith.constant 0 : i32
    %dma_start3A_494 = tpu.memref_slice %arg3[%dma_start3A_492, %dma_start3A_493] : memref<1000012x16xf32, #tpu.memory_space<hbm>> -> memref<1000012x16xf32, #tpu.memory_space<hbm>>
    tpu.enqueue_indirect_dma source(%dma_start3A_494 : memref<1000012x16xf32, #tpu.memory_space<hbm>>) target(%dma_start3A_489 : memref<512x16xf32, #tpu.memory_space<vmem>>) offsets(%dma_start3A_491 : memref<512xi32, #tpu.memory_space<vmem>>) semaphore(%arg9 : memref<!tpu.dma_semaphore, #tpu.memory_space<semaphore_mem>>) {add = true}
    %dma_wait3A_495 = arith.constant 11 : i32
    %dma_wait3A_496 = arith.constant 5632 : i32
    %dma_wait3A_497 = tpu.memref_slice %arg6[%dma_wait3A_496] : memref<13312xi32, #tpu.memory_space<vmem>> -> memref<512xi32, #tpu.memory_space<vmem>>
    %dma_wait3A_498 = tpu.memref_slice %arg2[%dma_wait3A_495, %mul3A_2] : memref<26x16384xi32, #tpu.memory_space<hbm>> -> memref<1x512xi32, #tpu.memory_space<hbm>>
    %dma_wait3A_499 = tpu.memref_squeeze %dma_wait3A_498 : memref<1x512xi32, #tpu.memory_space<hbm>> -> memref<512xi32, #tpu.memory_space<hbm>>
    %dma_wait3A_500 = arith.constant 5632 : i32
    %dma_wait3A_501 = tpu.memref_slice %arg6[%dma_wait3A_500] : memref<13312xi32, #tpu.memory_space<vmem>> -> memref<512xi32, #tpu.memory_space<vmem>>
    %dma_wait3A_502 = tpu.memref_slice %arg2[%dma_wait3A_495, %mul3A_2] : memref<26x16384xi32, #tpu.memory_space<hbm>> -> memref<1x512xi32, #tpu.memory_space<hbm>>
    %dma_wait3A_503 = tpu.memref_squeeze %dma_wait3A_502 : memref<1x512xi32, #tpu.memory_space<hbm>> -> memref<512xi32, #tpu.memory_space<hbm>>
    tpu.wait_dma2 semaphore(%arg10 : memref<!tpu.dma_semaphore, #tpu.memory_space<semaphore_mem>>) src(%dma_wait3A_503 : memref<512xi32, #tpu.memory_space<hbm>>) dst(%dma_wait3A_501 : memref<512xi32, #tpu.memory_space<vmem>>)
    %scan3A_504 = arith.constant 0 : i32
    %scan3A_505 = arith.constant 0 : i32
    %scan3A_506 = arith.constant 32 : i32
    %scan3A_507 = arith.addi %scan3A_505, %scan3A_506 : i32
    %scan3A_508 = arith.constant 1 : i32
    scf.for %scan3A_1048 = %scan3A_505 to %scan3A_507 step %scan3A_508  : i32 {
      %mul3A_1049 = arith.constant 16 : i32
      %mul3A_1050 = arith.muli %scan3A_1048, %mul3A_1049 : i32
      %add3A_1051 = arith.constant 5632 : i32
      %add3A_1052 = arith.addi %add3A_1051, %mul3A_1050 : i32
      %get3A_1053 = arith.index_cast %add3A_1052 : i32 to index
      %get3A_1054 = tpu.vector_load %arg6[%get3A_1053] {strides = array<i32>} : memref<13312xi32, #tpu.memory_space<vmem>>, vector<16xi32>,
      %get3A_1055 = vector.shape_cast %get3A_1054 : vector<16xi32> to vector<16xi32>
      %add3A_1056 = arith.constant 423082 : i32
      %add3A_1057 = vector.broadcast %add3A_1056 : i32 to vector<16xi32>
      %add3A_1058 = arith.addi %get3A_1055, %add3A_1057 : vector<16xi32>
      %swap3A = arith.index_cast %add3A_1052 : i32 to index
      %swap3A_1059 = tpu.vector_load %arg6[%swap3A] {strides = array<i32>} : memref<13312xi32, #tpu.memory_space<vmem>>, vector<16xi32>,
      %swap3A_1060 = vector.shape_cast %swap3A_1059 : vector<16xi32> to vector<16xi32>
      %swap3A_1061 = vector.shape_cast %add3A_1058 : vector<16xi32> to vector<16xi32>
      tpu.vector_store %arg6[%swap3A], %swap3A_1061 {strides = array<i32>} : memref<13312xi32, #tpu.memory_space<vmem>>, vector<16xi32>,
    }
    %scan3A_509 = arith.constant 32 : i32
    %dma_start3A_510 = arith.constant 0 : i32
    %dma_start3A_511 = arith.constant 0 : i32
    %dma_start3A_512 = tpu.memref_slice %arg7[%dma_start3A_510, %dma_start3A_511] : memref<512x16xf32, #tpu.memory_space<vmem>> -> memref<512x16xf32, #tpu.memory_space<vmem>>
    %dma_start3A_513 = arith.constant 5632 : i32
    %dma_start3A_514 = tpu.memref_slice %arg6[%dma_start3A_513] : memref<13312xi32, #tpu.memory_space<vmem>> -> memref<512xi32, #tpu.memory_space<vmem>>
    %dma_start3A_515 = arith.constant 0 : i32
    %dma_start3A_516 = arith.constant 0 : i32
    %dma_start3A_517 = tpu.memref_slice %arg3[%dma_start3A_515, %dma_start3A_516] : memref<1000012x16xf32, #tpu.memory_space<hbm>> -> memref<1000012x16xf32, #tpu.memory_space<hbm>>
    tpu.enqueue_indirect_dma source(%dma_start3A_517 : memref<1000012x16xf32, #tpu.memory_space<hbm>>) target(%dma_start3A_512 : memref<512x16xf32, #tpu.memory_space<vmem>>) offsets(%dma_start3A_514 : memref<512xi32, #tpu.memory_space<vmem>>) semaphore(%arg9 : memref<!tpu.dma_semaphore, #tpu.memory_space<semaphore_mem>>) {add = true}
    %dma_wait3A_518 = arith.constant 12 : i32
    %dma_wait3A_519 = arith.constant 6144 : i32
    %dma_wait3A_520 = tpu.memref_slice %arg6[%dma_wait3A_519] : memref<13312xi32, #tpu.memory_space<vmem>> -> memref<512xi32, #tpu.memory_space<vmem>>
    %dma_wait3A_521 = tpu.memref_slice %arg2[%dma_wait3A_518, %mul3A_2] : memref<26x16384xi32, #tpu.memory_space<hbm>> -> memref<1x512xi32, #tpu.memory_space<hbm>>
    %dma_wait3A_522 = tpu.memref_squeeze %dma_wait3A_521 : memref<1x512xi32, #tpu.memory_space<hbm>> -> memref<512xi32, #tpu.memory_space<hbm>>
    %dma_wait3A_523 = arith.constant 6144 : i32
    %dma_wait3A_524 = tpu.memref_slice %arg6[%dma_wait3A_523] : memref<13312xi32, #tpu.memory_space<vmem>> -> memref<512xi32, #tpu.memory_space<vmem>>
    %dma_wait3A_525 = tpu.memref_slice %arg2[%dma_wait3A_518, %mul3A_2] : memref<26x16384xi32, #tpu.memory_space<hbm>> -> memref<1x512xi32, #tpu.memory_space<hbm>>
    %dma_wait3A_526 = tpu.memref_squeeze %dma_wait3A_525 : memref<1x512xi32, #tpu.memory_space<hbm>> -> memref<512xi32, #tpu.memory_space<hbm>>
    tpu.wait_dma2 semaphore(%arg10 : memref<!tpu.dma_semaphore, #tpu.memory_space<semaphore_mem>>) src(%dma_wait3A_526 : memref<512xi32, #tpu.memory_space<hbm>>) dst(%dma_wait3A_524 : memref<512xi32, #tpu.memory_space<vmem>>)
    %scan3A_527 = arith.constant 0 : i32
    %scan3A_528 = arith.constant 0 : i32
    %scan3A_529 = arith.constant 32 : i32
    %scan3A_530 = arith.addi %scan3A_528, %scan3A_529 : i32
    %scan3A_531 = arith.constant 1 : i32
    scf.for %scan3A_1048 = %scan3A_528 to %scan3A_530 step %scan3A_531  : i32 {
      %mul3A_1049 = arith.constant 16 : i32
      %mul3A_1050 = arith.muli %scan3A_1048, %mul3A_1049 : i32
      %add3A_1051 = arith.constant 6144 : i32
      %add3A_1052 = arith.addi %add3A_1051, %mul3A_1050 : i32
      %get3A_1053 = arith.index_cast %add3A_1052 : i32 to index
      %get3A_1054 = tpu.vector_load %arg6[%get3A_1053] {strides = array<i32>} : memref<13312xi32, #tpu.memory_space<vmem>>, vector<16xi32>,
      %get3A_1055 = vector.shape_cast %get3A_1054 : vector<16xi32> to vector<16xi32>
      %add3A_1056 = arith.constant 461544 : i32
      %add3A_1057 = vector.broadcast %add3A_1056 : i32 to vector<16xi32>
      %add3A_1058 = arith.addi %get3A_1055, %add3A_1057 : vector<16xi32>
      %swap3A = arith.index_cast %add3A_1052 : i32 to index
      %swap3A_1059 = tpu.vector_load %arg6[%swap3A] {strides = array<i32>} : memref<13312xi32, #tpu.memory_space<vmem>>, vector<16xi32>,
      %swap3A_1060 = vector.shape_cast %swap3A_1059 : vector<16xi32> to vector<16xi32>
      %swap3A_1061 = vector.shape_cast %add3A_1058 : vector<16xi32> to vector<16xi32>
      tpu.vector_store %arg6[%swap3A], %swap3A_1061 {strides = array<i32>} : memref<13312xi32, #tpu.memory_space<vmem>>, vector<16xi32>,
    }
    %scan3A_532 = arith.constant 32 : i32
    %dma_start3A_533 = arith.constant 0 : i32
    %dma_start3A_534 = arith.constant 0 : i32
    %dma_start3A_535 = tpu.memref_slice %arg7[%dma_start3A_533, %dma_start3A_534] : memref<512x16xf32, #tpu.memory_space<vmem>> -> memref<512x16xf32, #tpu.memory_space<vmem>>
    %dma_start3A_536 = arith.constant 6144 : i32
    %dma_start3A_537 = tpu.memref_slice %arg6[%dma_start3A_536] : memref<13312xi32, #tpu.memory_space<vmem>> -> memref<512xi32, #tpu.memory_space<vmem>>
    %dma_start3A_538 = arith.constant 0 : i32
    %dma_start3A_539 = arith.constant 0 : i32
    %dma_start3A_540 = tpu.memref_slice %arg3[%dma_start3A_538, %dma_start3A_539] : memref<1000012x16xf32, #tpu.memory_space<hbm>> -> memref<1000012x16xf32, #tpu.memory_space<hbm>>
    tpu.enqueue_indirect_dma source(%dma_start3A_540 : memref<1000012x16xf32, #tpu.memory_space<hbm>>) target(%dma_start3A_535 : memref<512x16xf32, #tpu.memory_space<vmem>>) offsets(%dma_start3A_537 : memref<512xi32, #tpu.memory_space<vmem>>) semaphore(%arg9 : memref<!tpu.dma_semaphore, #tpu.memory_space<semaphore_mem>>) {add = true}
    %dma_wait3A_541 = arith.constant 13 : i32
    %dma_wait3A_542 = arith.constant 6656 : i32
    %dma_wait3A_543 = tpu.memref_slice %arg6[%dma_wait3A_542] : memref<13312xi32, #tpu.memory_space<vmem>> -> memref<512xi32, #tpu.memory_space<vmem>>
    %dma_wait3A_544 = tpu.memref_slice %arg2[%dma_wait3A_541, %mul3A_2] : memref<26x16384xi32, #tpu.memory_space<hbm>> -> memref<1x512xi32, #tpu.memory_space<hbm>>
    %dma_wait3A_545 = tpu.memref_squeeze %dma_wait3A_544 : memref<1x512xi32, #tpu.memory_space<hbm>> -> memref<512xi32, #tpu.memory_space<hbm>>
    %dma_wait3A_546 = arith.constant 6656 : i32
    %dma_wait3A_547 = tpu.memref_slice %arg6[%dma_wait3A_546] : memref<13312xi32, #tpu.memory_space<vmem>> -> memref<512xi32, #tpu.memory_space<vmem>>
    %dma_wait3A_548 = tpu.memref_slice %arg2[%dma_wait3A_541, %mul3A_2] : memref<26x16384xi32, #tpu.memory_space<hbm>> -> memref<1x512xi32, #tpu.memory_space<hbm>>
    %dma_wait3A_549 = tpu.memref_squeeze %dma_wait3A_548 : memref<1x512xi32, #tpu.memory_space<hbm>> -> memref<512xi32, #tpu.memory_space<hbm>>
    tpu.wait_dma2 semaphore(%arg10 : memref<!tpu.dma_semaphore, #tpu.memory_space<semaphore_mem>>) src(%dma_wait3A_549 : memref<512xi32, #tpu.memory_space<hbm>>) dst(%dma_wait3A_547 : memref<512xi32, #tpu.memory_space<vmem>>)
    %scan3A_550 = arith.constant 0 : i32
    %scan3A_551 = arith.constant 0 : i32
    %scan3A_552 = arith.constant 32 : i32
    %scan3A_553 = arith.addi %scan3A_551, %scan3A_552 : i32
    %scan3A_554 = arith.constant 1 : i32
    scf.for %scan3A_1048 = %scan3A_551 to %scan3A_553 step %scan3A_554  : i32 {
      %mul3A_1049 = arith.constant 16 : i32
      %mul3A_1050 = arith.muli %scan3A_1048, %mul3A_1049 : i32
      %add3A_1051 = arith.constant 6656 : i32
      %add3A_1052 = arith.addi %add3A_1051, %mul3A_1050 : i32
      %get3A_1053 = arith.index_cast %add3A_1052 : i32 to index
      %get3A_1054 = tpu.vector_load %arg6[%get3A_1053] {strides = array<i32>} : memref<13312xi32, #tpu.memory_space<vmem>>, vector<16xi32>,
      %get3A_1055 = vector.shape_cast %get3A_1054 : vector<16xi32> to vector<16xi32>
      %add3A_1056 = arith.constant 500006 : i32
      %add3A_1057 = vector.broadcast %add3A_1056 : i32 to vector<16xi32>
      %add3A_1058 = arith.addi %get3A_1055, %add3A_1057 : vector<16xi32>
      %swap3A = arith.index_cast %add3A_1052 : i32 to index
      %swap3A_1059 = tpu.vector_load %arg6[%swap3A] {strides = array<i32>} : memref<13312xi32, #tpu.memory_space<vmem>>, vector<16xi32>,
      %swap3A_1060 = vector.shape_cast %swap3A_1059 : vector<16xi32> to vector<16xi32>
      %swap3A_1061 = vector.shape_cast %add3A_1058 : vector<16xi32> to vector<16xi32>
      tpu.vector_store %arg6[%swap3A], %swap3A_1061 {strides = array<i32>} : memref<13312xi32, #tpu.memory_space<vmem>>, vector<16xi32>,
    }
    %scan3A_555 = arith.constant 32 : i32
    %dma_start3A_556 = arith.constant 0 : i32
    %dma_start3A_557 = arith.constant 0 : i32
    %dma_start3A_558 = tpu.memref_slice %arg7[%dma_start3A_556, %dma_start3A_557] : memref<512x16xf32, #tpu.memory_space<vmem>> -> memref<512x16xf32, #tpu.memory_space<vmem>>
    %dma_start3A_559 = arith.constant 6656 : i32
    %dma_start3A_560 = tpu.memref_slice %arg6[%dma_start3A_559] : memref<13312xi32, #tpu.memory_space<vmem>> -> memref<512xi32, #tpu.memory_space<vmem>>
    %dma_start3A_561 = arith.constant 0 : i32
    %dma_start3A_562 = arith.constant 0 : i32
    %dma_start3A_563 = tpu.memref_slice %arg3[%dma_start3A_561, %dma_start3A_562] : memref<1000012x16xf32, #tpu.memory_space<hbm>> -> memref<1000012x16xf32, #tpu.memory_space<hbm>>
    tpu.enqueue_indirect_dma source(%dma_start3A_563 : memref<1000012x16xf32, #tpu.memory_space<hbm>>) target(%dma_start3A_558 : memref<512x16xf32, #tpu.memory_space<vmem>>) offsets(%dma_start3A_560 : memref<512xi32, #tpu.memory_space<vmem>>) semaphore(%arg9 : memref<!tpu.dma_semaphore, #tpu.memory_space<semaphore_mem>>) {add = true}
    %dma_wait3A_564 = arith.constant 14 : i32
    %dma_wait3A_565 = arith.constant 7168 : i32
    %dma_wait3A_566 = tpu.memref_slice %arg6[%dma_wait3A_565] : memref<13312xi32, #tpu.memory_space<vmem>> -> memref<512xi32, #tpu.memory_space<vmem>>
    %dma_wait3A_567 = tpu.memref_slice %arg2[%dma_wait3A_564, %mul3A_2] : memref<26x16384xi32, #tpu.memory_space<hbm>> -> memref<1x512xi32, #tpu.memory_space<hbm>>
    %dma_wait3A_568 = tpu.memref_squeeze %dma_wait3A_567 : memref<1x512xi32, #tpu.memory_space<hbm>> -> memref<512xi32, #tpu.memory_space<hbm>>
    %dma_wait3A_569 = arith.constant 7168 : i32
    %dma_wait3A_570 = tpu.memref_slice %arg6[%dma_wait3A_569] : memref<13312xi32, #tpu.memory_space<vmem>> -> memref<512xi32, #tpu.memory_space<vmem>>
    %dma_wait3A_571 = tpu.memref_slice %arg2[%dma_wait3A_564, %mul3A_2] : memref<26x16384xi32, #tpu.memory_space<hbm>> -> memref<1x512xi32, #tpu.memory_space<hbm>>
    %dma_wait3A_572 = tpu.memref_squeeze %dma_wait3A_571 : memref<1x512xi32, #tpu.memory_space<hbm>> -> memref<512xi32, #tpu.memory_space<hbm>>
    tpu.wait_dma2 semaphore(%arg10 : memref<!tpu.dma_semaphore, #tpu.memory_space<semaphore_mem>>) src(%dma_wait3A_572 : memref<512xi32, #tpu.memory_space<hbm>>) dst(%dma_wait3A_570 : memref<512xi32, #tpu.memory_space<vmem>>)
    %scan3A_573 = arith.constant 0 : i32
    %scan3A_574 = arith.constant 0 : i32
    %scan3A_575 = arith.constant 32 : i32
    %scan3A_576 = arith.addi %scan3A_574, %scan3A_575 : i32
    %scan3A_577 = arith.constant 1 : i32
    scf.for %scan3A_1048 = %scan3A_574 to %scan3A_576 step %scan3A_577  : i32 {
      %mul3A_1049 = arith.constant 16 : i32
      %mul3A_1050 = arith.muli %scan3A_1048, %mul3A_1049 : i32
      %add3A_1051 = arith.constant 7168 : i32
      %add3A_1052 = arith.addi %add3A_1051, %mul3A_1050 : i32
      %get3A_1053 = arith.index_cast %add3A_1052 : i32 to index
      %get3A_1054 = tpu.vector_load %arg6[%get3A_1053] {strides = array<i32>} : memref<13312xi32, #tpu.memory_space<vmem>>, vector<16xi32>,
      %get3A_1055 = vector.shape_cast %get3A_1054 : vector<16xi32> to vector<16xi32>
      %add3A_1056 = arith.constant 538468 : i32
      %add3A_1057 = vector.broadcast %add3A_1056 : i32 to vector<16xi32>
      %add3A_1058 = arith.addi %get3A_1055, %add3A_1057 : vector<16xi32>
      %swap3A = arith.index_cast %add3A_1052 : i32 to index
      %swap3A_1059 = tpu.vector_load %arg6[%swap3A] {strides = array<i32>} : memref<13312xi32, #tpu.memory_space<vmem>>, vector<16xi32>,
      %swap3A_1060 = vector.shape_cast %swap3A_1059 : vector<16xi32> to vector<16xi32>
      %swap3A_1061 = vector.shape_cast %add3A_1058 : vector<16xi32> to vector<16xi32>
      tpu.vector_store %arg6[%swap3A], %swap3A_1061 {strides = array<i32>} : memref<13312xi32, #tpu.memory_space<vmem>>, vector<16xi32>,
    }
    %scan3A_578 = arith.constant 32 : i32
    %dma_start3A_579 = arith.constant 0 : i32
    %dma_start3A_580 = arith.constant 0 : i32
    %dma_start3A_581 = tpu.memref_slice %arg7[%dma_start3A_579, %dma_start3A_580] : memref<512x16xf32, #tpu.memory_space<vmem>> -> memref<512x16xf32, #tpu.memory_space<vmem>>
    %dma_start3A_582 = arith.constant 7168 : i32
    %dma_start3A_583 = tpu.memref_slice %arg6[%dma_start3A_582] : memref<13312xi32, #tpu.memory_space<vmem>> -> memref<512xi32, #tpu.memory_space<vmem>>
    %dma_start3A_584 = arith.constant 0 : i32
    %dma_start3A_585 = arith.constant 0 : i32
    %dma_start3A_586 = tpu.memref_slice %arg3[%dma_start3A_584, %dma_start3A_585] : memref<1000012x16xf32, #tpu.memory_space<hbm>> -> memref<1000012x16xf32, #tpu.memory_space<hbm>>
    tpu.enqueue_indirect_dma source(%dma_start3A_586 : memref<1000012x16xf32, #tpu.memory_space<hbm>>) target(%dma_start3A_581 : memref<512x16xf32, #tpu.memory_space<vmem>>) offsets(%dma_start3A_583 : memref<512xi32, #tpu.memory_space<vmem>>) semaphore(%arg9 : memref<!tpu.dma_semaphore, #tpu.memory_space<semaphore_mem>>) {add = true}
    %dma_wait3A_587 = arith.constant 15 : i32
    %dma_wait3A_588 = arith.constant 7680 : i32
    %dma_wait3A_589 = tpu.memref_slice %arg6[%dma_wait3A_588] : memref<13312xi32, #tpu.memory_space<vmem>> -> memref<512xi32, #tpu.memory_space<vmem>>
    %dma_wait3A_590 = tpu.memref_slice %arg2[%dma_wait3A_587, %mul3A_2] : memref<26x16384xi32, #tpu.memory_space<hbm>> -> memref<1x512xi32, #tpu.memory_space<hbm>>
    %dma_wait3A_591 = tpu.memref_squeeze %dma_wait3A_590 : memref<1x512xi32, #tpu.memory_space<hbm>> -> memref<512xi32, #tpu.memory_space<hbm>>
    %dma_wait3A_592 = arith.constant 7680 : i32
    %dma_wait3A_593 = tpu.memref_slice %arg6[%dma_wait3A_592] : memref<13312xi32, #tpu.memory_space<vmem>> -> memref<512xi32, #tpu.memory_space<vmem>>
    %dma_wait3A_594 = tpu.memref_slice %arg2[%dma_wait3A_587, %mul3A_2] : memref<26x16384xi32, #tpu.memory_space<hbm>> -> memref<1x512xi32, #tpu.memory_space<hbm>>
    %dma_wait3A_595 = tpu.memref_squeeze %dma_wait3A_594 : memref<1x512xi32, #tpu.memory_space<hbm>> -> memref<512xi32, #tpu.memory_space<hbm>>
    tpu.wait_dma2 semaphore(%arg10 : memref<!tpu.dma_semaphore, #tpu.memory_space<semaphore_mem>>) src(%dma_wait3A_595 : memref<512xi32, #tpu.memory_space<hbm>>) dst(%dma_wait3A_593 : memref<512xi32, #tpu.memory_space<vmem>>)
    %scan3A_596 = arith.constant 0 : i32
    %scan3A_597 = arith.constant 0 : i32
    %scan3A_598 = arith.constant 32 : i32
    %scan3A_599 = arith.addi %scan3A_597, %scan3A_598 : i32
    %scan3A_600 = arith.constant 1 : i32
    scf.for %scan3A_1048 = %scan3A_597 to %scan3A_599 step %scan3A_600  : i32 {
      %mul3A_1049 = arith.constant 16 : i32
      %mul3A_1050 = arith.muli %scan3A_1048, %mul3A_1049 : i32
      %add3A_1051 = arith.constant 7680 : i32
      %add3A_1052 = arith.addi %add3A_1051, %mul3A_1050 : i32
      %get3A_1053 = arith.index_cast %add3A_1052 : i32 to index
      %get3A_1054 = tpu.vector_load %arg6[%get3A_1053] {strides = array<i32>} : memref<13312xi32, #tpu.memory_space<vmem>>, vector<16xi32>,
      %get3A_1055 = vector.shape_cast %get3A_1054 : vector<16xi32> to vector<16xi32>
      %add3A_1056 = arith.constant 576930 : i32
      %add3A_1057 = vector.broadcast %add3A_1056 : i32 to vector<16xi32>
      %add3A_1058 = arith.addi %get3A_1055, %add3A_1057 : vector<16xi32>
      %swap3A = arith.index_cast %add3A_1052 : i32 to index
      %swap3A_1059 = tpu.vector_load %arg6[%swap3A] {strides = array<i32>} : memref<13312xi32, #tpu.memory_space<vmem>>, vector<16xi32>,
      %swap3A_1060 = vector.shape_cast %swap3A_1059 : vector<16xi32> to vector<16xi32>
      %swap3A_1061 = vector.shape_cast %add3A_1058 : vector<16xi32> to vector<16xi32>
      tpu.vector_store %arg6[%swap3A], %swap3A_1061 {strides = array<i32>} : memref<13312xi32, #tpu.memory_space<vmem>>, vector<16xi32>,
    }
    %scan3A_601 = arith.constant 32 : i32
    %dma_start3A_602 = arith.constant 0 : i32
    %dma_start3A_603 = arith.constant 0 : i32
    %dma_start3A_604 = tpu.memref_slice %arg7[%dma_start3A_602, %dma_start3A_603] : memref<512x16xf32, #tpu.memory_space<vmem>> -> memref<512x16xf32, #tpu.memory_space<vmem>>
    %dma_start3A_605 = arith.constant 7680 : i32
    %dma_start3A_606 = tpu.memref_slice %arg6[%dma_start3A_605] : memref<13312xi32, #tpu.memory_space<vmem>> -> memref<512xi32, #tpu.memory_space<vmem>>
    %dma_start3A_607 = arith.constant 0 : i32
    %dma_start3A_608 = arith.constant 0 : i32
    %dma_start3A_609 = tpu.memref_slice %arg3[%dma_start3A_607, %dma_start3A_608] : memref<1000012x16xf32, #tpu.memory_space<hbm>> -> memref<1000012x16xf32, #tpu.memory_space<hbm>>
    tpu.enqueue_indirect_dma source(%dma_start3A_609 : memref<1000012x16xf32, #tpu.memory_space<hbm>>) target(%dma_start3A_604 : memref<512x16xf32, #tpu.memory_space<vmem>>) offsets(%dma_start3A_606 : memref<512xi32, #tpu.memory_space<vmem>>) semaphore(%arg9 : memref<!tpu.dma_semaphore, #tpu.memory_space<semaphore_mem>>) {add = true}
    %dma_wait3A_610 = arith.constant 16 : i32
    %dma_wait3A_611 = arith.constant 8192 : i32
    %dma_wait3A_612 = tpu.memref_slice %arg6[%dma_wait3A_611] : memref<13312xi32, #tpu.memory_space<vmem>> -> memref<512xi32, #tpu.memory_space<vmem>>
    %dma_wait3A_613 = tpu.memref_slice %arg2[%dma_wait3A_610, %mul3A_2] : memref<26x16384xi32, #tpu.memory_space<hbm>> -> memref<1x512xi32, #tpu.memory_space<hbm>>
    %dma_wait3A_614 = tpu.memref_squeeze %dma_wait3A_613 : memref<1x512xi32, #tpu.memory_space<hbm>> -> memref<512xi32, #tpu.memory_space<hbm>>
    %dma_wait3A_615 = arith.constant 8192 : i32
    %dma_wait3A_616 = tpu.memref_slice %arg6[%dma_wait3A_615] : memref<13312xi32, #tpu.memory_space<vmem>> -> memref<512xi32, #tpu.memory_space<vmem>>
    %dma_wait3A_617 = tpu.memref_slice %arg2[%dma_wait3A_610, %mul3A_2] : memref<26x16384xi32, #tpu.memory_space<hbm>> -> memref<1x512xi32, #tpu.memory_space<hbm>>
    %dma_wait3A_618 = tpu.memref_squeeze %dma_wait3A_617 : memref<1x512xi32, #tpu.memory_space<hbm>> -> memref<512xi32, #tpu.memory_space<hbm>>
    tpu.wait_dma2 semaphore(%arg10 : memref<!tpu.dma_semaphore, #tpu.memory_space<semaphore_mem>>) src(%dma_wait3A_618 : memref<512xi32, #tpu.memory_space<hbm>>) dst(%dma_wait3A_616 : memref<512xi32, #tpu.memory_space<vmem>>)
    %scan3A_619 = arith.constant 0 : i32
    %scan3A_620 = arith.constant 0 : i32
    %scan3A_621 = arith.constant 32 : i32
    %scan3A_622 = arith.addi %scan3A_620, %scan3A_621 : i32
    %scan3A_623 = arith.constant 1 : i32
    scf.for %scan3A_1048 = %scan3A_620 to %scan3A_622 step %scan3A_623  : i32 {
      %mul3A_1049 = arith.constant 16 : i32
      %mul3A_1050 = arith.muli %scan3A_1048, %mul3A_1049 : i32
      %add3A_1051 = arith.constant 8192 : i32
      %add3A_1052 = arith.addi %add3A_1051, %mul3A_1050 : i32
      %get3A_1053 = arith.index_cast %add3A_1052 : i32 to index
      %get3A_1054 = tpu.vector_load %arg6[%get3A_1053] {strides = array<i32>} : memref<13312xi32, #tpu.memory_space<vmem>>, vector<16xi32>,
      %get3A_1055 = vector.shape_cast %get3A_1054 : vector<16xi32> to vector<16xi32>
      %add3A_1056 = arith.constant 615392 : i32
      %add3A_1057 = vector.broadcast %add3A_1056 : i32 to vector<16xi32>
      %add3A_1058 = arith.addi %get3A_1055, %add3A_1057 : vector<16xi32>
      %swap3A = arith.index_cast %add3A_1052 : i32 to index
      %swap3A_1059 = tpu.vector_load %arg6[%swap3A] {strides = array<i32>} : memref<13312xi32, #tpu.memory_space<vmem>>, vector<16xi32>,
      %swap3A_1060 = vector.shape_cast %swap3A_1059 : vector<16xi32> to vector<16xi32>
      %swap3A_1061 = vector.shape_cast %add3A_1058 : vector<16xi32> to vector<16xi32>
      tpu.vector_store %arg6[%swap3A], %swap3A_1061 {strides = array<i32>} : memref<13312xi32, #tpu.memory_space<vmem>>, vector<16xi32>,
    }
    %scan3A_624 = arith.constant 32 : i32
    %dma_start3A_625 = arith.constant 0 : i32
    %dma_start3A_626 = arith.constant 0 : i32
    %dma_start3A_627 = tpu.memref_slice %arg7[%dma_start3A_625, %dma_start3A_626] : memref<512x16xf32, #tpu.memory_space<vmem>> -> memref<512x16xf32, #tpu.memory_space<vmem>>
    %dma_start3A_628 = arith.constant 8192 : i32
    %dma_start3A_629 = tpu.memref_slice %arg6[%dma_start3A_628] : memref<13312xi32, #tpu.memory_space<vmem>> -> memref<512xi32, #tpu.memory_space<vmem>>
    %dma_start3A_630 = arith.constant 0 : i32
    %dma_start3A_631 = arith.constant 0 : i32
    %dma_start3A_632 = tpu.memref_slice %arg3[%dma_start3A_630, %dma_start3A_631] : memref<1000012x16xf32, #tpu.memory_space<hbm>> -> memref<1000012x16xf32, #tpu.memory_space<hbm>>
    tpu.enqueue_indirect_dma source(%dma_start3A_632 : memref<1000012x16xf32, #tpu.memory_space<hbm>>) target(%dma_start3A_627 : memref<512x16xf32, #tpu.memory_space<vmem>>) offsets(%dma_start3A_629 : memref<512xi32, #tpu.memory_space<vmem>>) semaphore(%arg9 : memref<!tpu.dma_semaphore, #tpu.memory_space<semaphore_mem>>) {add = true}
    %dma_wait3A_633 = arith.constant 17 : i32
    %dma_wait3A_634 = arith.constant 8704 : i32
    %dma_wait3A_635 = tpu.memref_slice %arg6[%dma_wait3A_634] : memref<13312xi32, #tpu.memory_space<vmem>> -> memref<512xi32, #tpu.memory_space<vmem>>
    %dma_wait3A_636 = tpu.memref_slice %arg2[%dma_wait3A_633, %mul3A_2] : memref<26x16384xi32, #tpu.memory_space<hbm>> -> memref<1x512xi32, #tpu.memory_space<hbm>>
    %dma_wait3A_637 = tpu.memref_squeeze %dma_wait3A_636 : memref<1x512xi32, #tpu.memory_space<hbm>> -> memref<512xi32, #tpu.memory_space<hbm>>
    %dma_wait3A_638 = arith.constant 8704 : i32
    %dma_wait3A_639 = tpu.memref_slice %arg6[%dma_wait3A_638] : memref<13312xi32, #tpu.memory_space<vmem>> -> memref<512xi32, #tpu.memory_space<vmem>>
    %dma_wait3A_640 = tpu.memref_slice %arg2[%dma_wait3A_633, %mul3A_2] : memref<26x16384xi32, #tpu.memory_space<hbm>> -> memref<1x512xi32, #tpu.memory_space<hbm>>
    %dma_wait3A_641 = tpu.memref_squeeze %dma_wait3A_640 : memref<1x512xi32, #tpu.memory_space<hbm>> -> memref<512xi32, #tpu.memory_space<hbm>>
    tpu.wait_dma2 semaphore(%arg10 : memref<!tpu.dma_semaphore, #tpu.memory_space<semaphore_mem>>) src(%dma_wait3A_641 : memref<512xi32, #tpu.memory_space<hbm>>) dst(%dma_wait3A_639 : memref<512xi32, #tpu.memory_space<vmem>>)
    %scan3A_642 = arith.constant 0 : i32
    %scan3A_643 = arith.constant 0 : i32
    %scan3A_644 = arith.constant 32 : i32
    %scan3A_645 = arith.addi %scan3A_643, %scan3A_644 : i32
    %scan3A_646 = arith.constant 1 : i32
    scf.for %scan3A_1048 = %scan3A_643 to %scan3A_645 step %scan3A_646  : i32 {
      %mul3A_1049 = arith.constant 16 : i32
      %mul3A_1050 = arith.muli %scan3A_1048, %mul3A_1049 : i32
      %add3A_1051 = arith.constant 8704 : i32
      %add3A_1052 = arith.addi %add3A_1051, %mul3A_1050 : i32
      %get3A_1053 = arith.index_cast %add3A_1052 : i32 to index
      %get3A_1054 = tpu.vector_load %arg6[%get3A_1053] {strides = array<i32>} : memref<13312xi32, #tpu.memory_space<vmem>>, vector<16xi32>,
      %get3A_1055 = vector.shape_cast %get3A_1054 : vector<16xi32> to vector<16xi32>
      %add3A_1056 = arith.constant 653854 : i32
      %add3A_1057 = vector.broadcast %add3A_1056 : i32 to vector<16xi32>
      %add3A_1058 = arith.addi %get3A_1055, %add3A_1057 : vector<16xi32>
      %swap3A = arith.index_cast %add3A_1052 : i32 to index
      %swap3A_1059 = tpu.vector_load %arg6[%swap3A] {strides = array<i32>} : memref<13312xi32, #tpu.memory_space<vmem>>, vector<16xi32>,
      %swap3A_1060 = vector.shape_cast %swap3A_1059 : vector<16xi32> to vector<16xi32>
      %swap3A_1061 = vector.shape_cast %add3A_1058 : vector<16xi32> to vector<16xi32>
      tpu.vector_store %arg6[%swap3A], %swap3A_1061 {strides = array<i32>} : memref<13312xi32, #tpu.memory_space<vmem>>, vector<16xi32>,
    }
    %scan3A_647 = arith.constant 32 : i32
    %dma_start3A_648 = arith.constant 0 : i32
    %dma_start3A_649 = arith.constant 0 : i32
    %dma_start3A_650 = tpu.memref_slice %arg7[%dma_start3A_648, %dma_start3A_649] : memref<512x16xf32, #tpu.memory_space<vmem>> -> memref<512x16xf32, #tpu.memory_space<vmem>>
    %dma_start3A_651 = arith.constant 8704 : i32
    %dma_start3A_652 = tpu.memref_slice %arg6[%dma_start3A_651] : memref<13312xi32, #tpu.memory_space<vmem>> -> memref<512xi32, #tpu.memory_space<vmem>>
    %dma_start3A_653 = arith.constant 0 : i32
    %dma_start3A_654 = arith.constant 0 : i32
    %dma_start3A_655 = tpu.memref_slice %arg3[%dma_start3A_653, %dma_start3A_654] : memref<1000012x16xf32, #tpu.memory_space<hbm>> -> memref<1000012x16xf32, #tpu.memory_space<hbm>>
    tpu.enqueue_indirect_dma source(%dma_start3A_655 : memref<1000012x16xf32, #tpu.memory_space<hbm>>) target(%dma_start3A_650 : memref<512x16xf32, #tpu.memory_space<vmem>>) offsets(%dma_start3A_652 : memref<512xi32, #tpu.memory_space<vmem>>) semaphore(%arg9 : memref<!tpu.dma_semaphore, #tpu.memory_space<semaphore_mem>>) {add = true}
    %dma_wait3A_656 = arith.constant 18 : i32
    %dma_wait3A_657 = arith.constant 9216 : i32
    %dma_wait3A_658 = tpu.memref_slice %arg6[%dma_wait3A_657] : memref<13312xi32, #tpu.memory_space<vmem>> -> memref<512xi32, #tpu.memory_space<vmem>>
    %dma_wait3A_659 = tpu.memref_slice %arg2[%dma_wait3A_656, %mul3A_2] : memref<26x16384xi32, #tpu.memory_space<hbm>> -> memref<1x512xi32, #tpu.memory_space<hbm>>
    %dma_wait3A_660 = tpu.memref_squeeze %dma_wait3A_659 : memref<1x512xi32, #tpu.memory_space<hbm>> -> memref<512xi32, #tpu.memory_space<hbm>>
    %dma_wait3A_661 = arith.constant 9216 : i32
    %dma_wait3A_662 = tpu.memref_slice %arg6[%dma_wait3A_661] : memref<13312xi32, #tpu.memory_space<vmem>> -> memref<512xi32, #tpu.memory_space<vmem>>
    %dma_wait3A_663 = tpu.memref_slice %arg2[%dma_wait3A_656, %mul3A_2] : memref<26x16384xi32, #tpu.memory_space<hbm>> -> memref<1x512xi32, #tpu.memory_space<hbm>>
    %dma_wait3A_664 = tpu.memref_squeeze %dma_wait3A_663 : memref<1x512xi32, #tpu.memory_space<hbm>> -> memref<512xi32, #tpu.memory_space<hbm>>
    tpu.wait_dma2 semaphore(%arg10 : memref<!tpu.dma_semaphore, #tpu.memory_space<semaphore_mem>>) src(%dma_wait3A_664 : memref<512xi32, #tpu.memory_space<hbm>>) dst(%dma_wait3A_662 : memref<512xi32, #tpu.memory_space<vmem>>)
    %scan3A_665 = arith.constant 0 : i32
    %scan3A_666 = arith.constant 0 : i32
    %scan3A_667 = arith.constant 32 : i32
    %scan3A_668 = arith.addi %scan3A_666, %scan3A_667 : i32
    %scan3A_669 = arith.constant 1 : i32
    scf.for %scan3A_1048 = %scan3A_666 to %scan3A_668 step %scan3A_669  : i32 {
      %mul3A_1049 = arith.constant 16 : i32
      %mul3A_1050 = arith.muli %scan3A_1048, %mul3A_1049 : i32
      %add3A_1051 = arith.constant 9216 : i32
      %add3A_1052 = arith.addi %add3A_1051, %mul3A_1050 : i32
      %get3A_1053 = arith.index_cast %add3A_1052 : i32 to index
      %get3A_1054 = tpu.vector_load %arg6[%get3A_1053] {strides = array<i32>} : memref<13312xi32, #tpu.memory_space<vmem>>, vector<16xi32>,
      %get3A_1055 = vector.shape_cast %get3A_1054 : vector<16xi32> to vector<16xi32>
      %add3A_1056 = arith.constant 692316 : i32
      %add3A_1057 = vector.broadcast %add3A_1056 : i32 to vector<16xi32>
      %add3A_1058 = arith.addi %get3A_1055, %add3A_1057 : vector<16xi32>
      %swap3A = arith.index_cast %add3A_1052 : i32 to index
      %swap3A_1059 = tpu.vector_load %arg6[%swap3A] {strides = array<i32>} : memref<13312xi32, #tpu.memory_space<vmem>>, vector<16xi32>,
      %swap3A_1060 = vector.shape_cast %swap3A_1059 : vector<16xi32> to vector<16xi32>
      %swap3A_1061 = vector.shape_cast %add3A_1058 : vector<16xi32> to vector<16xi32>
      tpu.vector_store %arg6[%swap3A], %swap3A_1061 {strides = array<i32>} : memref<13312xi32, #tpu.memory_space<vmem>>, vector<16xi32>,
    }
    %scan3A_670 = arith.constant 32 : i32
    %dma_start3A_671 = arith.constant 0 : i32
    %dma_start3A_672 = arith.constant 0 : i32
    %dma_start3A_673 = tpu.memref_slice %arg7[%dma_start3A_671, %dma_start3A_672] : memref<512x16xf32, #tpu.memory_space<vmem>> -> memref<512x16xf32, #tpu.memory_space<vmem>>
    %dma_start3A_674 = arith.constant 9216 : i32
    %dma_start3A_675 = tpu.memref_slice %arg6[%dma_start3A_674] : memref<13312xi32, #tpu.memory_space<vmem>> -> memref<512xi32, #tpu.memory_space<vmem>>
    %dma_start3A_676 = arith.constant 0 : i32
    %dma_start3A_677 = arith.constant 0 : i32
    %dma_start3A_678 = tpu.memref_slice %arg3[%dma_start3A_676, %dma_start3A_677] : memref<1000012x16xf32, #tpu.memory_space<hbm>> -> memref<1000012x16xf32, #tpu.memory_space<hbm>>
    tpu.enqueue_indirect_dma source(%dma_start3A_678 : memref<1000012x16xf32, #tpu.memory_space<hbm>>) target(%dma_start3A_673 : memref<512x16xf32, #tpu.memory_space<vmem>>) offsets(%dma_start3A_675 : memref<512xi32, #tpu.memory_space<vmem>>) semaphore(%arg9 : memref<!tpu.dma_semaphore, #tpu.memory_space<semaphore_mem>>) {add = true}
    %dma_wait3A_679 = arith.constant 19 : i32
    %dma_wait3A_680 = arith.constant 9728 : i32
    %dma_wait3A_681 = tpu.memref_slice %arg6[%dma_wait3A_680] : memref<13312xi32, #tpu.memory_space<vmem>> -> memref<512xi32, #tpu.memory_space<vmem>>
    %dma_wait3A_682 = tpu.memref_slice %arg2[%dma_wait3A_679, %mul3A_2] : memref<26x16384xi32, #tpu.memory_space<hbm>> -> memref<1x512xi32, #tpu.memory_space<hbm>>
    %dma_wait3A_683 = tpu.memref_squeeze %dma_wait3A_682 : memref<1x512xi32, #tpu.memory_space<hbm>> -> memref<512xi32, #tpu.memory_space<hbm>>
    %dma_wait3A_684 = arith.constant 9728 : i32
    %dma_wait3A_685 = tpu.memref_slice %arg6[%dma_wait3A_684] : memref<13312xi32, #tpu.memory_space<vmem>> -> memref<512xi32, #tpu.memory_space<vmem>>
    %dma_wait3A_686 = tpu.memref_slice %arg2[%dma_wait3A_679, %mul3A_2] : memref<26x16384xi32, #tpu.memory_space<hbm>> -> memref<1x512xi32, #tpu.memory_space<hbm>>
    %dma_wait3A_687 = tpu.memref_squeeze %dma_wait3A_686 : memref<1x512xi32, #tpu.memory_space<hbm>> -> memref<512xi32, #tpu.memory_space<hbm>>
    tpu.wait_dma2 semaphore(%arg10 : memref<!tpu.dma_semaphore, #tpu.memory_space<semaphore_mem>>) src(%dma_wait3A_687 : memref<512xi32, #tpu.memory_space<hbm>>) dst(%dma_wait3A_685 : memref<512xi32, #tpu.memory_space<vmem>>)
    %scan3A_688 = arith.constant 0 : i32
    %scan3A_689 = arith.constant 0 : i32
    %scan3A_690 = arith.constant 32 : i32
    %scan3A_691 = arith.addi %scan3A_689, %scan3A_690 : i32
    %scan3A_692 = arith.constant 1 : i32
    scf.for %scan3A_1048 = %scan3A_689 to %scan3A_691 step %scan3A_692  : i32 {
      %mul3A_1049 = arith.constant 16 : i32
      %mul3A_1050 = arith.muli %scan3A_1048, %mul3A_1049 : i32
      %add3A_1051 = arith.constant 9728 : i32
      %add3A_1052 = arith.addi %add3A_1051, %mul3A_1050 : i32
      %get3A_1053 = arith.index_cast %add3A_1052 : i32 to index
      %get3A_1054 = tpu.vector_load %arg6[%get3A_1053] {strides = array<i32>} : memref<13312xi32, #tpu.memory_space<vmem>>, vector<16xi32>,
      %get3A_1055 = vector.shape_cast %get3A_1054 : vector<16xi32> to vector<16xi32>
      %add3A_1056 = arith.constant 730778 : i32
      %add3A_1057 = vector.broadcast %add3A_1056 : i32 to vector<16xi32>
      %add3A_1058 = arith.addi %get3A_1055, %add3A_1057 : vector<16xi32>
      %swap3A = arith.index_cast %add3A_1052 : i32 to index
      %swap3A_1059 = tpu.vector_load %arg6[%swap3A] {strides = array<i32>} : memref<13312xi32, #tpu.memory_space<vmem>>, vector<16xi32>,
      %swap3A_1060 = vector.shape_cast %swap3A_1059 : vector<16xi32> to vector<16xi32>
      %swap3A_1061 = vector.shape_cast %add3A_1058 : vector<16xi32> to vector<16xi32>
      tpu.vector_store %arg6[%swap3A], %swap3A_1061 {strides = array<i32>} : memref<13312xi32, #tpu.memory_space<vmem>>, vector<16xi32>,
    }
    %scan3A_693 = arith.constant 32 : i32
    %dma_start3A_694 = arith.constant 0 : i32
    %dma_start3A_695 = arith.constant 0 : i32
    %dma_start3A_696 = tpu.memref_slice %arg7[%dma_start3A_694, %dma_start3A_695] : memref<512x16xf32, #tpu.memory_space<vmem>> -> memref<512x16xf32, #tpu.memory_space<vmem>>
    %dma_start3A_697 = arith.constant 9728 : i32
    %dma_start3A_698 = tpu.memref_slice %arg6[%dma_start3A_697] : memref<13312xi32, #tpu.memory_space<vmem>> -> memref<512xi32, #tpu.memory_space<vmem>>
    %dma_start3A_699 = arith.constant 0 : i32
    %dma_start3A_700 = arith.constant 0 : i32
    %dma_start3A_701 = tpu.memref_slice %arg3[%dma_start3A_699, %dma_start3A_700] : memref<1000012x16xf32, #tpu.memory_space<hbm>> -> memref<1000012x16xf32, #tpu.memory_space<hbm>>
    tpu.enqueue_indirect_dma source(%dma_start3A_701 : memref<1000012x16xf32, #tpu.memory_space<hbm>>) target(%dma_start3A_696 : memref<512x16xf32, #tpu.memory_space<vmem>>) offsets(%dma_start3A_698 : memref<512xi32, #tpu.memory_space<vmem>>) semaphore(%arg9 : memref<!tpu.dma_semaphore, #tpu.memory_space<semaphore_mem>>) {add = true}
    %dma_wait3A_702 = arith.constant 20 : i32
    %dma_wait3A_703 = arith.constant 10240 : i32
    %dma_wait3A_704 = tpu.memref_slice %arg6[%dma_wait3A_703] : memref<13312xi32, #tpu.memory_space<vmem>> -> memref<512xi32, #tpu.memory_space<vmem>>
    %dma_wait3A_705 = tpu.memref_slice %arg2[%dma_wait3A_702, %mul3A_2] : memref<26x16384xi32, #tpu.memory_space<hbm>> -> memref<1x512xi32, #tpu.memory_space<hbm>>
    %dma_wait3A_706 = tpu.memref_squeeze %dma_wait3A_705 : memref<1x512xi32, #tpu.memory_space<hbm>> -> memref<512xi32, #tpu.memory_space<hbm>>
    %dma_wait3A_707 = arith.constant 10240 : i32
    %dma_wait3A_708 = tpu.memref_slice %arg6[%dma_wait3A_707] : memref<13312xi32, #tpu.memory_space<vmem>> -> memref<512xi32, #tpu.memory_space<vmem>>
    %dma_wait3A_709 = tpu.memref_slice %arg2[%dma_wait3A_702, %mul3A_2] : memref<26x16384xi32, #tpu.memory_space<hbm>> -> memref<1x512xi32, #tpu.memory_space<hbm>>
    %dma_wait3A_710 = tpu.memref_squeeze %dma_wait3A_709 : memref<1x512xi32, #tpu.memory_space<hbm>> -> memref<512xi32, #tpu.memory_space<hbm>>
    tpu.wait_dma2 semaphore(%arg10 : memref<!tpu.dma_semaphore, #tpu.memory_space<semaphore_mem>>) src(%dma_wait3A_710 : memref<512xi32, #tpu.memory_space<hbm>>) dst(%dma_wait3A_708 : memref<512xi32, #tpu.memory_space<vmem>>)
    %scan3A_711 = arith.constant 0 : i32
    %scan3A_712 = arith.constant 0 : i32
    %scan3A_713 = arith.constant 32 : i32
    %scan3A_714 = arith.addi %scan3A_712, %scan3A_713 : i32
    %scan3A_715 = arith.constant 1 : i32
    scf.for %scan3A_1048 = %scan3A_712 to %scan3A_714 step %scan3A_715  : i32 {
      %mul3A_1049 = arith.constant 16 : i32
      %mul3A_1050 = arith.muli %scan3A_1048, %mul3A_1049 : i32
      %add3A_1051 = arith.constant 10240 : i32
      %add3A_1052 = arith.addi %add3A_1051, %mul3A_1050 : i32
      %get3A_1053 = arith.index_cast %add3A_1052 : i32 to index
      %get3A_1054 = tpu.vector_load %arg6[%get3A_1053] {strides = array<i32>} : memref<13312xi32, #tpu.memory_space<vmem>>, vector<16xi32>,
      %get3A_1055 = vector.shape_cast %get3A_1054 : vector<16xi32> to vector<16xi32>
      %add3A_1056 = arith.constant 769240 : i32
      %add3A_1057 = vector.broadcast %add3A_1056 : i32 to vector<16xi32>
      %add3A_1058 = arith.addi %get3A_1055, %add3A_1057 : vector<16xi32>
      %swap3A = arith.index_cast %add3A_1052 : i32 to index
      %swap3A_1059 = tpu.vector_load %arg6[%swap3A] {strides = array<i32>} : memref<13312xi32, #tpu.memory_space<vmem>>, vector<16xi32>,
      %swap3A_1060 = vector.shape_cast %swap3A_1059 : vector<16xi32> to vector<16xi32>
      %swap3A_1061 = vector.shape_cast %add3A_1058 : vector<16xi32> to vector<16xi32>
      tpu.vector_store %arg6[%swap3A], %swap3A_1061 {strides = array<i32>} : memref<13312xi32, #tpu.memory_space<vmem>>, vector<16xi32>,
    }
    %scan3A_716 = arith.constant 32 : i32
    %dma_start3A_717 = arith.constant 0 : i32
    %dma_start3A_718 = arith.constant 0 : i32
    %dma_start3A_719 = tpu.memref_slice %arg7[%dma_start3A_717, %dma_start3A_718] : memref<512x16xf32, #tpu.memory_space<vmem>> -> memref<512x16xf32, #tpu.memory_space<vmem>>
    %dma_start3A_720 = arith.constant 10240 : i32
    %dma_start3A_721 = tpu.memref_slice %arg6[%dma_start3A_720] : memref<13312xi32, #tpu.memory_space<vmem>> -> memref<512xi32, #tpu.memory_space<vmem>>
    %dma_start3A_722 = arith.constant 0 : i32
    %dma_start3A_723 = arith.constant 0 : i32
    %dma_start3A_724 = tpu.memref_slice %arg3[%dma_start3A_722, %dma_start3A_723] : memref<1000012x16xf32, #tpu.memory_space<hbm>> -> memref<1000012x16xf32, #tpu.memory_space<hbm>>
    tpu.enqueue_indirect_dma source(%dma_start3A_724 : memref<1000012x16xf32, #tpu.memory_space<hbm>>) target(%dma_start3A_719 : memref<512x16xf32, #tpu.memory_space<vmem>>) offsets(%dma_start3A_721 : memref<512xi32, #tpu.memory_space<vmem>>) semaphore(%arg9 : memref<!tpu.dma_semaphore, #tpu.memory_space<semaphore_mem>>) {add = true}
    %dma_wait3A_725 = arith.constant 21 : i32
    %dma_wait3A_726 = arith.constant 10752 : i32
    %dma_wait3A_727 = tpu.memref_slice %arg6[%dma_wait3A_726] : memref<13312xi32, #tpu.memory_space<vmem>> -> memref<512xi32, #tpu.memory_space<vmem>>
    %dma_wait3A_728 = tpu.memref_slice %arg2[%dma_wait3A_725, %mul3A_2] : memref<26x16384xi32, #tpu.memory_space<hbm>> -> memref<1x512xi32, #tpu.memory_space<hbm>>
    %dma_wait3A_729 = tpu.memref_squeeze %dma_wait3A_728 : memref<1x512xi32, #tpu.memory_space<hbm>> -> memref<512xi32, #tpu.memory_space<hbm>>
    %dma_wait3A_730 = arith.constant 10752 : i32
    %dma_wait3A_731 = tpu.memref_slice %arg6[%dma_wait3A_730] : memref<13312xi32, #tpu.memory_space<vmem>> -> memref<512xi32, #tpu.memory_space<vmem>>
    %dma_wait3A_732 = tpu.memref_slice %arg2[%dma_wait3A_725, %mul3A_2] : memref<26x16384xi32, #tpu.memory_space<hbm>> -> memref<1x512xi32, #tpu.memory_space<hbm>>
    %dma_wait3A_733 = tpu.memref_squeeze %dma_wait3A_732 : memref<1x512xi32, #tpu.memory_space<hbm>> -> memref<512xi32, #tpu.memory_space<hbm>>
    tpu.wait_dma2 semaphore(%arg10 : memref<!tpu.dma_semaphore, #tpu.memory_space<semaphore_mem>>) src(%dma_wait3A_733 : memref<512xi32, #tpu.memory_space<hbm>>) dst(%dma_wait3A_731 : memref<512xi32, #tpu.memory_space<vmem>>)
    %scan3A_734 = arith.constant 0 : i32
    %scan3A_735 = arith.constant 0 : i32
    %scan3A_736 = arith.constant 32 : i32
    %scan3A_737 = arith.addi %scan3A_735, %scan3A_736 : i32
    %scan3A_738 = arith.constant 1 : i32
    scf.for %scan3A_1048 = %scan3A_735 to %scan3A_737 step %scan3A_738  : i32 {
      %mul3A_1049 = arith.constant 16 : i32
      %mul3A_1050 = arith.muli %scan3A_1048, %mul3A_1049 : i32
      %add3A_1051 = arith.constant 10752 : i32
      %add3A_1052 = arith.addi %add3A_1051, %mul3A_1050 : i32
      %get3A_1053 = arith.index_cast %add3A_1052 : i32 to index
      %get3A_1054 = tpu.vector_load %arg6[%get3A_1053] {strides = array<i32>} : memref<13312xi32, #tpu.memory_space<vmem>>, vector<16xi32>,
      %get3A_1055 = vector.shape_cast %get3A_1054 : vector<16xi32> to vector<16xi32>
      %add3A_1056 = arith.constant 807702 : i32
      %add3A_1057 = vector.broadcast %add3A_1056 : i32 to vector<16xi32>
      %add3A_1058 = arith.addi %get3A_1055, %add3A_1057 : vector<16xi32>
      %swap3A = arith.index_cast %add3A_1052 : i32 to index
      %swap3A_1059 = tpu.vector_load %arg6[%swap3A] {strides = array<i32>} : memref<13312xi32, #tpu.memory_space<vmem>>, vector<16xi32>,
      %swap3A_1060 = vector.shape_cast %swap3A_1059 : vector<16xi32> to vector<16xi32>
      %swap3A_1061 = vector.shape_cast %add3A_1058 : vector<16xi32> to vector<16xi32>
      tpu.vector_store %arg6[%swap3A], %swap3A_1061 {strides = array<i32>} : memref<13312xi32, #tpu.memory_space<vmem>>, vector<16xi32>,
    }
    %scan3A_739 = arith.constant 32 : i32
    %dma_start3A_740 = arith.constant 0 : i32
    %dma_start3A_741 = arith.constant 0 : i32
    %dma_start3A_742 = tpu.memref_slice %arg7[%dma_start3A_740, %dma_start3A_741] : memref<512x16xf32, #tpu.memory_space<vmem>> -> memref<512x16xf32, #tpu.memory_space<vmem>>
    %dma_start3A_743 = arith.constant 10752 : i32
    %dma_start3A_744 = tpu.memref_slice %arg6[%dma_start3A_743] : memref<13312xi32, #tpu.memory_space<vmem>> -> memref<512xi32, #tpu.memory_space<vmem>>
    %dma_start3A_745 = arith.constant 0 : i32
    %dma_start3A_746 = arith.constant 0 : i32
    %dma_start3A_747 = tpu.memref_slice %arg3[%dma_start3A_745, %dma_start3A_746] : memref<1000012x16xf32, #tpu.memory_space<hbm>> -> memref<1000012x16xf32, #tpu.memory_space<hbm>>
    tpu.enqueue_indirect_dma source(%dma_start3A_747 : memref<1000012x16xf32, #tpu.memory_space<hbm>>) target(%dma_start3A_742 : memref<512x16xf32, #tpu.memory_space<vmem>>) offsets(%dma_start3A_744 : memref<512xi32, #tpu.memory_space<vmem>>) semaphore(%arg9 : memref<!tpu.dma_semaphore, #tpu.memory_space<semaphore_mem>>) {add = true}
    %dma_wait3A_748 = arith.constant 22 : i32
    %dma_wait3A_749 = arith.constant 11264 : i32
    %dma_wait3A_750 = tpu.memref_slice %arg6[%dma_wait3A_749] : memref<13312xi32, #tpu.memory_space<vmem>> -> memref<512xi32, #tpu.memory_space<vmem>>
    %dma_wait3A_751 = tpu.memref_slice %arg2[%dma_wait3A_748, %mul3A_2] : memref<26x16384xi32, #tpu.memory_space<hbm>> -> memref<1x512xi32, #tpu.memory_space<hbm>>
    %dma_wait3A_752 = tpu.memref_squeeze %dma_wait3A_751 : memref<1x512xi32, #tpu.memory_space<hbm>> -> memref<512xi32, #tpu.memory_space<hbm>>
    %dma_wait3A_753 = arith.constant 11264 : i32
    %dma_wait3A_754 = tpu.memref_slice %arg6[%dma_wait3A_753] : memref<13312xi32, #tpu.memory_space<vmem>> -> memref<512xi32, #tpu.memory_space<vmem>>
    %dma_wait3A_755 = tpu.memref_slice %arg2[%dma_wait3A_748, %mul3A_2] : memref<26x16384xi32, #tpu.memory_space<hbm>> -> memref<1x512xi32, #tpu.memory_space<hbm>>
    %dma_wait3A_756 = tpu.memref_squeeze %dma_wait3A_755 : memref<1x512xi32, #tpu.memory_space<hbm>> -> memref<512xi32, #tpu.memory_space<hbm>>
    tpu.wait_dma2 semaphore(%arg10 : memref<!tpu.dma_semaphore, #tpu.memory_space<semaphore_mem>>) src(%dma_wait3A_756 : memref<512xi32, #tpu.memory_space<hbm>>) dst(%dma_wait3A_754 : memref<512xi32, #tpu.memory_space<vmem>>)
    %scan3A_757 = arith.constant 0 : i32
    %scan3A_758 = arith.constant 0 : i32
    %scan3A_759 = arith.constant 32 : i32
    %scan3A_760 = arith.addi %scan3A_758, %scan3A_759 : i32
    %scan3A_761 = arith.constant 1 : i32
    scf.for %scan3A_1048 = %scan3A_758 to %scan3A_760 step %scan3A_761  : i32 {
      %mul3A_1049 = arith.constant 16 : i32
      %mul3A_1050 = arith.muli %scan3A_1048, %mul3A_1049 : i32
      %add3A_1051 = arith.constant 11264 : i32
      %add3A_1052 = arith.addi %add3A_1051, %mul3A_1050 : i32
      %get3A_1053 = arith.index_cast %add3A_1052 : i32 to index
      %get3A_1054 = tpu.vector_load %arg6[%get3A_1053] {strides = array<i32>} : memref<13312xi32, #tpu.memory_space<vmem>>, vector<16xi32>,
      %get3A_1055 = vector.shape_cast %get3A_1054 : vector<16xi32> to vector<16xi32>
      %add3A_1056 = arith.constant 846164 : i32
      %add3A_1057 = vector.broadcast %add3A_1056 : i32 to vector<16xi32>
      %add3A_1058 = arith.addi %get3A_1055, %add3A_1057 : vector<16xi32>
      %swap3A = arith.index_cast %add3A_1052 : i32 to index
      %swap3A_1059 = tpu.vector_load %arg6[%swap3A] {strides = array<i32>} : memref<13312xi32, #tpu.memory_space<vmem>>, vector<16xi32>,
      %swap3A_1060 = vector.shape_cast %swap3A_1059 : vector<16xi32> to vector<16xi32>
      %swap3A_1061 = vector.shape_cast %add3A_1058 : vector<16xi32> to vector<16xi32>
      tpu.vector_store %arg6[%swap3A], %swap3A_1061 {strides = array<i32>} : memref<13312xi32, #tpu.memory_space<vmem>>, vector<16xi32>,
    }
    %scan3A_762 = arith.constant 32 : i32
    %dma_start3A_763 = arith.constant 0 : i32
    %dma_start3A_764 = arith.constant 0 : i32
    %dma_start3A_765 = tpu.memref_slice %arg7[%dma_start3A_763, %dma_start3A_764] : memref<512x16xf32, #tpu.memory_space<vmem>> -> memref<512x16xf32, #tpu.memory_space<vmem>>
    %dma_start3A_766 = arith.constant 11264 : i32
    %dma_start3A_767 = tpu.memref_slice %arg6[%dma_start3A_766] : memref<13312xi32, #tpu.memory_space<vmem>> -> memref<512xi32, #tpu.memory_space<vmem>>
    %dma_start3A_768 = arith.constant 0 : i32
    %dma_start3A_769 = arith.constant 0 : i32
    %dma_start3A_770 = tpu.memref_slice %arg3[%dma_start3A_768, %dma_start3A_769] : memref<1000012x16xf32, #tpu.memory_space<hbm>> -> memref<1000012x16xf32, #tpu.memory_space<hbm>>
    tpu.enqueue_indirect_dma source(%dma_start3A_770 : memref<1000012x16xf32, #tpu.memory_space<hbm>>) target(%dma_start3A_765 : memref<512x16xf32, #tpu.memory_space<vmem>>) offsets(%dma_start3A_767 : memref<512xi32, #tpu.memory_space<vmem>>) semaphore(%arg9 : memref<!tpu.dma_semaphore, #tpu.memory_space<semaphore_mem>>) {add = true}
    %dma_wait3A_771 = arith.constant 23 : i32
    %dma_wait3A_772 = arith.constant 11776 : i32
    %dma_wait3A_773 = tpu.memref_slice %arg6[%dma_wait3A_772] : memref<13312xi32, #tpu.memory_space<vmem>> -> memref<512xi32, #tpu.memory_space<vmem>>
    %dma_wait3A_774 = tpu.memref_slice %arg2[%dma_wait3A_771, %mul3A_2] : memref<26x16384xi32, #tpu.memory_space<hbm>> -> memref<1x512xi32, #tpu.memory_space<hbm>>
    %dma_wait3A_775 = tpu.memref_squeeze %dma_wait3A_774 : memref<1x512xi32, #tpu.memory_space<hbm>> -> memref<512xi32, #tpu.memory_space<hbm>>
    %dma_wait3A_776 = arith.constant 11776 : i32
    %dma_wait3A_777 = tpu.memref_slice %arg6[%dma_wait3A_776] : memref<13312xi32, #tpu.memory_space<vmem>> -> memref<512xi32, #tpu.memory_space<vmem>>
    %dma_wait3A_778 = tpu.memref_slice %arg2[%dma_wait3A_771, %mul3A_2] : memref<26x16384xi32, #tpu.memory_space<hbm>> -> memref<1x512xi32, #tpu.memory_space<hbm>>
    %dma_wait3A_779 = tpu.memref_squeeze %dma_wait3A_778 : memref<1x512xi32, #tpu.memory_space<hbm>> -> memref<512xi32, #tpu.memory_space<hbm>>
    tpu.wait_dma2 semaphore(%arg10 : memref<!tpu.dma_semaphore, #tpu.memory_space<semaphore_mem>>) src(%dma_wait3A_779 : memref<512xi32, #tpu.memory_space<hbm>>) dst(%dma_wait3A_777 : memref<512xi32, #tpu.memory_space<vmem>>)
    %scan3A_780 = arith.constant 0 : i32
    %scan3A_781 = arith.constant 0 : i32
    %scan3A_782 = arith.constant 32 : i32
    %scan3A_783 = arith.addi %scan3A_781, %scan3A_782 : i32
    %scan3A_784 = arith.constant 1 : i32
    scf.for %scan3A_1048 = %scan3A_781 to %scan3A_783 step %scan3A_784  : i32 {
      %mul3A_1049 = arith.constant 16 : i32
      %mul3A_1050 = arith.muli %scan3A_1048, %mul3A_1049 : i32
      %add3A_1051 = arith.constant 11776 : i32
      %add3A_1052 = arith.addi %add3A_1051, %mul3A_1050 : i32
      %get3A_1053 = arith.index_cast %add3A_1052 : i32 to index
      %get3A_1054 = tpu.vector_load %arg6[%get3A_1053] {strides = array<i32>} : memref<13312xi32, #tpu.memory_space<vmem>>, vector<16xi32>,
      %get3A_1055 = vector.shape_cast %get3A_1054 : vector<16xi32> to vector<16xi32>
      %add3A_1056 = arith.constant 884626 : i32
      %add3A_1057 = vector.broadcast %add3A_1056 : i32 to vector<16xi32>
      %add3A_1058 = arith.addi %get3A_1055, %add3A_1057 : vector<16xi32>
      %swap3A = arith.index_cast %add3A_1052 : i32 to index
      %swap3A_1059 = tpu.vector_load %arg6[%swap3A] {strides = array<i32>} : memref<13312xi32, #tpu.memory_space<vmem>>, vector<16xi32>,
      %swap3A_1060 = vector.shape_cast %swap3A_1059 : vector<16xi32> to vector<16xi32>
      %swap3A_1061 = vector.shape_cast %add3A_1058 : vector<16xi32> to vector<16xi32>
      tpu.vector_store %arg6[%swap3A], %swap3A_1061 {strides = array<i32>} : memref<13312xi32, #tpu.memory_space<vmem>>, vector<16xi32>,
    }
    %scan3A_785 = arith.constant 32 : i32
    %dma_start3A_786 = arith.constant 0 : i32
    %dma_start3A_787 = arith.constant 0 : i32
    %dma_start3A_788 = tpu.memref_slice %arg7[%dma_start3A_786, %dma_start3A_787] : memref<512x16xf32, #tpu.memory_space<vmem>> -> memref<512x16xf32, #tpu.memory_space<vmem>>
    %dma_start3A_789 = arith.constant 11776 : i32
    %dma_start3A_790 = tpu.memref_slice %arg6[%dma_start3A_789] : memref<13312xi32, #tpu.memory_space<vmem>> -> memref<512xi32, #tpu.memory_space<vmem>>
    %dma_start3A_791 = arith.constant 0 : i32
    %dma_start3A_792 = arith.constant 0 : i32
    %dma_start3A_793 = tpu.memref_slice %arg3[%dma_start3A_791, %dma_start3A_792] : memref<1000012x16xf32, #tpu.memory_space<hbm>> -> memref<1000012x16xf32, #tpu.memory_space<hbm>>
    tpu.enqueue_indirect_dma source(%dma_start3A_793 : memref<1000012x16xf32, #tpu.memory_space<hbm>>) target(%dma_start3A_788 : memref<512x16xf32, #tpu.memory_space<vmem>>) offsets(%dma_start3A_790 : memref<512xi32, #tpu.memory_space<vmem>>) semaphore(%arg9 : memref<!tpu.dma_semaphore, #tpu.memory_space<semaphore_mem>>) {add = true}
    %dma_wait3A_794 = arith.constant 24 : i32
    %dma_wait3A_795 = arith.constant 12288 : i32
    %dma_wait3A_796 = tpu.memref_slice %arg6[%dma_wait3A_795] : memref<13312xi32, #tpu.memory_space<vmem>> -> memref<512xi32, #tpu.memory_space<vmem>>
    %dma_wait3A_797 = tpu.memref_slice %arg2[%dma_wait3A_794, %mul3A_2] : memref<26x16384xi32, #tpu.memory_space<hbm>> -> memref<1x512xi32, #tpu.memory_space<hbm>>
    %dma_wait3A_798 = tpu.memref_squeeze %dma_wait3A_797 : memref<1x512xi32, #tpu.memory_space<hbm>> -> memref<512xi32, #tpu.memory_space<hbm>>
    %dma_wait3A_799 = arith.constant 12288 : i32
    %dma_wait3A_800 = tpu.memref_slice %arg6[%dma_wait3A_799] : memref<13312xi32, #tpu.memory_space<vmem>> -> memref<512xi32, #tpu.memory_space<vmem>>
    %dma_wait3A_801 = tpu.memref_slice %arg2[%dma_wait3A_794, %mul3A_2] : memref<26x16384xi32, #tpu.memory_space<hbm>> -> memref<1x512xi32, #tpu.memory_space<hbm>>
    %dma_wait3A_802 = tpu.memref_squeeze %dma_wait3A_801 : memref<1x512xi32, #tpu.memory_space<hbm>> -> memref<512xi32, #tpu.memory_space<hbm>>
    tpu.wait_dma2 semaphore(%arg10 : memref<!tpu.dma_semaphore, #tpu.memory_space<semaphore_mem>>) src(%dma_wait3A_802 : memref<512xi32, #tpu.memory_space<hbm>>) dst(%dma_wait3A_800 : memref<512xi32, #tpu.memory_space<vmem>>)
    %scan3A_803 = arith.constant 0 : i32
    %scan3A_804 = arith.constant 0 : i32
    %scan3A_805 = arith.constant 32 : i32
    %scan3A_806 = arith.addi %scan3A_804, %scan3A_805 : i32
    %scan3A_807 = arith.constant 1 : i32
    scf.for %scan3A_1048 = %scan3A_804 to %scan3A_806 step %scan3A_807  : i32 {
      %mul3A_1049 = arith.constant 16 : i32
      %mul3A_1050 = arith.muli %scan3A_1048, %mul3A_1049 : i32
      %add3A_1051 = arith.constant 12288 : i32
      %add3A_1052 = arith.addi %add3A_1051, %mul3A_1050 : i32
      %get3A_1053 = arith.index_cast %add3A_1052 : i32 to index
      %get3A_1054 = tpu.vector_load %arg6[%get3A_1053] {strides = array<i32>} : memref<13312xi32, #tpu.memory_space<vmem>>, vector<16xi32>,
      %get3A_1055 = vector.shape_cast %get3A_1054 : vector<16xi32> to vector<16xi32>
      %add3A_1056 = arith.constant 923088 : i32
      %add3A_1057 = vector.broadcast %add3A_1056 : i32 to vector<16xi32>
      %add3A_1058 = arith.addi %get3A_1055, %add3A_1057 : vector<16xi32>
      %swap3A = arith.index_cast %add3A_1052 : i32 to index
      %swap3A_1059 = tpu.vector_load %arg6[%swap3A] {strides = array<i32>} : memref<13312xi32, #tpu.memory_space<vmem>>, vector<16xi32>,
      %swap3A_1060 = vector.shape_cast %swap3A_1059 : vector<16xi32> to vector<16xi32>
      %swap3A_1061 = vector.shape_cast %add3A_1058 : vector<16xi32> to vector<16xi32>
      tpu.vector_store %arg6[%swap3A], %swap3A_1061 {strides = array<i32>} : memref<13312xi32, #tpu.memory_space<vmem>>, vector<16xi32>,
    }
    %scan3A_808 = arith.constant 32 : i32
    %dma_start3A_809 = arith.constant 0 : i32
    %dma_start3A_810 = arith.constant 0 : i32
    %dma_start3A_811 = tpu.memref_slice %arg7[%dma_start3A_809, %dma_start3A_810] : memref<512x16xf32, #tpu.memory_space<vmem>> -> memref<512x16xf32, #tpu.memory_space<vmem>>
    %dma_start3A_812 = arith.constant 12288 : i32
    %dma_start3A_813 = tpu.memref_slice %arg6[%dma_start3A_812] : memref<13312xi32, #tpu.memory_space<vmem>> -> memref<512xi32, #tpu.memory_space<vmem>>
    %dma_start3A_814 = arith.constant 0 : i32
    %dma_start3A_815 = arith.constant 0 : i32
    %dma_start3A_816 = tpu.memref_slice %arg3[%dma_start3A_814, %dma_start3A_815] : memref<1000012x16xf32, #tpu.memory_space<hbm>> -> memref<1000012x16xf32, #tpu.memory_space<hbm>>
    tpu.enqueue_indirect_dma source(%dma_start3A_816 : memref<1000012x16xf32, #tpu.memory_space<hbm>>) target(%dma_start3A_811 : memref<512x16xf32, #tpu.memory_space<vmem>>) offsets(%dma_start3A_813 : memref<512xi32, #tpu.memory_space<vmem>>) semaphore(%arg9 : memref<!tpu.dma_semaphore, #tpu.memory_space<semaphore_mem>>) {add = true}
    %dma_wait3A_817 = arith.constant 25 : i32
    %dma_wait3A_818 = arith.constant 12800 : i32
    %dma_wait3A_819 = tpu.memref_slice %arg6[%dma_wait3A_818] : memref<13312xi32, #tpu.memory_space<vmem>> -> memref<512xi32, #tpu.memory_space<vmem>>
    %dma_wait3A_820 = tpu.memref_slice %arg2[%dma_wait3A_817, %mul3A_2] : memref<26x16384xi32, #tpu.memory_space<hbm>> -> memref<1x512xi32, #tpu.memory_space<hbm>>
    %dma_wait3A_821 = tpu.memref_squeeze %dma_wait3A_820 : memref<1x512xi32, #tpu.memory_space<hbm>> -> memref<512xi32, #tpu.memory_space<hbm>>
    %dma_wait3A_822 = arith.constant 12800 : i32
    %dma_wait3A_823 = tpu.memref_slice %arg6[%dma_wait3A_822] : memref<13312xi32, #tpu.memory_space<vmem>> -> memref<512xi32, #tpu.memory_space<vmem>>
    %dma_wait3A_824 = tpu.memref_slice %arg2[%dma_wait3A_817, %mul3A_2] : memref<26x16384xi32, #tpu.memory_space<hbm>> -> memref<1x512xi32, #tpu.memory_space<hbm>>
    %dma_wait3A_825 = tpu.memref_squeeze %dma_wait3A_824 : memref<1x512xi32, #tpu.memory_space<hbm>> -> memref<512xi32, #tpu.memory_space<hbm>>
    tpu.wait_dma2 semaphore(%arg10 : memref<!tpu.dma_semaphore, #tpu.memory_space<semaphore_mem>>) src(%dma_wait3A_825 : memref<512xi32, #tpu.memory_space<hbm>>) dst(%dma_wait3A_823 : memref<512xi32, #tpu.memory_space<vmem>>)
    %scan3A_826 = arith.constant 0 : i32
    %scan3A_827 = arith.constant 0 : i32
    %scan3A_828 = arith.constant 32 : i32
    %scan3A_829 = arith.addi %scan3A_827, %scan3A_828 : i32
    %scan3A_830 = arith.constant 1 : i32
    scf.for %scan3A_1048 = %scan3A_827 to %scan3A_829 step %scan3A_830  : i32 {
      %mul3A_1049 = arith.constant 16 : i32
      %mul3A_1050 = arith.muli %scan3A_1048, %mul3A_1049 : i32
      %add3A_1051 = arith.constant 12800 : i32
      %add3A_1052 = arith.addi %add3A_1051, %mul3A_1050 : i32
      %get3A_1053 = arith.index_cast %add3A_1052 : i32 to index
      %get3A_1054 = tpu.vector_load %arg6[%get3A_1053] {strides = array<i32>} : memref<13312xi32, #tpu.memory_space<vmem>>, vector<16xi32>,
      %get3A_1055 = vector.shape_cast %get3A_1054 : vector<16xi32> to vector<16xi32>
      %add3A_1056 = arith.constant 961550 : i32
      %add3A_1057 = vector.broadcast %add3A_1056 : i32 to vector<16xi32>
      %add3A_1058 = arith.addi %get3A_1055, %add3A_1057 : vector<16xi32>
      %swap3A = arith.index_cast %add3A_1052 : i32 to index
      %swap3A_1059 = tpu.vector_load %arg6[%swap3A] {strides = array<i32>} : memref<13312xi32, #tpu.memory_space<vmem>>, vector<16xi32>,
      %swap3A_1060 = vector.shape_cast %swap3A_1059 : vector<16xi32> to vector<16xi32>
      %swap3A_1061 = vector.shape_cast %add3A_1058 : vector<16xi32> to vector<16xi32>
      tpu.vector_store %arg6[%swap3A], %swap3A_1061 {strides = array<i32>} : memref<13312xi32, #tpu.memory_space<vmem>>, vector<16xi32>,
    }
    %scan3A_831 = arith.constant 32 : i32
    %dma_start3A_832 = arith.constant 0 : i32
    %dma_start3A_833 = arith.constant 0 : i32
    %dma_start3A_834 = tpu.memref_slice %arg7[%dma_start3A_832, %dma_start3A_833] : memref<512x16xf32, #tpu.memory_space<vmem>> -> memref<512x16xf32, #tpu.memory_space<vmem>>
    %dma_start3A_835 = arith.constant 12800 : i32
    %dma_start3A_836 = tpu.memref_slice %arg6[%dma_start3A_835] : memref<13312xi32, #tpu.memory_space<vmem>> -> memref<512xi32, #tpu.memory_space<vmem>>
    %dma_start3A_837 = arith.constant 0 : i32
    %dma_start3A_838 = arith.constant 0 : i32
    %dma_start3A_839 = tpu.memref_slice %arg3[%dma_start3A_837, %dma_start3A_838] : memref<1000012x16xf32, #tpu.memory_space<hbm>> -> memref<1000012x16xf32, #tpu.memory_space<hbm>>
    tpu.enqueue_indirect_dma source(%dma_start3A_839 : memref<1000012x16xf32, #tpu.memory_space<hbm>>) target(%dma_start3A_834 : memref<512x16xf32, #tpu.memory_space<vmem>>) offsets(%dma_start3A_836 : memref<512xi32, #tpu.memory_space<vmem>>) semaphore(%arg9 : memref<!tpu.dma_semaphore, #tpu.memory_space<semaphore_mem>>) {add = true}
    %dma_wait3A_840 = arith.constant 0 : i32
    %dma_wait3A_841 = arith.constant 0 : i32
    %dma_wait3A_842 = tpu.memref_slice %arg7[%dma_wait3A_840, %dma_wait3A_841] : memref<512x16xf32, #tpu.memory_space<vmem>> -> memref<512x16xf32, #tpu.memory_space<vmem>>
    %dma_wait3A_843 = arith.constant 0 : i32
    %dma_wait3A_844 = tpu.memref_slice %arg6[%dma_wait3A_843] : memref<13312xi32, #tpu.memory_space<vmem>> -> memref<512xi32, #tpu.memory_space<vmem>>
    %dma_wait3A_845 = arith.constant 0 : i32
    %dma_wait3A_846 = arith.constant 0 : i32
    %dma_wait3A_847 = tpu.memref_slice %arg3[%dma_wait3A_845, %dma_wait3A_846] : memref<1000012x16xf32, #tpu.memory_space<hbm>> -> memref<1000012x16xf32, #tpu.memory_space<hbm>>
    tpu.wait_indirect_dma semaphore(%arg9 : memref<!tpu.dma_semaphore, #tpu.memory_space<semaphore_mem>>) src(%dma_wait3A_847 : memref<1000012x16xf32, #tpu.memory_space<hbm>>) dst(%dma_wait3A_842 : memref<512x16xf32, #tpu.memory_space<vmem>>)
    %dma_wait3A_848 = arith.constant 0 : i32
    %dma_wait3A_849 = arith.constant 0 : i32
    %dma_wait3A_850 = tpu.memref_slice %arg7[%dma_wait3A_848, %dma_wait3A_849] : memref<512x16xf32, #tpu.memory_space<vmem>> -> memref<512x16xf32, #tpu.memory_space<vmem>>
    %dma_wait3A_851 = arith.constant 512 : i32
    %dma_wait3A_852 = tpu.memref_slice %arg6[%dma_wait3A_851] : memref<13312xi32, #tpu.memory_space<vmem>> -> memref<512xi32, #tpu.memory_space<vmem>>
    %dma_wait3A_853 = arith.constant 0 : i32
    %dma_wait3A_854 = arith.constant 0 : i32
    %dma_wait3A_855 = tpu.memref_slice %arg3[%dma_wait3A_853, %dma_wait3A_854] : memref<1000012x16xf32, #tpu.memory_space<hbm>> -> memref<1000012x16xf32, #tpu.memory_space<hbm>>
    tpu.wait_indirect_dma semaphore(%arg9 : memref<!tpu.dma_semaphore, #tpu.memory_space<semaphore_mem>>) src(%dma_wait3A_855 : memref<1000012x16xf32, #tpu.memory_space<hbm>>) dst(%dma_wait3A_850 : memref<512x16xf32, #tpu.memory_space<vmem>>)
    %dma_wait3A_856 = arith.constant 0 : i32
    %dma_wait3A_857 = arith.constant 0 : i32
    %dma_wait3A_858 = tpu.memref_slice %arg7[%dma_wait3A_856, %dma_wait3A_857] : memref<512x16xf32, #tpu.memory_space<vmem>> -> memref<512x16xf32, #tpu.memory_space<vmem>>
    %dma_wait3A_859 = arith.constant 1024 : i32
    %dma_wait3A_860 = tpu.memref_slice %arg6[%dma_wait3A_859] : memref<13312xi32, #tpu.memory_space<vmem>> -> memref<512xi32, #tpu.memory_space<vmem>>
    %dma_wait3A_861 = arith.constant 0 : i32
    %dma_wait3A_862 = arith.constant 0 : i32
    %dma_wait3A_863 = tpu.memref_slice %arg3[%dma_wait3A_861, %dma_wait3A_862] : memref<1000012x16xf32, #tpu.memory_space<hbm>> -> memref<1000012x16xf32, #tpu.memory_space<hbm>>
    tpu.wait_indirect_dma semaphore(%arg9 : memref<!tpu.dma_semaphore, #tpu.memory_space<semaphore_mem>>) src(%dma_wait3A_863 : memref<1000012x16xf32, #tpu.memory_space<hbm>>) dst(%dma_wait3A_858 : memref<512x16xf32, #tpu.memory_space<vmem>>)
    %dma_wait3A_864 = arith.constant 0 : i32
    %dma_wait3A_865 = arith.constant 0 : i32
    %dma_wait3A_866 = tpu.memref_slice %arg7[%dma_wait3A_864, %dma_wait3A_865] : memref<512x16xf32, #tpu.memory_space<vmem>> -> memref<512x16xf32, #tpu.memory_space<vmem>>
    %dma_wait3A_867 = arith.constant 1536 : i32
    %dma_wait3A_868 = tpu.memref_slice %arg6[%dma_wait3A_867] : memref<13312xi32, #tpu.memory_space<vmem>> -> memref<512xi32, #tpu.memory_space<vmem>>
    %dma_wait3A_869 = arith.constant 0 : i32
    %dma_wait3A_870 = arith.constant 0 : i32
    %dma_wait3A_871 = tpu.memref_slice %arg3[%dma_wait3A_869, %dma_wait3A_870] : memref<1000012x16xf32, #tpu.memory_space<hbm>> -> memref<1000012x16xf32, #tpu.memory_space<hbm>>
    tpu.wait_indirect_dma semaphore(%arg9 : memref<!tpu.dma_semaphore, #tpu.memory_space<semaphore_mem>>) src(%dma_wait3A_871 : memref<1000012x16xf32, #tpu.memory_space<hbm>>) dst(%dma_wait3A_866 : memref<512x16xf32, #tpu.memory_space<vmem>>)
    %dma_wait3A_872 = arith.constant 0 : i32
    %dma_wait3A_873 = arith.constant 0 : i32
    %dma_wait3A_874 = tpu.memref_slice %arg7[%dma_wait3A_872, %dma_wait3A_873] : memref<512x16xf32, #tpu.memory_space<vmem>> -> memref<512x16xf32, #tpu.memory_space<vmem>>
    %dma_wait3A_875 = arith.constant 2048 : i32
    %dma_wait3A_876 = tpu.memref_slice %arg6[%dma_wait3A_875] : memref<13312xi32, #tpu.memory_space<vmem>> -> memref<512xi32, #tpu.memory_space<vmem>>
    %dma_wait3A_877 = arith.constant 0 : i32
    %dma_wait3A_878 = arith.constant 0 : i32
    %dma_wait3A_879 = tpu.memref_slice %arg3[%dma_wait3A_877, %dma_wait3A_878] : memref<1000012x16xf32, #tpu.memory_space<hbm>> -> memref<1000012x16xf32, #tpu.memory_space<hbm>>
    tpu.wait_indirect_dma semaphore(%arg9 : memref<!tpu.dma_semaphore, #tpu.memory_space<semaphore_mem>>) src(%dma_wait3A_879 : memref<1000012x16xf32, #tpu.memory_space<hbm>>) dst(%dma_wait3A_874 : memref<512x16xf32, #tpu.memory_space<vmem>>)
    %dma_wait3A_880 = arith.constant 0 : i32
    %dma_wait3A_881 = arith.constant 0 : i32
    %dma_wait3A_882 = tpu.memref_slice %arg7[%dma_wait3A_880, %dma_wait3A_881] : memref<512x16xf32, #tpu.memory_space<vmem>> -> memref<512x16xf32, #tpu.memory_space<vmem>>
    %dma_wait3A_883 = arith.constant 2560 : i32
    %dma_wait3A_884 = tpu.memref_slice %arg6[%dma_wait3A_883] : memref<13312xi32, #tpu.memory_space<vmem>> -> memref<512xi32, #tpu.memory_space<vmem>>
    %dma_wait3A_885 = arith.constant 0 : i32
    %dma_wait3A_886 = arith.constant 0 : i32
    %dma_wait3A_887 = tpu.memref_slice %arg3[%dma_wait3A_885, %dma_wait3A_886] : memref<1000012x16xf32, #tpu.memory_space<hbm>> -> memref<1000012x16xf32, #tpu.memory_space<hbm>>
    tpu.wait_indirect_dma semaphore(%arg9 : memref<!tpu.dma_semaphore, #tpu.memory_space<semaphore_mem>>) src(%dma_wait3A_887 : memref<1000012x16xf32, #tpu.memory_space<hbm>>) dst(%dma_wait3A_882 : memref<512x16xf32, #tpu.memory_space<vmem>>)
    %dma_wait3A_888 = arith.constant 0 : i32
    %dma_wait3A_889 = arith.constant 0 : i32
    %dma_wait3A_890 = tpu.memref_slice %arg7[%dma_wait3A_888, %dma_wait3A_889] : memref<512x16xf32, #tpu.memory_space<vmem>> -> memref<512x16xf32, #tpu.memory_space<vmem>>
    %dma_wait3A_891 = arith.constant 3072 : i32
    %dma_wait3A_892 = tpu.memref_slice %arg6[%dma_wait3A_891] : memref<13312xi32, #tpu.memory_space<vmem>> -> memref<512xi32, #tpu.memory_space<vmem>>
    %dma_wait3A_893 = arith.constant 0 : i32
    %dma_wait3A_894 = arith.constant 0 : i32
    %dma_wait3A_895 = tpu.memref_slice %arg3[%dma_wait3A_893, %dma_wait3A_894] : memref<1000012x16xf32, #tpu.memory_space<hbm>> -> memref<1000012x16xf32, #tpu.memory_space<hbm>>
    tpu.wait_indirect_dma semaphore(%arg9 : memref<!tpu.dma_semaphore, #tpu.memory_space<semaphore_mem>>) src(%dma_wait3A_895 : memref<1000012x16xf32, #tpu.memory_space<hbm>>) dst(%dma_wait3A_890 : memref<512x16xf32, #tpu.memory_space<vmem>>)
    %dma_wait3A_896 = arith.constant 0 : i32
    %dma_wait3A_897 = arith.constant 0 : i32
    %dma_wait3A_898 = tpu.memref_slice %arg7[%dma_wait3A_896, %dma_wait3A_897] : memref<512x16xf32, #tpu.memory_space<vmem>> -> memref<512x16xf32, #tpu.memory_space<vmem>>
    %dma_wait3A_899 = arith.constant 3584 : i32
    %dma_wait3A_900 = tpu.memref_slice %arg6[%dma_wait3A_899] : memref<13312xi32, #tpu.memory_space<vmem>> -> memref<512xi32, #tpu.memory_space<vmem>>
    %dma_wait3A_901 = arith.constant 0 : i32
    %dma_wait3A_902 = arith.constant 0 : i32
    %dma_wait3A_903 = tpu.memref_slice %arg3[%dma_wait3A_901, %dma_wait3A_902] : memref<1000012x16xf32, #tpu.memory_space<hbm>> -> memref<1000012x16xf32, #tpu.memory_space<hbm>>
    tpu.wait_indirect_dma semaphore(%arg9 : memref<!tpu.dma_semaphore, #tpu.memory_space<semaphore_mem>>) src(%dma_wait3A_903 : memref<1000012x16xf32, #tpu.memory_space<hbm>>) dst(%dma_wait3A_898 : memref<512x16xf32, #tpu.memory_space<vmem>>)
    %dma_wait3A_904 = arith.constant 0 : i32
    %dma_wait3A_905 = arith.constant 0 : i32
    %dma_wait3A_906 = tpu.memref_slice %arg7[%dma_wait3A_904, %dma_wait3A_905] : memref<512x16xf32, #tpu.memory_space<vmem>> -> memref<512x16xf32, #tpu.memory_space<vmem>>
    %dma_wait3A_907 = arith.constant 4096 : i32
    %dma_wait3A_908 = tpu.memref_slice %arg6[%dma_wait3A_907] : memref<13312xi32, #tpu.memory_space<vmem>> -> memref<512xi32, #tpu.memory_space<vmem>>
    %dma_wait3A_909 = arith.constant 0 : i32
    %dma_wait3A_910 = arith.constant 0 : i32
    %dma_wait3A_911 = tpu.memref_slice %arg3[%dma_wait3A_909, %dma_wait3A_910] : memref<1000012x16xf32, #tpu.memory_space<hbm>> -> memref<1000012x16xf32, #tpu.memory_space<hbm>>
    tpu.wait_indirect_dma semaphore(%arg9 : memref<!tpu.dma_semaphore, #tpu.memory_space<semaphore_mem>>) src(%dma_wait3A_911 : memref<1000012x16xf32, #tpu.memory_space<hbm>>) dst(%dma_wait3A_906 : memref<512x16xf32, #tpu.memory_space<vmem>>)
    %dma_wait3A_912 = arith.constant 0 : i32
    %dma_wait3A_913 = arith.constant 0 : i32
    %dma_wait3A_914 = tpu.memref_slice %arg7[%dma_wait3A_912, %dma_wait3A_913] : memref<512x16xf32, #tpu.memory_space<vmem>> -> memref<512x16xf32, #tpu.memory_space<vmem>>
    %dma_wait3A_915 = arith.constant 4608 : i32
    %dma_wait3A_916 = tpu.memref_slice %arg6[%dma_wait3A_915] : memref<13312xi32, #tpu.memory_space<vmem>> -> memref<512xi32, #tpu.memory_space<vmem>>
    %dma_wait3A_917 = arith.constant 0 : i32
    %dma_wait3A_918 = arith.constant 0 : i32
    %dma_wait3A_919 = tpu.memref_slice %arg3[%dma_wait3A_917, %dma_wait3A_918] : memref<1000012x16xf32, #tpu.memory_space<hbm>> -> memref<1000012x16xf32, #tpu.memory_space<hbm>>
    tpu.wait_indirect_dma semaphore(%arg9 : memref<!tpu.dma_semaphore, #tpu.memory_space<semaphore_mem>>) src(%dma_wait3A_919 : memref<1000012x16xf32, #tpu.memory_space<hbm>>) dst(%dma_wait3A_914 : memref<512x16xf32, #tpu.memory_space<vmem>>)
    %dma_wait3A_920 = arith.constant 0 : i32
    %dma_wait3A_921 = arith.constant 0 : i32
    %dma_wait3A_922 = tpu.memref_slice %arg7[%dma_wait3A_920, %dma_wait3A_921] : memref<512x16xf32, #tpu.memory_space<vmem>> -> memref<512x16xf32, #tpu.memory_space<vmem>>
    %dma_wait3A_923 = arith.constant 5120 : i32
    %dma_wait3A_924 = tpu.memref_slice %arg6[%dma_wait3A_923] : memref<13312xi32, #tpu.memory_space<vmem>> -> memref<512xi32, #tpu.memory_space<vmem>>
    %dma_wait3A_925 = arith.constant 0 : i32
    %dma_wait3A_926 = arith.constant 0 : i32
    %dma_wait3A_927 = tpu.memref_slice %arg3[%dma_wait3A_925, %dma_wait3A_926] : memref<1000012x16xf32, #tpu.memory_space<hbm>> -> memref<1000012x16xf32, #tpu.memory_space<hbm>>
    tpu.wait_indirect_dma semaphore(%arg9 : memref<!tpu.dma_semaphore, #tpu.memory_space<semaphore_mem>>) src(%dma_wait3A_927 : memref<1000012x16xf32, #tpu.memory_space<hbm>>) dst(%dma_wait3A_922 : memref<512x16xf32, #tpu.memory_space<vmem>>)
    %dma_wait3A_928 = arith.constant 0 : i32
    %dma_wait3A_929 = arith.constant 0 : i32
    %dma_wait3A_930 = tpu.memref_slice %arg7[%dma_wait3A_928, %dma_wait3A_929] : memref<512x16xf32, #tpu.memory_space<vmem>> -> memref<512x16xf32, #tpu.memory_space<vmem>>
    %dma_wait3A_931 = arith.constant 5632 : i32
    %dma_wait3A_932 = tpu.memref_slice %arg6[%dma_wait3A_931] : memref<13312xi32, #tpu.memory_space<vmem>> -> memref<512xi32, #tpu.memory_space<vmem>>
    %dma_wait3A_933 = arith.constant 0 : i32
    %dma_wait3A_934 = arith.constant 0 : i32
    %dma_wait3A_935 = tpu.memref_slice %arg3[%dma_wait3A_933, %dma_wait3A_934] : memref<1000012x16xf32, #tpu.memory_space<hbm>> -> memref<1000012x16xf32, #tpu.memory_space<hbm>>
    tpu.wait_indirect_dma semaphore(%arg9 : memref<!tpu.dma_semaphore, #tpu.memory_space<semaphore_mem>>) src(%dma_wait3A_935 : memref<1000012x16xf32, #tpu.memory_space<hbm>>) dst(%dma_wait3A_930 : memref<512x16xf32, #tpu.memory_space<vmem>>)
    %dma_wait3A_936 = arith.constant 0 : i32
    %dma_wait3A_937 = arith.constant 0 : i32
    %dma_wait3A_938 = tpu.memref_slice %arg7[%dma_wait3A_936, %dma_wait3A_937] : memref<512x16xf32, #tpu.memory_space<vmem>> -> memref<512x16xf32, #tpu.memory_space<vmem>>
    %dma_wait3A_939 = arith.constant 6144 : i32
    %dma_wait3A_940 = tpu.memref_slice %arg6[%dma_wait3A_939] : memref<13312xi32, #tpu.memory_space<vmem>> -> memref<512xi32, #tpu.memory_space<vmem>>
    %dma_wait3A_941 = arith.constant 0 : i32
    %dma_wait3A_942 = arith.constant 0 : i32
    %dma_wait3A_943 = tpu.memref_slice %arg3[%dma_wait3A_941, %dma_wait3A_942] : memref<1000012x16xf32, #tpu.memory_space<hbm>> -> memref<1000012x16xf32, #tpu.memory_space<hbm>>
    tpu.wait_indirect_dma semaphore(%arg9 : memref<!tpu.dma_semaphore, #tpu.memory_space<semaphore_mem>>) src(%dma_wait3A_943 : memref<1000012x16xf32, #tpu.memory_space<hbm>>) dst(%dma_wait3A_938 : memref<512x16xf32, #tpu.memory_space<vmem>>)
    %dma_wait3A_944 = arith.constant 0 : i32
    %dma_wait3A_945 = arith.constant 0 : i32
    %dma_wait3A_946 = tpu.memref_slice %arg7[%dma_wait3A_944, %dma_wait3A_945] : memref<512x16xf32, #tpu.memory_space<vmem>> -> memref<512x16xf32, #tpu.memory_space<vmem>>
    %dma_wait3A_947 = arith.constant 6656 : i32
    %dma_wait3A_948 = tpu.memref_slice %arg6[%dma_wait3A_947] : memref<13312xi32, #tpu.memory_space<vmem>> -> memref<512xi32, #tpu.memory_space<vmem>>
    %dma_wait3A_949 = arith.constant 0 : i32
    %dma_wait3A_950 = arith.constant 0 : i32
    %dma_wait3A_951 = tpu.memref_slice %arg3[%dma_wait3A_949, %dma_wait3A_950] : memref<1000012x16xf32, #tpu.memory_space<hbm>> -> memref<1000012x16xf32, #tpu.memory_space<hbm>>
    tpu.wait_indirect_dma semaphore(%arg9 : memref<!tpu.dma_semaphore, #tpu.memory_space<semaphore_mem>>) src(%dma_wait3A_951 : memref<1000012x16xf32, #tpu.memory_space<hbm>>) dst(%dma_wait3A_946 : memref<512x16xf32, #tpu.memory_space<vmem>>)
    %dma_wait3A_952 = arith.constant 0 : i32
    %dma_wait3A_953 = arith.constant 0 : i32
    %dma_wait3A_954 = tpu.memref_slice %arg7[%dma_wait3A_952, %dma_wait3A_953] : memref<512x16xf32, #tpu.memory_space<vmem>> -> memref<512x16xf32, #tpu.memory_space<vmem>>
    %dma_wait3A_955 = arith.constant 7168 : i32
    %dma_wait3A_956 = tpu.memref_slice %arg6[%dma_wait3A_955] : memref<13312xi32, #tpu.memory_space<vmem>> -> memref<512xi32, #tpu.memory_space<vmem>>
    %dma_wait3A_957 = arith.constant 0 : i32
    %dma_wait3A_958 = arith.constant 0 : i32
    %dma_wait3A_959 = tpu.memref_slice %arg3[%dma_wait3A_957, %dma_wait3A_958] : memref<1000012x16xf32, #tpu.memory_space<hbm>> -> memref<1000012x16xf32, #tpu.memory_space<hbm>>
    tpu.wait_indirect_dma semaphore(%arg9 : memref<!tpu.dma_semaphore, #tpu.memory_space<semaphore_mem>>) src(%dma_wait3A_959 : memref<1000012x16xf32, #tpu.memory_space<hbm>>) dst(%dma_wait3A_954 : memref<512x16xf32, #tpu.memory_space<vmem>>)
    %dma_wait3A_960 = arith.constant 0 : i32
    %dma_wait3A_961 = arith.constant 0 : i32
    %dma_wait3A_962 = tpu.memref_slice %arg7[%dma_wait3A_960, %dma_wait3A_961] : memref<512x16xf32, #tpu.memory_space<vmem>> -> memref<512x16xf32, #tpu.memory_space<vmem>>
    %dma_wait3A_963 = arith.constant 7680 : i32
    %dma_wait3A_964 = tpu.memref_slice %arg6[%dma_wait3A_963] : memref<13312xi32, #tpu.memory_space<vmem>> -> memref<512xi32, #tpu.memory_space<vmem>>
    %dma_wait3A_965 = arith.constant 0 : i32
    %dma_wait3A_966 = arith.constant 0 : i32
    %dma_wait3A_967 = tpu.memref_slice %arg3[%dma_wait3A_965, %dma_wait3A_966] : memref<1000012x16xf32, #tpu.memory_space<hbm>> -> memref<1000012x16xf32, #tpu.memory_space<hbm>>
    tpu.wait_indirect_dma semaphore(%arg9 : memref<!tpu.dma_semaphore, #tpu.memory_space<semaphore_mem>>) src(%dma_wait3A_967 : memref<1000012x16xf32, #tpu.memory_space<hbm>>) dst(%dma_wait3A_962 : memref<512x16xf32, #tpu.memory_space<vmem>>)
    %dma_wait3A_968 = arith.constant 0 : i32
    %dma_wait3A_969 = arith.constant 0 : i32
    %dma_wait3A_970 = tpu.memref_slice %arg7[%dma_wait3A_968, %dma_wait3A_969] : memref<512x16xf32, #tpu.memory_space<vmem>> -> memref<512x16xf32, #tpu.memory_space<vmem>>
    %dma_wait3A_971 = arith.constant 8192 : i32
    %dma_wait3A_972 = tpu.memref_slice %arg6[%dma_wait3A_971] : memref<13312xi32, #tpu.memory_space<vmem>> -> memref<512xi32, #tpu.memory_space<vmem>>
    %dma_wait3A_973 = arith.constant 0 : i32
    %dma_wait3A_974 = arith.constant 0 : i32
    %dma_wait3A_975 = tpu.memref_slice %arg3[%dma_wait3A_973, %dma_wait3A_974] : memref<1000012x16xf32, #tpu.memory_space<hbm>> -> memref<1000012x16xf32, #tpu.memory_space<hbm>>
    tpu.wait_indirect_dma semaphore(%arg9 : memref<!tpu.dma_semaphore, #tpu.memory_space<semaphore_mem>>) src(%dma_wait3A_975 : memref<1000012x16xf32, #tpu.memory_space<hbm>>) dst(%dma_wait3A_970 : memref<512x16xf32, #tpu.memory_space<vmem>>)
    %dma_wait3A_976 = arith.constant 0 : i32
    %dma_wait3A_977 = arith.constant 0 : i32
    %dma_wait3A_978 = tpu.memref_slice %arg7[%dma_wait3A_976, %dma_wait3A_977] : memref<512x16xf32, #tpu.memory_space<vmem>> -> memref<512x16xf32, #tpu.memory_space<vmem>>
    %dma_wait3A_979 = arith.constant 8704 : i32
    %dma_wait3A_980 = tpu.memref_slice %arg6[%dma_wait3A_979] : memref<13312xi32, #tpu.memory_space<vmem>> -> memref<512xi32, #tpu.memory_space<vmem>>
    %dma_wait3A_981 = arith.constant 0 : i32
    %dma_wait3A_982 = arith.constant 0 : i32
    %dma_wait3A_983 = tpu.memref_slice %arg3[%dma_wait3A_981, %dma_wait3A_982] : memref<1000012x16xf32, #tpu.memory_space<hbm>> -> memref<1000012x16xf32, #tpu.memory_space<hbm>>
    tpu.wait_indirect_dma semaphore(%arg9 : memref<!tpu.dma_semaphore, #tpu.memory_space<semaphore_mem>>) src(%dma_wait3A_983 : memref<1000012x16xf32, #tpu.memory_space<hbm>>) dst(%dma_wait3A_978 : memref<512x16xf32, #tpu.memory_space<vmem>>)
    %dma_wait3A_984 = arith.constant 0 : i32
    %dma_wait3A_985 = arith.constant 0 : i32
    %dma_wait3A_986 = tpu.memref_slice %arg7[%dma_wait3A_984, %dma_wait3A_985] : memref<512x16xf32, #tpu.memory_space<vmem>> -> memref<512x16xf32, #tpu.memory_space<vmem>>
    %dma_wait3A_987 = arith.constant 9216 : i32
    %dma_wait3A_988 = tpu.memref_slice %arg6[%dma_wait3A_987] : memref<13312xi32, #tpu.memory_space<vmem>> -> memref<512xi32, #tpu.memory_space<vmem>>
    %dma_wait3A_989 = arith.constant 0 : i32
    %dma_wait3A_990 = arith.constant 0 : i32
    %dma_wait3A_991 = tpu.memref_slice %arg3[%dma_wait3A_989, %dma_wait3A_990] : memref<1000012x16xf32, #tpu.memory_space<hbm>> -> memref<1000012x16xf32, #tpu.memory_space<hbm>>
    tpu.wait_indirect_dma semaphore(%arg9 : memref<!tpu.dma_semaphore, #tpu.memory_space<semaphore_mem>>) src(%dma_wait3A_991 : memref<1000012x16xf32, #tpu.memory_space<hbm>>) dst(%dma_wait3A_986 : memref<512x16xf32, #tpu.memory_space<vmem>>)
    %dma_wait3A_992 = arith.constant 0 : i32
    %dma_wait3A_993 = arith.constant 0 : i32
    %dma_wait3A_994 = tpu.memref_slice %arg7[%dma_wait3A_992, %dma_wait3A_993] : memref<512x16xf32, #tpu.memory_space<vmem>> -> memref<512x16xf32, #tpu.memory_space<vmem>>
    %dma_wait3A_995 = arith.constant 9728 : i32
    %dma_wait3A_996 = tpu.memref_slice %arg6[%dma_wait3A_995] : memref<13312xi32, #tpu.memory_space<vmem>> -> memref<512xi32, #tpu.memory_space<vmem>>
    %dma_wait3A_997 = arith.constant 0 : i32
    %dma_wait3A_998 = arith.constant 0 : i32
    %dma_wait3A_999 = tpu.memref_slice %arg3[%dma_wait3A_997, %dma_wait3A_998] : memref<1000012x16xf32, #tpu.memory_space<hbm>> -> memref<1000012x16xf32, #tpu.memory_space<hbm>>
    tpu.wait_indirect_dma semaphore(%arg9 : memref<!tpu.dma_semaphore, #tpu.memory_space<semaphore_mem>>) src(%dma_wait3A_999 : memref<1000012x16xf32, #tpu.memory_space<hbm>>) dst(%dma_wait3A_994 : memref<512x16xf32, #tpu.memory_space<vmem>>)
    %dma_wait3A_1000 = arith.constant 0 : i32
    %dma_wait3A_1001 = arith.constant 0 : i32
    %dma_wait3A_1002 = tpu.memref_slice %arg7[%dma_wait3A_1000, %dma_wait3A_1001] : memref<512x16xf32, #tpu.memory_space<vmem>> -> memref<512x16xf32, #tpu.memory_space<vmem>>
    %dma_wait3A_1003 = arith.constant 10240 : i32
    %dma_wait3A_1004 = tpu.memref_slice %arg6[%dma_wait3A_1003] : memref<13312xi32, #tpu.memory_space<vmem>> -> memref<512xi32, #tpu.memory_space<vmem>>
    %dma_wait3A_1005 = arith.constant 0 : i32
    %dma_wait3A_1006 = arith.constant 0 : i32
    %dma_wait3A_1007 = tpu.memref_slice %arg3[%dma_wait3A_1005, %dma_wait3A_1006] : memref<1000012x16xf32, #tpu.memory_space<hbm>> -> memref<1000012x16xf32, #tpu.memory_space<hbm>>
    tpu.wait_indirect_dma semaphore(%arg9 : memref<!tpu.dma_semaphore, #tpu.memory_space<semaphore_mem>>) src(%dma_wait3A_1007 : memref<1000012x16xf32, #tpu.memory_space<hbm>>) dst(%dma_wait3A_1002 : memref<512x16xf32, #tpu.memory_space<vmem>>)
    %dma_wait3A_1008 = arith.constant 0 : i32
    %dma_wait3A_1009 = arith.constant 0 : i32
    %dma_wait3A_1010 = tpu.memref_slice %arg7[%dma_wait3A_1008, %dma_wait3A_1009] : memref<512x16xf32, #tpu.memory_space<vmem>> -> memref<512x16xf32, #tpu.memory_space<vmem>>
    %dma_wait3A_1011 = arith.constant 10752 : i32
    %dma_wait3A_1012 = tpu.memref_slice %arg6[%dma_wait3A_1011] : memref<13312xi32, #tpu.memory_space<vmem>> -> memref<512xi32, #tpu.memory_space<vmem>>
    %dma_wait3A_1013 = arith.constant 0 : i32
    %dma_wait3A_1014 = arith.constant 0 : i32
    %dma_wait3A_1015 = tpu.memref_slice %arg3[%dma_wait3A_1013, %dma_wait3A_1014] : memref<1000012x16xf32, #tpu.memory_space<hbm>> -> memref<1000012x16xf32, #tpu.memory_space<hbm>>
    tpu.wait_indirect_dma semaphore(%arg9 : memref<!tpu.dma_semaphore, #tpu.memory_space<semaphore_mem>>) src(%dma_wait3A_1015 : memref<1000012x16xf32, #tpu.memory_space<hbm>>) dst(%dma_wait3A_1010 : memref<512x16xf32, #tpu.memory_space<vmem>>)
    %dma_wait3A_1016 = arith.constant 0 : i32
    %dma_wait3A_1017 = arith.constant 0 : i32
    %dma_wait3A_1018 = tpu.memref_slice %arg7[%dma_wait3A_1016, %dma_wait3A_1017] : memref<512x16xf32, #tpu.memory_space<vmem>> -> memref<512x16xf32, #tpu.memory_space<vmem>>
    %dma_wait3A_1019 = arith.constant 11264 : i32
    %dma_wait3A_1020 = tpu.memref_slice %arg6[%dma_wait3A_1019] : memref<13312xi32, #tpu.memory_space<vmem>> -> memref<512xi32, #tpu.memory_space<vmem>>
    %dma_wait3A_1021 = arith.constant 0 : i32
    %dma_wait3A_1022 = arith.constant 0 : i32
    %dma_wait3A_1023 = tpu.memref_slice %arg3[%dma_wait3A_1021, %dma_wait3A_1022] : memref<1000012x16xf32, #tpu.memory_space<hbm>> -> memref<1000012x16xf32, #tpu.memory_space<hbm>>
    tpu.wait_indirect_dma semaphore(%arg9 : memref<!tpu.dma_semaphore, #tpu.memory_space<semaphore_mem>>) src(%dma_wait3A_1023 : memref<1000012x16xf32, #tpu.memory_space<hbm>>) dst(%dma_wait3A_1018 : memref<512x16xf32, #tpu.memory_space<vmem>>)
    %dma_wait3A_1024 = arith.constant 0 : i32
    %dma_wait3A_1025 = arith.constant 0 : i32
    %dma_wait3A_1026 = tpu.memref_slice %arg7[%dma_wait3A_1024, %dma_wait3A_1025] : memref<512x16xf32, #tpu.memory_space<vmem>> -> memref<512x16xf32, #tpu.memory_space<vmem>>
    %dma_wait3A_1027 = arith.constant 11776 : i32
    %dma_wait3A_1028 = tpu.memref_slice %arg6[%dma_wait3A_1027] : memref<13312xi32, #tpu.memory_space<vmem>> -> memref<512xi32, #tpu.memory_space<vmem>>
    %dma_wait3A_1029 = arith.constant 0 : i32
    %dma_wait3A_1030 = arith.constant 0 : i32
    %dma_wait3A_1031 = tpu.memref_slice %arg3[%dma_wait3A_1029, %dma_wait3A_1030] : memref<1000012x16xf32, #tpu.memory_space<hbm>> -> memref<1000012x16xf32, #tpu.memory_space<hbm>>
    tpu.wait_indirect_dma semaphore(%arg9 : memref<!tpu.dma_semaphore, #tpu.memory_space<semaphore_mem>>) src(%dma_wait3A_1031 : memref<1000012x16xf32, #tpu.memory_space<hbm>>) dst(%dma_wait3A_1026 : memref<512x16xf32, #tpu.memory_space<vmem>>)
    %dma_wait3A_1032 = arith.constant 0 : i32
    %dma_wait3A_1033 = arith.constant 0 : i32
    %dma_wait3A_1034 = tpu.memref_slice %arg7[%dma_wait3A_1032, %dma_wait3A_1033] : memref<512x16xf32, #tpu.memory_space<vmem>> -> memref<512x16xf32, #tpu.memory_space<vmem>>
    %dma_wait3A_1035 = arith.constant 12288 : i32
    %dma_wait3A_1036 = tpu.memref_slice %arg6[%dma_wait3A_1035] : memref<13312xi32, #tpu.memory_space<vmem>> -> memref<512xi32, #tpu.memory_space<vmem>>
    %dma_wait3A_1037 = arith.constant 0 : i32
    %dma_wait3A_1038 = arith.constant 0 : i32
    %dma_wait3A_1039 = tpu.memref_slice %arg3[%dma_wait3A_1037, %dma_wait3A_1038] : memref<1000012x16xf32, #tpu.memory_space<hbm>> -> memref<1000012x16xf32, #tpu.memory_space<hbm>>
    tpu.wait_indirect_dma semaphore(%arg9 : memref<!tpu.dma_semaphore, #tpu.memory_space<semaphore_mem>>) src(%dma_wait3A_1039 : memref<1000012x16xf32, #tpu.memory_space<hbm>>) dst(%dma_wait3A_1034 : memref<512x16xf32, #tpu.memory_space<vmem>>)
    %dma_wait3A_1040 = arith.constant 0 : i32
    %dma_wait3A_1041 = arith.constant 0 : i32
    %dma_wait3A_1042 = tpu.memref_slice %arg7[%dma_wait3A_1040, %dma_wait3A_1041] : memref<512x16xf32, #tpu.memory_space<vmem>> -> memref<512x16xf32, #tpu.memory_space<vmem>>
    %dma_wait3A_1043 = arith.constant 12800 : i32
    %dma_wait3A_1044 = tpu.memref_slice %arg6[%dma_wait3A_1043] : memref<13312xi32, #tpu.memory_space<vmem>> -> memref<512xi32, #tpu.memory_space<vmem>>
    %dma_wait3A_1045 = arith.constant 0 : i32
    %dma_wait3A_1046 = arith.constant 0 : i32
    %dma_wait3A_1047 = tpu.memref_slice %arg3[%dma_wait3A_1045, %dma_wait3A_1046] : memref<1000012x16xf32, #tpu.memory_space<hbm>> -> memref<1000012x16xf32, #tpu.memory_space<hbm>>
    tpu.wait_indirect_dma semaphore(%arg9 : memref<!tpu.dma_semaphore, #tpu.memory_space<semaphore_mem>>) src(%dma_wait3A_1047 : memref<1000012x16xf32, #tpu.memory_space<hbm>>) dst(%dma_wait3A_1042 : memref<512x16xf32, #tpu.memory_space<vmem>>)
    "tpu.region"() ({
      %run_scoped3A = tpu.sem_alloc : memref<!tpu.dma_semaphore, #tpu.memory_space<semaphore_mem>>
      %dma_start3A_1048 = arith.constant 0 : i32
      %dma_start3A_1049 = tpu.memref_slice %arg5[%mul3A_2, %dma_start3A_1048] : memref<16384x16xf32, #tpu.memory_space<hbm>> -> memref<512x16xf32, #tpu.memory_space<hbm>>
      %dma_start3A_1050 = arith.constant 0 : i32
      %dma_start3A_1051 = tpu.memref_slice %arg5[%mul3A_2, %dma_start3A_1050] : memref<16384x16xf32, #tpu.memory_space<hbm>> -> memref<512x16xf32, #tpu.memory_space<hbm>>
      tpu.enqueue_dma source(%arg7 : memref<512x16xf32, #tpu.memory_space<vmem>>) target(%dma_start3A_1051 : memref<512x16xf32, #tpu.memory_space<hbm>>) target_semaphore(%run_scoped3A : memref<!tpu.dma_semaphore, #tpu.memory_space<semaphore_mem>>)
      %dma_wait3A_1052 = arith.constant 0 : i32
      %dma_wait3A_1053 = tpu.memref_slice %arg5[%mul3A_2, %dma_wait3A_1052] : memref<16384x16xf32, #tpu.memory_space<hbm>> -> memref<512x16xf32, #tpu.memory_space<hbm>>
      %dma_wait3A_1054 = arith.constant 0 : i32
      %dma_wait3A_1055 = tpu.memref_slice %arg5[%mul3A_2, %dma_wait3A_1054] : memref<16384x16xf32, #tpu.memory_space<hbm>> -> memref<512x16xf32, #tpu.memory_space<hbm>>
      tpu.wait_dma2 semaphore(%run_scoped3A : memref<!tpu.dma_semaphore, #tpu.memory_space<semaphore_mem>>) src(%arg7 : memref<512x16xf32, #tpu.memory_space<vmem>>) dst(%dma_wait3A_1055 : memref<512x16xf32, #tpu.memory_space<hbm>>)
      tpu.yield
    }) : () -> ()
    return
  }
}

</mosaic_0001>

<sc_bundles>
// kernel: kernel.3.cloned.1.call-start
scs
__scs_entry_jumppad:
0x0: {  	(pc) =	sbr.rel $0x88, $3  }
0x1: {  	(tag) =	ssettag $0x0;
	lr =	simm.s32 $0x1  }
0x2: {  	[smem:$0x3F9E] =	sst lr;
	_ =	strace $0xD0000000  }
0x3: {  	_ = 	snop  }
0x4: {  	_ = 	snop  }
0x5: {  	_ = 	snop  }
0x6: {  	_ = 	snop  }
0x7: {  	_ = 	snop  }
__scs_overlays_trampoline_lowered:
0x8: {  	[smem:$0x3FAD] =	sst s0  }
0x9: {  	[smem:$0x3FAE] =	sst s1  }
0xa: {  	[smem:$0x3FAF] =	sst s2  }
0xb: {  	[smem:$0x3FB0] =	sst s3  }
0xc: {  	[smem:$0x3FB1] =	sst s4  }
0xd: {  	[smem:$0x3FB2] =	sst s5  }
0xe: {  	[smem:$0x3FB3] =	sst s6  }
0xf: {  	[smem:$0x3FB4] =	sst s7  }
0x10: {  	[smem:$0x3FB5] =	sst s8  }
0x11: {  	[smem:$0x3FB6] =	sst s9;
	s0 =	simm.s32 @!p0 $0x0  }
0x12: {  	s1 =	sld [smem:$0x3F9C];
	s0 =	simm.s32 @p0 $0x1  }
0x13: {  	[smem:$0x3FB7] =	sst s0;
	s0 =	simm.s32 @!p1 $0x0  }
0x14: {  	s2 =	sld [smem:$0x3F9B];
	s0 =	simm.s32 @p1 $0x1  }
0x15: {  	[smem:$0x3FB8] =	sst s0;
	s0 =	simm.s32 @!p2 $0x0  }
0x16: {  	s3 =	sld [smem:$0x3FDB];
	s0 =	simm.s32 @p2 $0x1  }
0x17: {  	s4 =	simm.s32 $0x1BF5;
	[smem:$0x3FBA] =	sst s0  }
0x18: {  	s0 =	sld [smem:$0x3F9D];
	_ =	swait.ge [sflag:s4], $0x0  }
0x19: {  	s7 =	sld [smem:$0x3F9E]  }
0x1a: {  	s8 =	sadd.s32 $0xFFFFE003, lr  }
0x1b: {  	s9 =	sadd.s32 $0xFFFFFEF7, lr;
	s5 =	simm.s32 $0xFFFFFFFF;
	p2 =	slt.u32 s8, $0xFFFFF086  }
0x1c: {  	p1 =	slt.u32 s9, $0xF7A;
	s5 =	simm.s32 @!p2 $0x0  }
0x1d: {  	s5 =	simm.s32 @p1 $0x1;
	p0 =	seq.s32 s7, s2  }
0x1e: {  	s7 =	smul.u32 @!p0 $0xF7A, s2;
	p2 =	seq.s32 @!p0 s5, $0x0  }
0x1f: {  	s9 =	smul.u32 $0xF7A, s1;
	s8 =	simm.s32 @!p0 $0x1BF5;
	p2 =	por !p2, p0  }
0x20: {  	[sflag:s8] =	ssyncset.s32 @!p0 $0xFFFFF086;
	s6 =	sadd.s32 @!p0 s3, s7;
	s7 =	simm.s32 @!p0 $0x108  }
0x21: {  	s3 =	sadd.s32 s3, s9;
	s6 =	sadd.s32 @!p0 $0x88, s6;
	s7 =	simm.s32 @p2 $0x1082  }
0x22: {  	[simem:s7], [sflag:s8] =	dma.local @!p0 [hbm:s6], $0xF7A  }
0x23: {  	s9 =	sor.u32 $0xD0000000, s2;
	s6 =	simm.s32 $0x108;
	_ =	swait.ge @!p0 [sflag:s8], $0x0  }
0x24: {  	s3 =	sadd.s32 $0x88, s3;
	s6 =	simm.s32 @!p1 $0x1082;
	[sflag:s4] =	ssyncset.s32 $0xFFFFF086  }
0x25: {  	[simem:s6], [sflag:s4] =	dma.local [hbm:s3], $0xF7A  }
0x26: {  	[smem:$0x3F9E] =	sst s1;
	(tag) =	ssettag s2;
	_ =	strace s9  }
0x27: {  	s1 =	sld [smem:$0x3FAE]  }
0x28: {  	s2 =	sld [smem:$0x3FAF]  }
0x29: {  	s4 =	sld [smem:$0x3FB1]  }
0x2a: {  	p0 =	seq.s32 s5, $0x0;
	s5 =	sld [smem:$0x3FB2]  }
0x2b: {  	s6 =	sld [smem:$0x3FB3]  }
0x2c: {  	s7 =	sld [smem:$0x3FB4]  }
0x2d: {  	s3 =	simm.s32 $0x108;
	s8 =	sld [smem:$0x3FB5]  }
0x2e: {  	s3 =	simm.s32 @!p0 $0x1082;
	s9 =	sld [smem:$0x3FB6]  }
0x2f: {  	lr =	sadd.s32 s0, s3;
	s0 =	sld [smem:$0x3FAD]  }
0x30: {  	s3 =	sld [smem:$0x3FB0]  }
0x31: {  	[smem:$0x3FB9] =	sst s10  }
0x32: {  	s10 =	sld [smem:$0x3FB7];
	_ =	sdelay $0x3  }
0x33: {  	p0 =	seq.s32 s10, $0x1;
	s10 =	sld [smem:$0x3FB9];
	_ =	sdelay $0x3  }
0x34: {  	[smem:$0x3FB9] =	sst s10  }
0x35: {  	s10 =	sld [smem:$0x3FB8];
	_ =	sdelay $0x3  }
0x36: {  	p1 =	seq.s32 s10, $0x1;
	s10 =	sld [smem:$0x3FB9];
	_ =	sdelay $0x3  }
0x37: {  	[smem:$0x3FB9] =	sst s10  }
0x38: {  	s10 =	sld [smem:$0x3FBA]  }
0x39: {  	_ = 	snop;
	(pc) =	sbr.ind lr, $3  }
0x3a: {  	_ = 	snop  }
0x3b: {  	_ = 	snop  }
0x3c: {  	p2 =	seq.s32 s10, $0x1;
	s10 =	sld [smem:$0x3FB9]  }
0x3d: {  	_ =	shalt  }
0x3e: {  	_ =	shalt  }
0x3f: {  	_ =	shalt  }
0x40: {  	_ =	shalt  }
0x41: {  	_ =	shalt  }
0x42: {  	_ =	shalt  }
0x43: {  	_ =	shalt  }
0x44: {  	_ =	shalt  }
0x45: {  	_ =	shalt  }
0x46: {  	_ =	shalt  }
0x47: {  	_ =	shalt  }
0x48: {  	_ =	shalt  }
0x49: {  	_ =	shalt  }
0x4a: {  	_ =	shalt  }
0x4b: {  	_ =	shalt  }
0x4c: {  	_ =	shalt  }
0x4d: {  	_ =	shalt  }
0x4e: {  	_ =	shalt  }
0x4f: {  	_ =	shalt  }
0x50: {  	_ =	shalt  }
0x51: {  	_ =	shalt  }
0x52: {  	_ =	shalt  }
0x53: {  	_ =	shalt  }
0x54: {  	_ =	shalt  }
0x55: {  	_ =	shalt  }
0x56: {  	_ =	shalt  }
0x57: {  	_ =	shalt  }
0x58: {  	_ =	shalt  }
0x59: {  	_ =	shalt  }
0x5a: {  	_ =	shalt  }
0x5b: {  	_ =	shalt  }
0x5c: {  	_ =	shalt  }
0x5d: {  	_ =	shalt  }
0x5e: {  	_ =	shalt  }
0x5f: {  	_ =	shalt  }
0x60: {  	_ =	shalt  }
0x61: {  	_ =	shalt  }
0x62: {  	_ =	shalt  }
0x63: {  	_ =	shalt  }
0x64: {  	_ =	shalt  }
0x65: {  	_ =	shalt  }
0x66: {  	_ =	shalt  }
0x67: {  	_ =	shalt  }
0x68: {  	_ =	shalt  }
0x69: {  	_ =	shalt  }
0x6a: {  	_ =	shalt  }
0x6b: {  	_ =	shalt  }
0x6c: {  	_ =	shalt  }
0x6d: {  	_ =	shalt  }
0x6e: {  	_ =	shalt  }
0x6f: {  	_ =	shalt  }
0x70: {  	_ =	shalt  }
0x71: {  	_ =	shalt  }
0x72: {  	_ =	shalt  }
0x73: {  	_ =	shalt  }
0x74: {  	_ =	shalt  }
0x75: {  	_ =	shalt  }
0x76: {  	_ =	shalt  }
0x77: {  	_ =	shalt  }
0x78: {  	_ =	shalt  }
0x79: {  	_ =	shalt  }
0x7a: {  	_ =	shalt  }
0x7b: {  	_ =	shalt  }
0x7c: {  	_ =	shalt  }
0x7d: {  	_ =	shalt  }
0x7e: {  	_ =	shalt  }
0x7f: {  	_ =	shalt  }
0x80: {  	_ =	shalt  }
0x81: {  	_ =	shalt  }
0x82: {  	_ =	shalt  }
0x83: {  	_ =	shalt  }
0x84: {  	_ =	shalt  }
0x85: {  	_ =	shalt  }
0x86: {  	_ =	shalt  }
0x87: {  	_ =	shalt  }
.Lfunc_end0:
.L_simem_size_0:
called_computation_lowered:
.L_overlay_start_0:
0x88: {  	s2 =	sld [smem:$0x3FD9]  }
0x89: {  	s3 =	sld [smem:$0x3FFE];
	_ =	sdelay $0x1  }
0x8a: {  	s1 =	srdreg.scid  }
0x8b: {  	s0 =	sand.u32 $0x1, s1  }
0x8c: {  	s17 =	sshll.u32 s0, $0xA;
	s2 =	sadd.s32 s3, s2  }
0x8d: {  	s2 =	sadd.s32 s2, s17  }
0x8e: {  	[smem:$0x3FC5] =	sst s2  }
0x8f: {  	_ = 	snop  }
0x90: {  	s2 =	sld [smem:$0x3FC7]  }
0x91: {  	s18 =	sld [smem:$0x3FD0];
	(tm) =	ssettm $0x1  }
0x92: {  	s4 =	sld [smem:$0x3FFB];
	_ =	sdelay $0x3  }
0x93: {  	_ =	strace s4  }
0x94: {  	s4 =	sld [smem:$0x3FFC];
	_ =	sdelay $0x3  }
0x95: {  	_ =	strace s4  }
0x96: {  	s4 =	sld [smem:$0x3FFD];
	_ =	sdelay $0x3  }
0x97: {  	_ =	strace s4  }
0x98: {  	_ =	strace $0x8FFFFFFF  }
0x99: {  	s19 =	sld [smem:$0x3FDB];
	_ =	sdelay $0x1  }
0x9a: {  	s5 =	simm.s32 $_scs_section_size  }
0x9b: {  	s6 =	simm.s32 $_size__tile_overlayer_lowered;
	s7 =	simm.s32 $_tile_overlayer_lowered  }
0x9c: {  	s22 =	simm.s32 $0x1BFF;
	s21 =	sshll.u32 s7, $0x1;
	s4 =	sadd.s32 s5, s19  }
0x9d: {  	s8 =	simm.s32 $0x0;
	s20 =	sshll.u32 s6, $0x1;
	s6 =	sadd.s32 s21, s4  }
0x9e: {  	[timem:s8], [sflag:s22] =	dma.local [hbm:s6], s20  }
0x9f: {  	_ =	swait.ge [sflag:s22], s20  }
0xa0: {  	s5 =	ssub.s32 $0x0, s20;
	[sflag:s22] =	ssyncset.done $0x0  }
0xa1: {  	[sflag:s22] =	ssyncadd.s32 s5;
	_ =	sdelay $0x1  }
0xa2: {  	s23 =	simm.s32 $0x1B8B  }
0xa3: {  	_ =	swait.ge [sflag:s23], $0x1  }
0xa4: {  	[sflag:s23] =	ssyncset.done $0x0  }
0xa5: {  	s25 =	simm.s32 $0x1B8E;
	s24 =	sld [smem:$0x3FFE];
	[sflag:s23] =	ssyncadd.s32 $0xFFFFFFFF  }
0xa6: {  	s26 =	simm.s32 $execute0_lowered;
	[smem:$0x3FD2] =	sst s25  }
0xa7: {  	s6 =	sshll.u32 s26, $0x1;
	_ =	strace $0x80000046;
	[dreg:$0x1] =	wrdreg $0xFFFFFFFF  }
0xa8: {  	s28 =	simm.s32 $_size_execute0_lowered;
	s4 =	sadd.s32 s4, s6;
	[dreg:$0x0] =	wrdreg $0x0  }
0xa9: {  	s6 =	sshll.u32 s28, $0x1;
	[dreg:$0x2] =	wrdreg s4  }
0xaa: {  	[dreg:$0x3] =	wrdreg s6  }
0xab: {  	[dreg:$0x4] =	wrdreg $0xC0  }
0xac: {  	_ =	task [dreg:s8], $0x5FFFF  }
0xad: {  	[dreg:$0x1] =	wrdreg $0xFFFFFFFF  }
0xae: {  	[dreg:$0x0] =	wrdreg $0x60  }
0xaf: {  	[dreg:$0x2] =	wrdreg s24  }
0xb0: {  	[dreg:$0x3] =	wrdreg s2  }
0xb1: {  	[dreg:$0x4] =	wrdreg s18  }
0xb2: {  	[dreg:$0x5] =	wrdreg $0x9  }
0xb3: {  	_ =	task.clear_ibuf [dreg:s8], $0x6FFFF;
	_ =	strace $0x90000046  }
0xb4: {  	s29 =	simm.s32 $0x9;
	_ =	strace $0x80000048  }
0xb5: {  	_ =	swait.ge [sflag:s29], $0x1  }
0xb6: {  	[sflag:s29] =	ssyncadd.s32 $0xFFFFFFFF  }
0xb7: {  	_ =	strace $0x90000048  }
0xb8: {  	_ =	sfence  }
0xb9: {  	s30 =	sld [smem:$0x0];
	_ =	sdelay $0x2  }
0xba: {  	s31 =	sshll.u32 s1, $0xD;
	s1 =	sshrl.u32 s1, $0x2  }
0xbb: {  	s3 =	sand.u32 $0x4000, s31;
	s1 =	sadd.s32 s1, s30  }
0xbc: {  	s0 =	sor.u32 s3, s0;
	s1 =	sshll.u32 s1, $0x11  }
0xbd: {  	s0 =	sor.u32 s1, s0  }
0xbe: {  	s0 =	sadd.s32 $0x8F2B, s0  }
0xbf: {  	[sflag:s0] =	ssyncadd.remote.s32 $0x1  }
0xc0: {  	_ =	sfence.sel $0xFFFF  }
0xc1: {  	[dreg:$0x0] =	wrdreg $0xFFFFFFFF;
	(pc) =	sbr.abs _section_cstart, $3  }
0xc2: {  	[dreg:$0x1] =	wrdreg $0xFFFFFFFF  }
0xc3: {  	_ =	task.clear_ibuf [dreg:s8], $0x2FFFF;
	_ =	strace $0x9FFFFFFF  }
0xc4: {  	(tm) =	ssettm $0x7FFFFFFF  }
0xc5: {  	_ =	shalt  }
tec
execute0_lowered:
.L_overlay_start_1:
0x0: {  	(tag) =	ssettag $0x1  }
0x1: {  	s2 =	srdreg.scid  }
0x2: {  	s4 =	stileid.u32;
	s2 =	sand.u32 $0x1, s2  }
0x3: {  	s0 =	rddreg [dreg:$0x0];
	s4 =	sshll.u32 s4, $0xA;
	s5 =	sshll.u32 s2, $0x9  }
0x4: {  	s1 =	rddreg [dreg:$0x2];
	s3 =	simm.s32 $0x0;
	s5 =	sor.u32 s5, s4  }
0x5: {  	[smem:$0x7FF] =	sst s3;
	s4 =	sshrl.u32 s5, $0x3;
	s20 =	sshll.u32 s5, $0x1  }
0x6: {  	s7 =	sadd.s32 s4, s0;
	s4 =	sadd.s32 $0xF42C00, s0;
	s0 =	sadd.s32 s1, s20  }
0x7: {  	_ =	strace $0x80000047;
	s24 =	sadd.s32 $0x600, s7;
	[dreg:$0x15] =	wrdreg s0  }
0x8: {  	s25 =	sadd.s32 $0xE00, s7;
	[dreg:$0x4] =	wrdreg s24  }
0x9: {  	s2 =	ssub.s32 $0x2, s2;
	s26 =	sadd.s32 $0x1600, s7;
	[dreg:$0x5] =	wrdreg s25  }
0xa: {  	s6 =	sshrl.u32 s2, $0x1;
	s30 =	sadd.s32 $0x1E00, s7;
	[dreg:$0x6] =	wrdreg s26  }
0xb: {  	s2 =	ssub.s32 s2, s6;
	s6 =	sadd.s32 $0x2600, s7;
	[dreg:$0x7] =	wrdreg s30  }
0xc: {  	s8 =	sadd.s32 $0x2E00, s7;
	[dreg:$0x8] =	wrdreg s6  }
0xd: {  	s9 =	sadd.s32 $0x3600, s7;
	[dreg:$0x9] =	wrdreg s8  }
0xe: {  	s10 =	sadd.s32 $0x3E00, s7;
	[dreg:$0xa] =	wrdreg s9  }
0xf: {  	s11 =	sadd.s32 $0x4600, s7;
	[dreg:$0xb] =	wrdreg s10  }
0x10: {  	s12 =	sadd.s32 $0x4E00, s7;
	[dreg:$0xc] =	wrdreg s11  }
0x11: {  	s13 =	sadd.s32 $0x5600, s7;
	[dreg:$0xd] =	wrdreg s12  }
0x12: {  	s14 =	sadd.s32 $0x5E00, s7;
	[dreg:$0xe] =	wrdreg s13  }
0x13: {  	s15 =	sadd.s32 $0x6600, s7;
	[dreg:$0xf] =	wrdreg s14  }
0x14: {  	s16 =	sadd.s32 $0x6E00, s7;
	[dreg:$0x10] =	wrdreg s15  }
0x15: {  	s28 =	simm.s32 $0x3400;
	s17 =	sadd.s32 $0x7600, s7;
	[dreg:$0x11] =	wrdreg s16  }
0x16: {  	s29 =	simm.s32 $0x0;
	s18 =	sadd.s32 $0x7E00, s7;
	[dreg:$0x12] =	wrdreg s17  }
0x17: {  	s5 =	simm.s32 $0x200;
	s19 =	sadd.s32 $0x8600, s7;
	[dreg:$0x13] =	wrdreg s18  }
0x18: {  	s1 =	smax.u32 s2, $0x1;
	s21 =	sadd.s32 $0x8E00, s7;
	[dreg:$0x14] =	wrdreg s19  }
0x19: {  	s2 =	simm.s32 $0x3;
	s22 =	sadd.s32 $0x9600, s7;
	[dreg:$0x16] =	wrdreg s21  }
0x1a: {  	s20 =	simm.s32 $0x2000;
	s23 =	sadd.s32 $0x9E00, s7;
	[dreg:$0x17] =	wrdreg s22  }
0x1b: {  	s31 =	sadd.s32 $0xC600, s7;
	s0 =	sadd.s32 $0xCE00, s7;
	[dreg:$0x18] =	wrdreg s23  }
0x1c: {  	s24 =	sadd.s32 $0xA600, s7;
	s25 =	sadd.s32 $0xAE00, s7;
	s26 =	sadd.s32 $0xB600, s7  }
0x1d: {  	s30 =	sadd.s32 $0xBE00, s7;
	s12 =	simm.s32 $0x1000;
	s13 =	simm.s32 $0x1200  }
0x1e: {  	s14 =	simm.s32 $0x1400;
	s15 =	simm.s32 $0x1600;
	s16 =	simm.s32 $0x1800  }
0x1f: {  	s17 =	simm.s32 $0x1A00;
	s18 =	simm.s32 $0x1C00;
	s19 =	simm.s32 $0x1E00  }
0x20: {  	s21 =	simm.s32 $0x2200;
	s22 =	simm.s32 $0x2400;
	[dreg:$0x19] =	wrdreg s24  }
0x21: {  	s23 =	simm.s32 $0x2600;
	s6 =	simm.s32 $0x2800;
	[dreg:$0x1a] =	wrdreg s25  }
0x22: {  	s7 =	simm.s32 $0x2C00;
	s8 =	simm.s32 $0x3000;
	[dreg:$0x1b] =	wrdreg s26  }
0x23: {  	s9 =	simm.s32 $0x2;
	s10 =	simm.s32 $0x1;
	[dreg:$0x1c] =	wrdreg s30  }
0x24: {  	s24 =	simm.s32 $0x2A00;
	s25 =	simm.s32 $0x2E00;
	s26 =	simm.s32 $0x3200  }
.LBB2_1:
0x25: {  	s11 =	rddreg [dreg:$0x1];
	s30 =	simm.s32 $0x5400  }
0x26: {  	[tilespmem:s30], [sflag:$0x3] =	stream.linear.gather [hbm4b:s11+s3], $0x10, $0x38;
	[tilespmem:$0x5410] =	vst v63  }
0x27: {  	_ =	swait.ge [sflag:s2], $0x10  }
0x28: {  	[sflag:s2] =	ssyncset.done $0x0  }
0x29: {  	s11 =	rddreg [dreg:$0x4];
	[sflag:s2] =	ssyncadd.s32 $0xFFFFFFF0  }
0x2a: {  	[tilespmem:s3], [sflag:$0x2] =	stream.linear.gather [hbm4b:s11+s3], $0x200, $0x38;
	[tilespmem:$0x5410] =	vst v63  }
0x2b: {  	s11 =	rddreg [dreg:$0x5]  }
0x2c: {  	[tilespmem:s5], [sflag:$0x2] =	stream.linear.gather [hbm4b:s11+s3], $0x200, $0x38;
	[tilespmem:$0x5410] =	vst v63  }
0x2d: {  	s30 =	simm.s32 $0x400;
	s11 =	rddreg [dreg:$0x6]  }
0x2e: {  	[tilespmem:s30], [sflag:$0x2] =	stream.linear.gather [hbm4b:s11+s3], $0x200, $0x38;
	[tilespmem:$0x5410] =	vst v63  }
0x2f: {  	s11 =	rddreg [dreg:$0x7];
	s30 =	simm.s32 $0x600  }
0x30: {  	[tilespmem:s30], [sflag:$0x2] =	stream.linear.gather [hbm4b:s11+s3], $0x200, $0x38;
	[tilespmem:$0x5410] =	vst v63  }
0x31: {  	s11 =	rddreg [dreg:$0x8];
	s30 =	simm.s32 $0x800  }
0x32: {  	[tilespmem:s30], [sflag:$0x2] =	stream.linear.gather [hbm4b:s11+s3], $0x200, $0x38;
	[tilespmem:$0x5410] =	vst v63  }
0x33: {  	s11 =	rddreg [dreg:$0x9];
	s30 =	simm.s32 $0xA00  }
0x34: {  	[tilespmem:s30], [sflag:$0x2] =	stream.linear.gather [hbm4b:s11+s3], $0x200, $0x38;
	[tilespmem:$0x5410] =	vst v63  }
0x35: {  	s11 =	rddreg [dreg:$0xa];
	s30 =	simm.s32 $0xC00  }
0x36: {  	[tilespmem:s30], [sflag:$0x2] =	stream.linear.gather [hbm4b:s11+s3], $0x200, $0x38;
	[tilespmem:$0x5410] =	vst v63  }
0x37: {  	s11 =	rddreg [dreg:$0xb];
	s30 =	simm.s32 $0xE00  }
0x38: {  	[tilespmem:s30], [sflag:$0x2] =	stream.linear.gather [hbm4b:s11+s3], $0x200, $0x38;
	[tilespmem:$0x5410] =	vst v63  }
0x39: {  	s11 =	rddreg [dreg:$0xc]  }
0x3a: {  	[tilespmem:s12], [sflag:$0x2] =	stream.linear.gather [hbm4b:s11+s3], $0x200, $0x38;
	[tilespmem:$0x5410] =	vst v63  }
0x3b: {  	s11 =	rddreg [dreg:$0xd]  }
0x3c: {  	[tilespmem:s13], [sflag:$0x2] =	stream.linear.gather [hbm4b:s11+s3], $0x200, $0x38;
	[tilespmem:$0x5410] =	vst v63  }
0x3d: {  	s11 =	rddreg [dreg:$0xe]  }
0x3e: {  	[tilespmem:s14], [sflag:$0x2] =	stream.linear.gather [hbm4b:s11+s3], $0x200, $0x38;
	[tilespmem:$0x5410] =	vst v63  }
0x3f: {  	s11 =	rddreg [dreg:$0xf]  }
0x40: {  	[tilespmem:s15], [sflag:$0x2] =	stream.linear.gather [hbm4b:s11+s3], $0x200, $0x38;
	[tilespmem:$0x5410] =	vst v63  }
0x41: {  	s11 =	rddreg [dreg:$0x10]  }
0x42: {  	[tilespmem:s16], [sflag:$0x2] =	stream.linear.gather [hbm4b:s11+s3], $0x200, $0x38;
	[tilespmem:$0x5410] =	vst v63  }
0x43: {  	s11 =	rddreg [dreg:$0x11]  }
0x44: {  	[tilespmem:s17], [sflag:$0x2] =	stream.linear.gather [hbm4b:s11+s3], $0x200, $0x38;
	[tilespmem:$0x5410] =	vst v63  }
0x45: {  	s11 =	rddreg [dreg:$0x12]  }
0x46: {  	[tilespmem:s18], [sflag:$0x2] =	stream.linear.gather [hbm4b:s11+s3], $0x200, $0x38;
	[tilespmem:$0x5410] =	vst v63  }
0x47: {  	s11 =	rddreg [dreg:$0x13]  }
0x48: {  	[tilespmem:s19], [sflag:$0x2] =	stream.linear.gather [hbm4b:s11+s3], $0x200, $0x38;
	[tilespmem:$0x5410] =	vst v63  }
0x49: {  	s11 =	rddreg [dreg:$0x14]  }
0x4a: {  	[tilespmem:s20], [sflag:$0x2] =	stream.linear.gather [hbm4b:s11+s3], $0x200, $0x38;
	[tilespmem:$0x5410] =	vst v63  }
0x4b: {  	s11 =	rddreg [dreg:$0x16]  }
0x4c: {  	[tilespmem:s21], [sflag:$0x2] =	stream.linear.gather [hbm4b:s11+s3], $0x200, $0x38;
	[tilespmem:$0x5410] =	vst v63  }
0x4d: {  	s11 =	rddreg [dreg:$0x17]  }
0x4e: {  	[tilespmem:s22], [sflag:$0x2] =	stream.linear.gather [hbm4b:s11+s3], $0x200, $0x38;
	[tilespmem:$0x5410] =	vst v63  }
0x4f: {  	s11 =	rddreg [dreg:$0x18]  }
0x50: {  	[tilespmem:s23], [sflag:$0x2] =	stream.linear.gather [hbm4b:s11+s3], $0x200, $0x38;
	[tilespmem:$0x5410] =	vst v63  }
0x51: {  	s11 =	rddreg [dreg:$0x19]  }
0x52: {  	[tilespmem:s6], [sflag:$0x2] =	stream.linear.gather [hbm4b:s11+s3], $0x200, $0x38;
	[tilespmem:$0x5410] =	vst v63  }
0x53: {  	s11 =	rddreg [dreg:$0x1a]  }
0x54: {  	[tilespmem:s24], [sflag:$0x2] =	stream.linear.gather [hbm4b:s11+s3], $0x200, $0x38;
	[tilespmem:$0x5410] =	vst v63  }
0x55: {  	s11 =	rddreg [dreg:$0x1b]  }
0x56: {  	[tilespmem:s7], [sflag:$0x2] =	stream.linear.gather [hbm4b:s11+s3], $0x200, $0x38;
	[tilespmem:$0x5410] =	vst v63  }
0x57: {  	s11 =	rddreg [dreg:$0x1c]  }
0x58: {  	[tilespmem:s25], [sflag:$0x2] =	stream.linear.gather [hbm4b:s11+s3], $0x200, $0x38;
	[tilespmem:$0x5410] =	vst v63  }
0x59: {  	_ = 	snop  }
0x5a: {  	[tilespmem:s8], [sflag:$0x2] =	stream.linear.gather [hbm4b:s31+s3], $0x200, $0x38;
	[tilespmem:$0x5410] =	vst v63  }
0x5b: {  	_ = 	snop  }
0x5c: {  	[tilespmem:s26], [sflag:$0x2] =	stream.linear.gather [hbm4b:s0+s3], $0x200, $0x38;
	[tilespmem:$0x5410] =	vst v63  }
0x5d: {  	v0 =	vld [tilespmem:$0x5400];
	_ =	sdelay $0x3  }
0x5e: {  	s30 =	simm.s32 $0x0;
	s11 =	simm.s32 $0x40  }
.LBB2_2:
0x5f: {  	p0 =	sne.s32 s11, $0x7FC0;
	[tilespmem:s30+$0x3400] =	vst v0;
	s30 =	smov.u32 s11;
	s11 =	sadd.s32 $0x40, s11  }
.Ltmp0:
0x60: {  	(pc) =	sbr.rel @p0 .LBB2_2-.Ltmp0, $2  }
0x61: {  	_ =	sdelay $0x2  }
0x62: {  	s30 =	sshra.s32 s30, $0x2  }
0x63: {  	[tilespmem:s30+$0x3400] =	vst v0  }
0x64: {  	_ =	swait.ge [sflag:s9], $0x200  }
0x65: {  	[sflag:s9] =	ssyncset.done $0x0  }
0x66: {  	s11 =	simm.s32 $0x0;
	[sflag:s9] =	ssyncadd.s32 $0xFFFFFE00  }
0x67: {  	[tilespmem:s28], [sflag:$0x1] =	stream.indirect.gather.add.f32 [hbm:s4], $0x10, s11, s5, $0xb8;
	[tilespmem:$0x5410] =	vst v63  }
0x68: {  	_ =	swait.ge [sflag:s9], $0x200  }
0x69: {  	[sflag:s9] =	ssyncset.done $0x0  }
0x6a: {  	s30 =	simm.s32 $0x40;
	s11 =	simm.s32 $0x0;
	[sflag:s9] =	ssyncadd.s32 $0xFFFFFE00  }
.LBB2_4:
0x6b: {  	p0 =	sne.s32 s30, $0x7C0;
	v0 =	vld [tilespmem:s11+$0x200];
	_ =	sdelay $0x1  }
.Ltmp1:
0x6c: {  	(pc) =	sbr.rel @p0 .LBB2_4-.Ltmp1, $3  }
0x6d: {  	_ =	sdelay $0x1  }
0x6e: {  	v0 =	vadd.s32 $0x963E, v0  }
0x6f: {  	[tilespmem:s11+$0x200] =	vst v0;
	s11 =	sshra.s32 s30, $0x2;
	s30 =	sadd.s32 $0x40, s30  }
0x70: {  	v0 =	vld [tilespmem:s11+$0x200];
	_ =	sdelay $0x4  }
0x71: {  	v0 =	vadd.s32 $0x963E, v0  }
0x72: {  	[tilespmem:s11+$0x200] =	vst v0  }
0x73: {  	[tilespmem:s28], [sflag:$0x1] =	stream.indirect.gather.add.f32 [hbm:s4], $0x10, s5, s5, $0xb8;
	[tilespmem:$0x5410] =	vst v63  }
0x74: {  	_ =	swait.ge [sflag:s9], $0x200  }
0x75: {  	[sflag:s9] =	ssyncset.done $0x0  }
0x76: {  	s30 =	simm.s32 $0x40;
	s11 =	simm.s32 $0x0;
	[sflag:s9] =	ssyncadd.s32 $0xFFFFFE00  }
.LBB2_6:
0x77: {  	p0 =	sne.s32 s30, $0x7C0;
	v0 =	vld [tilespmem:s11+$0x400];
	_ =	sdelay $0x1  }
.Ltmp2:
0x78: {  	(pc) =	sbr.rel @p0 .LBB2_6-.Ltmp2, $3  }
0x79: {  	_ =	sdelay $0x1  }
0x7a: {  	v0 =	vadd.s32 $0x12C7C, v0  }
0x7b: {  	[tilespmem:s11+$0x400] =	vst v0;
	s11 =	sshra.s32 s30, $0x2;
	s30 =	sadd.s32 $0x40, s30  }
0x7c: {  	v0 =	vld [tilespmem:s11+$0x400];
	_ =	sdelay $0x4  }
0x7d: {  	v0 =	vadd.s32 $0x12C7C, v0  }
0x7e: {  	[tilespmem:s11+$0x400] =	vst v0;
	s11 =	simm.s32 $0x400  }
0x7f: {  	[tilespmem:s28], [sflag:$0x1] =	stream.indirect.gather.add.f32 [hbm:s4], $0x10, s11, s5, $0xb8;
	[tilespmem:$0x5410] =	vst v63  }
0x80: {  	_ =	swait.ge [sflag:s9], $0x200  }
0x81: {  	[sflag:s9] =	ssyncset.done $0x0  }
0x82: {  	s30 =	simm.s32 $0x40;
	s11 =	simm.s32 $0x0;
	[sflag:s9] =	ssyncadd.s32 $0xFFFFFE00  }
.LBB2_8:
0x83: {  	p0 =	sne.s32 s30, $0x7C0;
	v0 =	vld [tilespmem:s11+$0x600];
	_ =	sdelay $0x1  }
.Ltmp3:
0x84: {  	(pc) =	sbr.rel @p0 .LBB2_8-.Ltmp3, $3  }
0x85: {  	_ =	sdelay $0x1  }
0x86: {  	v0 =	vadd.s32 $0x1C2BA, v0  }
0x87: {  	[tilespmem:s11+$0x600] =	vst v0;
	s11 =	sshra.s32 s30, $0x2;
	s30 =	sadd.s32 $0x40, s30  }
0x88: {  	v0 =	vld [tilespmem:s11+$0x600];
	_ =	sdelay $0x4  }
0x89: {  	v0 =	vadd.s32 $0x1C2BA, v0  }
0x8a: {  	[tilespmem:s11+$0x600] =	vst v0;
	s11 =	simm.s32 $0x600  }
0x8b: {  	[tilespmem:s28], [sflag:$0x1] =	stream.indirect.gather.add.f32 [hbm:s4], $0x10, s11, s5, $0xb8;
	[tilespmem:$0x5410] =	vst v63  }
0x8c: {  	_ =	swait.ge [sflag:s9], $0x200  }
0x8d: {  	[sflag:s9] =	ssyncset.done $0x0  }
0x8e: {  	s30 =	simm.s32 $0x40;
	s11 =	simm.s32 $0x0;
	[sflag:s9] =	ssyncadd.s32 $0xFFFFFE00  }
.LBB2_10:
0x8f: {  	p0 =	sne.s32 s30, $0x7C0;
	v0 =	vld [tilespmem:s11+$0x800];
	_ =	sdelay $0x1  }
.Ltmp4:
0x90: {  	(pc) =	sbr.rel @p0 .LBB2_10-.Ltmp4, $3  }
0x91: {  	_ =	sdelay $0x1  }
0x92: {  	v0 =	vadd.s32 $0x258F8, v0  }
0x93: {  	[tilespmem:s11+$0x800] =	vst v0;
	s11 =	sshra.s32 s30, $0x2;
	s30 =	sadd.s32 $0x40, s30  }
0x94: {  	v0 =	vld [tilespmem:s11+$0x800];
	_ =	sdelay $0x4  }
0x95: {  	v0 =	vadd.s32 $0x258F8, v0  }
0x96: {  	[tilespmem:s11+$0x800] =	vst v0;
	s11 =	simm.s32 $0x800  }
0x97: {  	[tilespmem:s28], [sflag:$0x1] =	stream.indirect.gather.add.f32 [hbm:s4], $0x10, s11, s5, $0xb8;
	[tilespmem:$0x5410] =	vst v63  }
0x98: {  	_ =	swait.ge [sflag:s9], $0x200  }
0x99: {  	[sflag:s9] =	ssyncset.done $0x0  }
0x9a: {  	s30 =	simm.s32 $0x40;
	s11 =	simm.s32 $0x0;
	[sflag:s9] =	ssyncadd.s32 $0xFFFFFE00  }
.LBB2_12:
0x9b: {  	p0 =	sne.s32 s30, $0x7C0;
	v0 =	vld [tilespmem:s11+$0xA00];
	_ =	sdelay $0x1  }
.Ltmp5:
0x9c: {  	(pc) =	sbr.rel @p0 .LBB2_12-.Ltmp5, $3  }
0x9d: {  	_ =	sdelay $0x1  }
0x9e: {  	v0 =	vadd.s32 $0x2EF36, v0  }
0x9f: {  	[tilespmem:s11+$0xA00] =	vst v0;
	s11 =	sshra.s32 s30, $0x2;
	s30 =	sadd.s32 $0x40, s30  }
0xa0: {  	v0 =	vld [tilespmem:s11+$0xA00];
	_ =	sdelay $0x4  }
0xa1: {  	v0 =	vadd.s32 $0x2EF36, v0  }
0xa2: {  	[tilespmem:s11+$0xA00] =	vst v0;
	s11 =	simm.s32 $0xA00  }
0xa3: {  	[tilespmem:s28], [sflag:$0x1] =	stream.indirect.gather.add.f32 [hbm:s4], $0x10, s11, s5, $0xb8;
	[tilespmem:$0x5410] =	vst v63  }
0xa4: {  	_ =	swait.ge [sflag:s9], $0x200  }
0xa5: {  	[sflag:s9] =	ssyncset.done $0x0  }
0xa6: {  	s30 =	simm.s32 $0x40;
	s11 =	simm.s32 $0x0;
	[sflag:s9] =	ssyncadd.s32 $0xFFFFFE00  }
.LBB2_14:
0xa7: {  	p0 =	sne.s32 s30, $0x7C0;
	v0 =	vld [tilespmem:s11+$0xC00];
	_ =	sdelay $0x1  }
.Ltmp6:
0xa8: {  	(pc) =	sbr.rel @p0 .LBB2_14-.Ltmp6, $3  }
0xa9: {  	_ =	sdelay $0x1  }
0xaa: {  	v0 =	vadd.s32 $0x38574, v0  }
0xab: {  	[tilespmem:s11+$0xC00] =	vst v0;
	s11 =	sshra.s32 s30, $0x2;
	s30 =	sadd.s32 $0x40, s30  }
0xac: {  	v0 =	vld [tilespmem:s11+$0xC00];
	_ =	sdelay $0x4  }
0xad: {  	v0 =	vadd.s32 $0x38574, v0  }
0xae: {  	[tilespmem:s11+$0xC00] =	vst v0;
	s11 =	simm.s32 $0xC00  }
0xaf: {  	[tilespmem:s28], [sflag:$0x1] =	stream.indirect.gather.add.f32 [hbm:s4], $0x10, s11, s5, $0xb8;
	[tilespmem:$0x5410] =	vst v63  }
0xb0: {  	_ =	swait.ge [sflag:s9], $0x200  }
0xb1: {  	[sflag:s9] =	ssyncset.done $0x0  }
0xb2: {  	s30 =	simm.s32 $0x40;
	s11 =	simm.s32 $0x0;
	[sflag:s9] =	ssyncadd.s32 $0xFFFFFE00  }
.LBB2_16:
0xb3: {  	p0 =	sne.s32 s30, $0x7C0;
	v0 =	vld [tilespmem:s11+$0xE00];
	_ =	sdelay $0x1  }
.Ltmp7:
0xb4: {  	(pc) =	sbr.rel @p0 .LBB2_16-.Ltmp7, $3  }
0xb5: {  	_ =	sdelay $0x1  }
0xb6: {  	v0 =	vadd.s32 $0x41BB2, v0  }
0xb7: {  	[tilespmem:s11+$0xE00] =	vst v0;
	s11 =	sshra.s32 s30, $0x2;
	s30 =	sadd.s32 $0x40, s30  }
0xb8: {  	v0 =	vld [tilespmem:s11+$0xE00];
	_ =	sdelay $0x4  }
0xb9: {  	v0 =	vadd.s32 $0x41BB2, v0  }
0xba: {  	[tilespmem:s11+$0xE00] =	vst v0;
	s11 =	simm.s32 $0xE00  }
0xbb: {  	[tilespmem:s28], [sflag:$0x1] =	stream.indirect.gather.add.f32 [hbm:s4], $0x10, s11, s5, $0xb8;
	[tilespmem:$0x5410] =	vst v63  }
0xbc: {  	_ =	swait.ge [sflag:s9], $0x200  }
0xbd: {  	[sflag:s9] =	ssyncset.done $0x0  }
0xbe: {  	s30 =	simm.s32 $0x40;
	s11 =	simm.s32 $0x0;
	[sflag:s9] =	ssyncadd.s32 $0xFFFFFE00  }
.LBB2_18:
0xbf: {  	p0 =	sne.s32 s30, $0x7C0;
	v0 =	vld [tilespmem:s11+$0x1000];
	_ =	sdelay $0x1  }
.Ltmp8:
0xc0: {  	(pc) =	sbr.rel @p0 .LBB2_18-.Ltmp8, $3  }
0xc1: {  	_ =	sdelay $0x1  }
0xc2: {  	v0 =	vadd.s32 $0x4B1F0, v0  }
0xc3: {  	[tilespmem:s11+$0x1000] =	vst v0;
	s11 =	sshra.s32 s30, $0x2;
	s30 =	sadd.s32 $0x40, s30  }
0xc4: {  	v0 =	vld [tilespmem:s11+$0x1000];
	_ =	sdelay $0x4  }
0xc5: {  	v0 =	vadd.s32 $0x4B1F0, v0  }
0xc6: {  	[tilespmem:s11+$0x1000] =	vst v0  }
0xc7: {  	[tilespmem:s28], [sflag:$0x1] =	stream.indirect.gather.add.f32 [hbm:s4], $0x10, s12, s5, $0xb8;
	[tilespmem:$0x5410] =	vst v63  }
0xc8: {  	_ =	swait.ge [sflag:s9], $0x200  }
0xc9: {  	[sflag:s9] =	ssyncset.done $0x0  }
0xca: {  	s30 =	simm.s32 $0x40;
	s11 =	simm.s32 $0x0;
	[sflag:s9] =	ssyncadd.s32 $0xFFFFFE00  }
.LBB2_20:
0xcb: {  	p0 =	sne.s32 s30, $0x7C0;
	v0 =	vld [tilespmem:s11+$0x1200];
	_ =	sdelay $0x1  }
.Ltmp9:
0xcc: {  	(pc) =	sbr.rel @p0 .LBB2_20-.Ltmp9, $3  }
0xcd: {  	_ =	sdelay $0x1  }
0xce: {  	v0 =	vadd.s32 $0x5482E, v0  }
0xcf: {  	[tilespmem:s11+$0x1200] =	vst v0;
	s11 =	sshra.s32 s30, $0x2;
	s30 =	sadd.s32 $0x40, s30  }
0xd0: {  	v0 =	vld [tilespmem:s11+$0x1200];
	_ =	sdelay $0x4  }
0xd1: {  	v0 =	vadd.s32 $0x5482E, v0  }
0xd2: {  	[tilespmem:s11+$0x1200] =	vst v0  }
0xd3: {  	[tilespmem:s28], [sflag:$0x1] =	stream.indirect.gather.add.f32 [hbm:s4], $0x10, s13, s5, $0xb8;
	[tilespmem:$0x5410] =	vst v63  }
0xd4: {  	_ =	swait.ge [sflag:s9], $0x200  }
0xd5: {  	[sflag:s9] =	ssyncset.done $0x0  }
0xd6: {  	s30 =	simm.s32 $0x40;
	s11 =	simm.s32 $0x0;
	[sflag:s9] =	ssyncadd.s32 $0xFFFFFE00  }
.LBB2_22:
0xd7: {  	p0 =	sne.s32 s30, $0x7C0;
	v0 =	vld [tilespmem:s11+$0x1400];
	_ =	sdelay $0x1  }
.Ltmp10:
0xd8: {  	(pc) =	sbr.rel @p0 .LBB2_22-.Ltmp10, $3  }
0xd9: {  	_ =	sdelay $0x1  }
0xda: {  	v0 =	vadd.s32 $0x5DE6C, v0  }
0xdb: {  	[tilespmem:s11+$0x1400] =	vst v0;
	s11 =	sshra.s32 s30, $0x2;
	s30 =	sadd.s32 $0x40, s30  }
0xdc: {  	v0 =	vld [tilespmem:s11+$0x1400];
	_ =	sdelay $0x4  }
0xdd: {  	v0 =	vadd.s32 $0x5DE6C, v0  }
0xde: {  	[tilespmem:s11+$0x1400] =	vst v0  }
0xdf: {  	[tilespmem:s28], [sflag:$0x1] =	stream.indirect.gather.add.f32 [hbm:s4], $0x10, s14, s5, $0xb8;
	[tilespmem:$0x5410] =	vst v63  }
0xe0: {  	_ =	swait.ge [sflag:s9], $0x200  }
0xe1: {  	[sflag:s9] =	ssyncset.done $0x0  }
0xe2: {  	s30 =	simm.s32 $0x40;
	s11 =	simm.s32 $0x0;
	[sflag:s9] =	ssyncadd.s32 $0xFFFFFE00  }
.LBB2_24:
0xe3: {  	p0 =	sne.s32 s30, $0x7C0;
	v0 =	vld [tilespmem:s11+$0x1600];
	_ =	sdelay $0x1  }
.Ltmp11:
0xe4: {  	(pc) =	sbr.rel @p0 .LBB2_24-.Ltmp11, $3  }
0xe5: {  	_ =	sdelay $0x1  }
0xe6: {  	v0 =	vadd.s32 $0x674AA, v0  }
0xe7: {  	[tilespmem:s11+$0x1600] =	vst v0;
	s11 =	sshra.s32 s30, $0x2;
	s30 =	sadd.s32 $0x40, s30  }
0xe8: {  	v0 =	vld [tilespmem:s11+$0x1600];
	_ =	sdelay $0x4  }
0xe9: {  	v0 =	vadd.s32 $0x674AA, v0  }
0xea: {  	[tilespmem:s11+$0x1600] =	vst v0  }
0xeb: {  	[tilespmem:s28], [sflag:$0x1] =	stream.indirect.gather.add.f32 [hbm:s4], $0x10, s15, s5, $0xb8;
	[tilespmem:$0x5410] =	vst v63  }
0xec: {  	_ =	swait.ge [sflag:s9], $0x200  }
0xed: {  	[sflag:s9] =	ssyncset.done $0x0  }
0xee: {  	s30 =	simm.s32 $0x40;
	s11 =	simm.s32 $0x0;
	[sflag:s9] =	ssyncadd.s32 $0xFFFFFE00  }
.LBB2_26:
0xef: {  	p0 =	sne.s32 s30, $0x7C0;
	v0 =	vld [tilespmem:s11+$0x1800];
	_ =	sdelay $0x1  }
.Ltmp12:
0xf0: {  	(pc) =	sbr.rel @p0 .LBB2_26-.Ltmp12, $3  }
0xf1: {  	_ =	sdelay $0x1  }
0xf2: {  	v0 =	vadd.s32 $0x70AE8, v0  }
0xf3: {  	[tilespmem:s11+$0x1800] =	vst v0;
	s11 =	sshra.s32 s30, $0x2;
	s30 =	sadd.s32 $0x40, s30  }
0xf4: {  	v0 =	vld [tilespmem:s11+$0x1800];
	_ =	sdelay $0x4  }
0xf5: {  	v0 =	vadd.s32 $0x70AE8, v0  }
0xf6: {  	[tilespmem:s11+$0x1800] =	vst v0  }
0xf7: {  	[tilespmem:s28], [sflag:$0x1] =	stream.indirect.gather.add.f32 [hbm:s4], $0x10, s16, s5, $0xb8;
	[tilespmem:$0x5410] =	vst v63  }
0xf8: {  	_ =	swait.ge [sflag:s9], $0x200  }
0xf9: {  	[sflag:s9] =	ssyncset.done $0x0  }
0xfa: {  	s30 =	simm.s32 $0x40;
	s11 =	simm.s32 $0x0;
	[sflag:s9] =	ssyncadd.s32 $0xFFFFFE00  }
.LBB2_28:
0xfb: {  	p0 =	sne.s32 s30, $0x7C0;
	v0 =	vld [tilespmem:s11+$0x1A00];
	_ =	sdelay $0x1  }
.Ltmp13:
0xfc: {  	(pc) =	sbr.rel @p0 .LBB2_28-.Ltmp13, $3  }
0xfd: {  	_ =	sdelay $0x1  }
0xfe: {  	v0 =	vadd.s32 $0x7A126, v0  }
0xff: {  	[tilespmem:s11+$0x1A00] =	vst v0;
	s11 =	sshra.s32 s30, $0x2;
	s30 =	sadd.s32 $0x40, s30  }
0x100: {  	v0 =	vld [tilespmem:s11+$0x1A00];
	_ =	sdelay $0x4  }
0x101: {  	v0 =	vadd.s32 $0x7A126, v0  }
0x102: {  	[tilespmem:s11+$0x1A00] =	vst v0  }
0x103: {  	[tilespmem:s28], [sflag:$0x1] =	stream.indirect.gather.add.f32 [hbm:s4], $0x10, s17, s5, $0xb8;
	[tilespmem:$0x5410] =	vst v63  }
0x104: {  	_ =	swait.ge [sflag:s9], $0x200  }
0x105: {  	[sflag:s9] =	ssyncset.done $0x0  }
0x106: {  	s30 =	simm.s32 $0x40;
	s11 =	simm.s32 $0x0;
	[sflag:s9] =	ssyncadd.s32 $0xFFFFFE00  }
.LBB2_30:
0x107: {  	p0 =	sne.s32 s30, $0x7C0;
	v0 =	vld [tilespmem:s11+$0x1C00];
	_ =	sdelay $0x1  }
.Ltmp14:
0x108: {  	(pc) =	sbr.rel @p0 .LBB2_30-.Ltmp14, $3  }
0x109: {  	_ =	sdelay $0x1  }
0x10a: {  	v0 =	vadd.s32 $0x83764, v0  }
0x10b: {  	[tilespmem:s11+$0x1C00] =	vst v0;
	s11 =	sshra.s32 s30, $0x2;
	s30 =	sadd.s32 $0x40, s30  }
0x10c: {  	v0 =	vld [tilespmem:s11+$0x1C00];
	_ =	sdelay $0x4  }
0x10d: {  	v0 =	vadd.s32 $0x83764, v0  }
0x10e: {  	[tilespmem:s11+$0x1C00] =	vst v0  }
0x10f: {  	[tilespmem:s28], [sflag:$0x1] =	stream.indirect.gather.add.f32 [hbm:s4], $0x10, s18, s5, $0xb8;
	[tilespmem:$0x5410] =	vst v63  }
0x110: {  	_ =	swait.ge [sflag:s9], $0x200  }
0x111: {  	[sflag:s9] =	ssyncset.done $0x0  }
0x112: {  	s30 =	simm.s32 $0x40;
	s11 =	simm.s32 $0x0;
	[sflag:s9] =	ssyncadd.s32 $0xFFFFFE00  }
.LBB2_32:
0x113: {  	p0 =	sne.s32 s30, $0x7C0;
	v0 =	vld [tilespmem:s11+$0x1E00];
	_ =	sdelay $0x1  }
.Ltmp15:
0x114: {  	(pc) =	sbr.rel @p0 .LBB2_32-.Ltmp15, $3  }
0x115: {  	_ =	sdelay $0x1  }
0x116: {  	v0 =	vadd.s32 $0x8CDA2, v0  }
0x117: {  	[tilespmem:s11+$0x1E00] =	vst v0;
	s11 =	sshra.s32 s30, $0x2;
	s30 =	sadd.s32 $0x40, s30  }
0x118: {  	v0 =	vld [tilespmem:s11+$0x1E00];
	_ =	sdelay $0x4  }
0x119: {  	v0 =	vadd.s32 $0x8CDA2, v0  }
0x11a: {  	[tilespmem:s11+$0x1E00] =	vst v0  }
0x11b: {  	[tilespmem:s28], [sflag:$0x1] =	stream.indirect.gather.add.f32 [hbm:s4], $0x10, s19, s5, $0xb8;
	[tilespmem:$0x5410] =	vst v63  }
0x11c: {  	_ =	swait.ge [sflag:s9], $0x200  }
0x11d: {  	[sflag:s9] =	ssyncset.done $0x0  }
0x11e: {  	s30 =	simm.s32 $0x40;
	s11 =	simm.s32 $0x0;
	[sflag:s9] =	ssyncadd.s32 $0xFFFFFE00  }
.LBB2_34:
0x11f: {  	p0 =	sne.s32 s30, $0x7C0;
	v0 =	vld [tilespmem:s11+$0x2000];
	_ =	sdelay $0x1  }
.Ltmp16:
0x120: {  	(pc) =	sbr.rel @p0 .LBB2_34-.Ltmp16, $3  }
0x121: {  	_ =	sdelay $0x1  }
0x122: {  	v0 =	vadd.s32 $0x963E0, v0  }
0x123: {  	[tilespmem:s11+$0x2000] =	vst v0;
	s11 =	sshra.s32 s30, $0x2;
	s30 =	sadd.s32 $0x40, s30  }
0x124: {  	v0 =	vld [tilespmem:s11+$0x2000];
	_ =	sdelay $0x4  }
0x125: {  	v0 =	vadd.s32 $0x963E0, v0  }
0x126: {  	[tilespmem:s11+$0x2000] =	vst v0  }
0x127: {  	[tilespmem:s28], [sflag:$0x1] =	stream.indirect.gather.add.f32 [hbm:s4], $0x10, s20, s5, $0xb8;
	[tilespmem:$0x5410] =	vst v63  }
0x128: {  	_ =	swait.ge [sflag:s9], $0x200  }
0x129: {  	[sflag:s9] =	ssyncset.done $0x0  }
0x12a: {  	s30 =	simm.s32 $0x40;
	s11 =	simm.s32 $0x0;
	[sflag:s9] =	ssyncadd.s32 $0xFFFFFE00  }
.LBB2_36:
0x12b: {  	p0 =	sne.s32 s30, $0x7C0;
	v0 =	vld [tilespmem:s11+$0x2200];
	_ =	sdelay $0x1  }
.Ltmp17:
0x12c: {  	(pc) =	sbr.rel @p0 .LBB2_36-.Ltmp17, $3  }
0x12d: {  	_ =	sdelay $0x1  }
0x12e: {  	v0 =	vadd.s32 $0x9FA1E, v0  }
0x12f: {  	[tilespmem:s11+$0x2200] =	vst v0;
	s11 =	sshra.s32 s30, $0x2;
	s30 =	sadd.s32 $0x40, s30  }
0x130: {  	v0 =	vld [tilespmem:s11+$0x2200];
	_ =	sdelay $0x4  }
0x131: {  	v0 =	vadd.s32 $0x9FA1E, v0  }
0x132: {  	[tilespmem:s11+$0x2200] =	vst v0  }
0x133: {  	[tilespmem:s28], [sflag:$0x1] =	stream.indirect.gather.add.f32 [hbm:s4], $0x10, s21, s5, $0xb8;
	[tilespmem:$0x5410] =	vst v63  }
0x134: {  	_ =	swait.ge [sflag:s9], $0x200  }
0x135: {  	[sflag:s9] =	ssyncset.done $0x0  }
0x136: {  	s30 =	simm.s32 $0x40;
	s11 =	simm.s32 $0x0;
	[sflag:s9] =	ssyncadd.s32 $0xFFFFFE00  }
.LBB2_38:
0x137: {  	p0 =	sne.s32 s30, $0x7C0;
	v0 =	vld [tilespmem:s11+$0x2400];
	_ =	sdelay $0x1  }
.Ltmp18:
0x138: {  	(pc) =	sbr.rel @p0 .LBB2_38-.Ltmp18, $3  }
0x139: {  	_ =	sdelay $0x1  }
0x13a: {  	v0 =	vadd.s32 $0xA905C, v0  }
0x13b: {  	[tilespmem:s11+$0x2400] =	vst v0;
	s11 =	sshra.s32 s30, $0x2;
	s30 =	sadd.s32 $0x40, s30  }
0x13c: {  	v0 =	vld [tilespmem:s11+$0x2400];
	_ =	sdelay $0x4  }
0x13d: {  	v0 =	vadd.s32 $0xA905C, v0  }
0x13e: {  	[tilespmem:s11+$0x2400] =	vst v0  }
0x13f: {  	[tilespmem:s28], [sflag:$0x1] =	stream.indirect.gather.add.f32 [hbm:s4], $0x10, s22, s5, $0xb8;
	[tilespmem:$0x5410] =	vst v63  }
0x140: {  	_ =	swait.ge [sflag:s9], $0x200  }
0x141: {  	[sflag:s9] =	ssyncset.done $0x0  }
0x142: {  	s30 =	simm.s32 $0x40;
	s11 =	simm.s32 $0x0;
	[sflag:s9] =	ssyncadd.s32 $0xFFFFFE00  }
.LBB2_40:
0x143: {  	p0 =	sne.s32 s30, $0x7C0;
	v0 =	vld [tilespmem:s11+$0x2600];
	_ =	sdelay $0x1  }
.Ltmp19:
0x144: {  	(pc) =	sbr.rel @p0 .LBB2_40-.Ltmp19, $3  }
0x145: {  	_ =	sdelay $0x1  }
0x146: {  	v0 =	vadd.s32 $0xB269A, v0  }
0x147: {  	[tilespmem:s11+$0x2600] =	vst v0;
	s11 =	sshra.s32 s30, $0x2;
	s30 =	sadd.s32 $0x40, s30  }
0x148: {  	v0 =	vld [tilespmem:s11+$0x2600];
	_ =	sdelay $0x4  }
0x149: {  	v0 =	vadd.s32 $0xB269A, v0  }
0x14a: {  	[tilespmem:s11+$0x2600] =	vst v0  }
0x14b: {  	[tilespmem:s28], [sflag:$0x1] =	stream.indirect.gather.add.f32 [hbm:s4], $0x10, s23, s5, $0xb8;
	[tilespmem:$0x5410] =	vst v63  }
0x14c: {  	_ =	swait.ge [sflag:s9], $0x200  }
0x14d: {  	[sflag:s9] =	ssyncset.done $0x0  }
0x14e: {  	s30 =	simm.s32 $0x40;
	s11 =	simm.s32 $0x0;
	[sflag:s9] =	ssyncadd.s32 $0xFFFFFE00  }
.LBB2_42:
0x14f: {  	p0 =	sne.s32 s30, $0x7C0;
	v0 =	vld [tilespmem:s11+$0x2800];
	_ =	sdelay $0x1  }
.Ltmp20:
0x150: {  	(pc) =	sbr.rel @p0 .LBB2_42-.Ltmp20, $3  }
0x151: {  	_ =	sdelay $0x1  }
0x152: {  	v0 =	vadd.s32 $0xBBCD8, v0  }
0x153: {  	[tilespmem:s11+$0x2800] =	vst v0;
	s11 =	sshra.s32 s30, $0x2;
	s30 =	sadd.s32 $0x40, s30  }
0x154: {  	v0 =	vld [tilespmem:s11+$0x2800];
	_ =	sdelay $0x4  }
0x155: {  	v0 =	vadd.s32 $0xBBCD8, v0  }
0x156: {  	[tilespmem:s11+$0x2800] =	vst v0  }
0x157: {  	[tilespmem:s28], [sflag:$0x1] =	stream.indirect.gather.add.f32 [hbm:s4], $0x10, s6, s5, $0xb8;
	[tilespmem:$0x5410] =	vst v63  }
0x158: {  	_ =	swait.ge [sflag:s9], $0x200  }
0x159: {  	[sflag:s9] =	ssyncset.done $0x0  }
0x15a: {  	s30 =	simm.s32 $0x40;
	s11 =	simm.s32 $0x0;
	[sflag:s9] =	ssyncadd.s32 $0xFFFFFE00  }
.LBB2_44:
0x15b: {  	p0 =	sne.s32 s30, $0x7C0;
	v0 =	vld [tilespmem:s11+$0x2A00];
	_ =	sdelay $0x1  }
.Ltmp21:
0x15c: {  	(pc) =	sbr.rel @p0 .LBB2_44-.Ltmp21, $3  }
0x15d: {  	_ =	sdelay $0x1  }
0x15e: {  	v0 =	vadd.s32 $0xC5316, v0  }
0x15f: {  	[tilespmem:s11+$0x2A00] =	vst v0;
	s11 =	sshra.s32 s30, $0x2;
	s30 =	sadd.s32 $0x40, s30  }
0x160: {  	v0 =	vld [tilespmem:s11+$0x2A00];
	_ =	sdelay $0x4  }
0x161: {  	v0 =	vadd.s32 $0xC5316, v0  }
0x162: {  	[tilespmem:s11+$0x2A00] =	vst v0  }
0x163: {  	[tilespmem:s28], [sflag:$0x1] =	stream.indirect.gather.add.f32 [hbm:s4], $0x10, s24, s5, $0xb8;
	[tilespmem:$0x5410] =	vst v63  }
0x164: {  	_ =	swait.ge [sflag:s9], $0x200  }
0x165: {  	[sflag:s9] =	ssyncset.done $0x0  }
0x166: {  	s30 =	simm.s32 $0x40;
	s11 =	simm.s32 $0x0;
	[sflag:s9] =	ssyncadd.s32 $0xFFFFFE00  }
.LBB2_46:
0x167: {  	p0 =	sne.s32 s30, $0x7C0;
	v0 =	vld [tilespmem:s11+$0x2C00];
	_ =	sdelay $0x1  }
.Ltmp22:
0x168: {  	(pc) =	sbr.rel @p0 .LBB2_46-.Ltmp22, $3  }
0x169: {  	_ =	sdelay $0x1  }
0x16a: {  	v0 =	vadd.s32 $0xCE954, v0  }
0x16b: {  	[tilespmem:s11+$0x2C00] =	vst v0;
	s11 =	sshra.s32 s30, $0x2;
	s30 =	sadd.s32 $0x40, s30  }
0x16c: {  	v0 =	vld [tilespmem:s11+$0x2C00];
	_ =	sdelay $0x4  }
0x16d: {  	v0 =	vadd.s32 $0xCE954, v0  }
0x16e: {  	[tilespmem:s11+$0x2C00] =	vst v0  }
0x16f: {  	[tilespmem:s28], [sflag:$0x1] =	stream.indirect.gather.add.f32 [hbm:s4], $0x10, s7, s5, $0xb8;
	[tilespmem:$0x5410] =	vst v63  }
0x170: {  	_ =	swait.ge [sflag:s9], $0x200  }
0x171: {  	[sflag:s9] =	ssyncset.done $0x0  }
0x172: {  	s30 =	simm.s32 $0x40;
	s11 =	simm.s32 $0x0;
	[sflag:s9] =	ssyncadd.s32 $0xFFFFFE00  }
.LBB2_48:
0x173: {  	p0 =	sne.s32 s30, $0x7C0;
	v0 =	vld [tilespmem:s11+$0x2E00];
	_ =	sdelay $0x1  }
.Ltmp23:
0x174: {  	(pc) =	sbr.rel @p0 .LBB2_48-.Ltmp23, $3  }
0x175: {  	_ =	sdelay $0x1  }
0x176: {  	v0 =	vadd.s32 $0xD7F92, v0  }
0x177: {  	[tilespmem:s11+$0x2E00] =	vst v0;
	s11 =	sshra.s32 s30, $0x2;
	s30 =	sadd.s32 $0x40, s30  }
0x178: {  	v0 =	vld [tilespmem:s11+$0x2E00];
	_ =	sdelay $0x4  }
0x179: {  	v0 =	vadd.s32 $0xD7F92, v0  }
0x17a: {  	[tilespmem:s11+$0x2E00] =	vst v0  }
0x17b: {  	[tilespmem:s28], [sflag:$0x1] =	stream.indirect.gather.add.f32 [hbm:s4], $0x10, s25, s5, $0xb8;
	[tilespmem:$0x5410] =	vst v63  }
0x17c: {  	_ =	swait.ge [sflag:s9], $0x200  }
0x17d: {  	[sflag:s9] =	ssyncset.done $0x0  }
0x17e: {  	s30 =	simm.s32 $0x40;
	s11 =	simm.s32 $0x0;
	[sflag:s9] =	ssyncadd.s32 $0xFFFFFE00  }
.LBB2_50:
0x17f: {  	p0 =	sne.s32 s30, $0x7C0;
	v0 =	vld [tilespmem:s11+$0x3000];
	_ =	sdelay $0x1  }
.Ltmp24:
0x180: {  	(pc) =	sbr.rel @p0 .LBB2_50-.Ltmp24, $3  }
0x181: {  	_ =	sdelay $0x1  }
0x182: {  	v0 =	vadd.s32 $0xE15D0, v0  }
0x183: {  	[tilespmem:s11+$0x3000] =	vst v0;
	s11 =	sshra.s32 s30, $0x2;
	s30 =	sadd.s32 $0x40, s30  }
0x184: {  	v0 =	vld [tilespmem:s11+$0x3000];
	_ =	sdelay $0x4  }
0x185: {  	v0 =	vadd.s32 $0xE15D0, v0  }
0x186: {  	[tilespmem:s11+$0x3000] =	vst v0  }
0x187: {  	[tilespmem:s28], [sflag:$0x1] =	stream.indirect.gather.add.f32 [hbm:s4], $0x10, s8, s5, $0xb8;
	[tilespmem:$0x5410] =	vst v63  }
0x188: {  	_ =	swait.ge [sflag:s9], $0x200  }
0x189: {  	[sflag:s9] =	ssyncset.done $0x0  }
0x18a: {  	s30 =	simm.s32 $0x40;
	s11 =	simm.s32 $0x0;
	[sflag:s9] =	ssyncadd.s32 $0xFFFFFE00  }
.LBB2_52:
0x18b: {  	p0 =	sne.s32 s30, $0x7C0;
	v0 =	vld [tilespmem:s11+$0x3200];
	_ =	sdelay $0x1  }
.Ltmp25:
0x18c: {  	(pc) =	sbr.rel @p0 .LBB2_52-.Ltmp25, $3  }
0x18d: {  	_ =	sdelay $0x1  }
0x18e: {  	v0 =	vadd.s32 $0xEAC0E, v0  }
0x18f: {  	[tilespmem:s11+$0x3200] =	vst v0;
	s11 =	sshra.s32 s30, $0x2;
	s30 =	sadd.s32 $0x40, s30  }
0x190: {  	v0 =	vld [tilespmem:s11+$0x3200];
	_ =	sdelay $0x4  }
0x191: {  	v0 =	vadd.s32 $0xEAC0E, v0  }
0x192: {  	[tilespmem:s11+$0x3200] =	vst v0  }
0x193: {  	[tilespmem:s28], [sflag:$0x1] =	stream.indirect.gather.add.f32 [hbm:s4], $0x10, s26, s5, $0xb8;
	[tilespmem:$0x5410] =	vst v63  }
0x194: {  	_ =	swait.ge [sflag:s10], $0x2000  }
0x195: {  	[sflag:s10] =	ssyncset.done $0x0  }
0x196: {  	[sflag:s10] =	ssyncadd.s32 $0xFFFFE000  }
0x197: {  	_ =	swait.ge [sflag:s10], $0x2000  }
0x198: {  	[sflag:s10] =	ssyncset.done $0x0  }
0x199: {  	[sflag:s10] =	ssyncadd.s32 $0xFFFFE000  }
0x19a: {  	_ =	swait.ge [sflag:s10], $0x2000  }
0x19b: {  	[sflag:s10] =	ssyncset.done $0x0  }
0x19c: {  	[sflag:s10] =	ssyncadd.s32 $0xFFFFE000  }
0x19d: {  	_ =	swait.ge [sflag:s10], $0x2000  }
0x19e: {  	[sflag:s10] =	ssyncset.done $0x0  }
0x19f: {  	[sflag:s10] =	ssyncadd.s32 $0xFFFFE000  }
0x1a0: {  	_ =	swait.ge [sflag:s10], $0x2000  }
0x1a1: {  	[sflag:s10] =	ssyncset.done $0x0  }
0x1a2: {  	[sflag:s10] =	ssyncadd.s32 $0xFFFFE000  }
0x1a3: {  	_ =	swait.ge [sflag:s10], $0x2000  }
0x1a4: {  	[sflag:s10] =	ssyncset.done $0x0  }
0x1a5: {  	[sflag:s10] =	ssyncadd.s32 $0xFFFFE000  }
0x1a6: {  	_ =	swait.ge [sflag:s10], $0x2000  }
0x1a7: {  	[sflag:s10] =	ssyncset.done $0x0  }
0x1a8: {  	[sflag:s10] =	ssyncadd.s32 $0xFFFFE000  }
0x1a9: {  	_ =	swait.ge [sflag:s10], $0x2000  }
0x1aa: {  	[sflag:s10] =	ssyncset.done $0x0  }
0x1ab: {  	[sflag:s10] =	ssyncadd.s32 $0xFFFFE000  }
0x1ac: {  	_ =	swait.ge [sflag:s10], $0x2000  }
0x1ad: {  	[sflag:s10] =	ssyncset.done $0x0  }
0x1ae: {  	[sflag:s10] =	ssyncadd.s32 $0xFFFFE000  }
0x1af: {  	_ =	swait.ge [sflag:s10], $0x2000  }
0x1b0: {  	[sflag:s10] =	ssyncset.done $0x0  }
0x1b1: {  	[sflag:s10] =	ssyncadd.s32 $0xFFFFE000  }
0x1b2: {  	_ =	swait.ge [sflag:s10], $0x2000  }
0x1b3: {  	[sflag:s10] =	ssyncset.done $0x0  }
0x1b4: {  	[sflag:s10] =	ssyncadd.s32 $0xFFFFE000  }
0x1b5: {  	_ =	swait.ge [sflag:s10], $0x2000  }
0x1b6: {  	[sflag:s10] =	ssyncset.done $0x0  }
0x1b7: {  	[sflag:s10] =	ssyncadd.s32 $0xFFFFE000  }
0x1b8: {  	_ =	swait.ge [sflag:s10], $0x2000  }
0x1b9: {  	[sflag:s10] =	ssyncset.done $0x0  }
0x1ba: {  	[sflag:s10] =	ssyncadd.s32 $0xFFFFE000  }
0x1bb: {  	_ =	swait.ge [sflag:s10], $0x2000  }
0x1bc: {  	[sflag:s10] =	ssyncset.done $0x0  }
0x1bd: {  	[sflag:s10] =	ssyncadd.s32 $0xFFFFE000  }
0x1be: {  	_ =	swait.ge [sflag:s10], $0x2000  }
0x1bf: {  	[sflag:s10] =	ssyncset.done $0x0  }
0x1c0: {  	[sflag:s10] =	ssyncadd.s32 $0xFFFFE000  }
0x1c1: {  	_ =	swait.ge [sflag:s10], $0x2000  }
0x1c2: {  	[sflag:s10] =	ssyncset.done $0x0  }
0x1c3: {  	[sflag:s10] =	ssyncadd.s32 $0xFFFFE000  }
0x1c4: {  	_ =	swait.ge [sflag:s10], $0x2000  }
0x1c5: {  	[sflag:s10] =	ssyncset.done $0x0  }
0x1c6: {  	[sflag:s10] =	ssyncadd.s32 $0xFFFFE000  }
0x1c7: {  	_ =	swait.ge [sflag:s10], $0x2000  }
0x1c8: {  	[sflag:s10] =	ssyncset.done $0x0  }
0x1c9: {  	[sflag:s10] =	ssyncadd.s32 $0xFFFFE000  }
0x1ca: {  	_ =	swait.ge [sflag:s10], $0x2000  }
0x1cb: {  	[sflag:s10] =	ssyncset.done $0x0  }
0x1cc: {  	[sflag:s10] =	ssyncadd.s32 $0xFFFFE000  }
0x1cd: {  	_ =	swait.ge [sflag:s10], $0x2000  }
0x1ce: {  	[sflag:s10] =	ssyncset.done $0x0  }
0x1cf: {  	[sflag:s10] =	ssyncadd.s32 $0xFFFFE000  }
0x1d0: {  	_ =	swait.ge [sflag:s10], $0x2000  }
0x1d1: {  	[sflag:s10] =	ssyncset.done $0x0  }
0x1d2: {  	[sflag:s10] =	ssyncadd.s32 $0xFFFFE000  }
0x1d3: {  	_ =	swait.ge [sflag:s10], $0x2000  }
0x1d4: {  	[sflag:s10] =	ssyncset.done $0x0  }
0x1d5: {  	[sflag:s10] =	ssyncadd.s32 $0xFFFFE000  }
0x1d6: {  	_ =	swait.ge [sflag:s10], $0x2000  }
0x1d7: {  	[sflag:s10] =	ssyncset.done $0x0  }
0x1d8: {  	[sflag:s10] =	ssyncadd.s32 $0xFFFFE000  }
0x1d9: {  	_ =	swait.ge [sflag:s10], $0x2000  }
0x1da: {  	[sflag:s10] =	ssyncset.done $0x0  }
0x1db: {  	[sflag:s10] =	ssyncadd.s32 $0xFFFFE000  }
0x1dc: {  	_ =	swait.ge [sflag:s10], $0x2000  }
0x1dd: {  	[sflag:s10] =	ssyncset.done $0x0  }
0x1de: {  	[sflag:s10] =	ssyncadd.s32 $0xFFFFE000  }
0x1df: {  	s29 =	sadd.s32 $0x1, s29;
	_ =	swait.ge [sflag:s10], $0x2000  }
0x1e0: {  	p0 =	sne.s32 s29, s1;
	[sflag:s10] =	ssyncset.done $0x0  }
.Ltmp26:
0x1e1: {  	s30 =	rddreg [dreg:$0x15];
	[sflag:s10] =	ssyncadd.s32 $0xFFFFE000;
	(pc) =	sbr.rel @p0 .LBB2_1-.Ltmp26, $4  }
0x1e2: {  	[hbm4b:s30+s3] =	stream.linear.scatter [tilespmem:s28], [sflag:$0x3], $0x2000, $0x38;
	[tilespmem:$0x5410] =	vst v63  }
0x1e3: {  	_ =	swait.ge [sflag:s2], $0x2000  }
0x1e4: {  	[sflag:s2] =	ssyncset.done $0x0  }
0x1e5: {  	[sflag:s2] =	ssyncadd.s32 $0xFFFFE000  }
0x1e6: {  	_ =	sfence.sel $0x180000  }
0x1e7: {  	[bflag:$0x0] =	sbarrier.arrive $0xFFFF  }
0x1e8: {  	_ =	strace $0x90000047  }
0x1e9: {  	s0 =	stileid.u32;
	[bflag:$0x2] =	sbarrier.arrive $0xFFFF  }
0x1ea: {  	p0 =	sne.s32 s0, $0x0;
	s0 =	rddreg [dreg:$0x3]  }
0x1eb: {  	s0 =	sadd.s32 @!p0 $0x100000, s0  }
0x1ec: {  	[sflag:s0] =	ssyncadd.tile.s32 @!p0 $0x1;
	_ =	shalt  }
.Lfunc_end2:
_tile_overlayer_lowered:
.L_overlay_start_2:
0x1ed: {  	(tag) =	ssettag $0x2  }
0x1ee: {  	s0 =	rddreg [dreg:$0x0];
	s2 =	stileid.u32  }
0x1ef: {  	s1 =	rddreg [dreg:$0x1];
	p0 =	sne.s32 s2, $0x0  }
0x1f0: {  	s3 =	rddreg [dreg:$0x2];
	[bflag:$0x3] =	sbarrier.arrive $0xFFFF;
	s2 =	simm.s32 @!p0 $0x1C03  }
0x1f1: {  	[timem:s3], [sflag:s2] =	dma.local @!p0 [hbm:s0], s1  }
0x1f2: {  	s0 =	simm.s32 @!p0 $0x3  }
0x1f3: {  	_ =	swait.ge @!p0 [sflag:s0], s1  }
0x1f4: {  	s1 =	ssub.s32 @!p0 $0x0, s1;
	[sflag:s0] =	ssyncset.done @!p0 $0x0  }
0x1f5: {  	[sflag:s0] =	ssyncadd.s32 @!p0 s1  }
0x1f6: {  	[bflag:$0x3] =	sbarrier.arrive $0xFFFF  }
0x1f7: {  	_ =	shalt  }

</sc_bundles>
